<compile_context>
chip_gen: v7x
topology: tpu7x:2x2x1
jax: 0.10.2.dev20260603
libtpu: 0.0.44.dev20260713+nightly
codegen_flags: <defaults>
</compile_context>

<pallas_src>
import functools

import jax
import jax.numpy as jnp
from jax import lax
from jax.experimental import pallas as pl
from jax.experimental.pallas import tpu as pltpu
from jax.experimental.pallas import tpu_sc as plsc

_N, _D = 16384, 512
_NUM_IV = 128
_NC, _NS, _L = 2, 16, 16
_NW = _NC * _NS
_ROWS_W = _N // _NW
_CHUNK = 32
_NCHUNK = _ROWS_W // _CHUNK
_G = _NUM_IV // _L

_mesh = plsc.VectorSubcoreMesh(core_axis_name="c", subcore_axis_name="s")


@functools.partial(
    pl.kernel,
    out_type=jax.ShapeDtypeStruct((_N, _D), jnp.float32),
    mesh=_mesh,
    scratch_types=[
        pltpu.VMEM((_CHUNK, _D), jnp.float32),
        pltpu.VMEM((_CHUNK, _D), jnp.float32),
        pltpu.VMEM((_CHUNK, _D), jnp.float32),
        pltpu.VMEM((_CHUNK, _D), jnp.float32),
        pltpu.VMEM((_CHUNK, _D), jnp.float32),
        pltpu.VMEM((_CHUNK, _D), jnp.float32),
        pltpu.VMEM((_NUM_IV,), jnp.int32),
        pltpu.SemaphoreType.DMA,
        pltpu.SemaphoreType.DMA,
        pltpu.SemaphoreType.DMA,
        pltpu.SemaphoreType.DMA,
        pltpu.SemaphoreType.DMA,
        pltpu.SemaphoreType.DMA,
    ],
    compiler_params=pltpu.CompilerParams(
        use_tc_tiling_on_sc=True, needs_layout_passes=False
    ),
)
def _sc_intervene(x_hbm, c_hbm, idx_hbm, out_hbm, ob0, ob1, ob2,
                  cb0, cb1, cb2, idxb, si0, si1, si2, so0, so1, so2):
    wid = lax.axis_index("s") * _NC + lax.axis_index("c")
    base = wid * _ROWS_W
    pltpu.sync_copy(idx_hbm, idxb)
    colvs = [idxb[pl.ds(g * _L, _L)] for g in range(_G)]

    obs, cbs = (ob0, ob1, ob2), (cb0, cb1, cb2)
    sis, sos = (si0, si1, si2), (so0, so1, so2)

    def in_copies(k, s):
        r0 = base + k * _CHUNK
        return (
            pltpu.make_async_copy(x_hbm.at[pl.ds(r0, _CHUNK)], obs[s], sis[s]),
            pltpu.make_async_copy(c_hbm.at[pl.ds(r0, _CHUNK)], cbs[s], sis[s]),
        )

    def out_copy(k, s):
        r0 = base + k * _CHUNK
        return pltpu.make_async_copy(obs[s], out_hbm.at[pl.ds(r0, _CHUNK)], sos[s])

    def compute(s):
        ob, cb = obs[s], cbs[s]

        def row_body(r, c):
            rv = jnp.full((_L,), r, jnp.int32)
            for g in range(_G):
                v = plsc.load_gather(cb, [rv, colvs[g]])
                plsc.store_scatter(ob, [rv, colvs[g]], v)
            return c

        lax.fori_loop(0, _CHUNK, row_body, 0)

    for kk in (0, 1):
        for c in in_copies(kk, kk % 3):
            c.start()
    for k in range(_NCHUNK):
        s = k % 3
        for c in in_copies(k, s):
            c.wait()
        compute(s)
        out_copy(k, s).start()
        if k + 2 < _NCHUNK:
            if k >= 1:
                out_copy(k - 1, (k - 1) % 3).wait()
            for c in in_copies(k + 2, (k + 2) % 3):
                c.start()
    for kk in (_NCHUNK - 3, _NCHUNK - 2, _NCHUNK - 1):
        out_copy(kk, kk % 3).wait()


def _intervention_idx():
    perm = jax.random.permutation(jax.random.key(42), _D)
    return perm[:_NUM_IV].astype(jnp.int32)


def kernel(x, concepts):
    return _sc_intervene(x, concepts, _intervention_idx())

# --- scband reference (transcript-rebuilt; emitter-appended) ---
"""Pipeline reference for scband-positive-intervention-24962349924627 (READ-ONLY COPY).

The authoritative reference and input builder live on the scoring server;
editing this copy changes nothing except your own understanding.
"""

import jax, jax.numpy as jnp
import numpy as np

NUM_INTERVENTIONS = 128
IS_WHITENING = False  # model_type != ConceptWhiteningModel

def setup_inputs(seed: int = 0) -> dict:
    key = jax.random.key(seed)
    k1, k2 = jax.random.split(key)
    x = jax.random.normal(k1, (16384, 512), dtype=jnp.float32)
    concepts = jax.random.uniform(k2, (16384, 512), dtype=jnp.float32)
    return {"x": x, "concepts": concepts}

def reference(x, concepts):
    if IS_WHITENING:
        concepts = 2 * concepts - 1
    concept_dim = concepts.shape[-1]
    # torch.randperm(concept_dim)[:num_interventions] analogue (fixed key for determinism)
    perm = jax.random.permutation(jax.random.key(42), concept_dim)
    intervention_idx = perm[:NUM_INTERVENTIONS]
    # x[:, idx] = concepts[:, idx]  -> scatter-overwrite along columns
    x = x.at[:, intervention_idx].set(concepts[:, intervention_idx])
    return x

if __name__ == "__main__":
    import jax
    _d = setup_inputs()
    print(jax.jit(kernel)(*tuple(_d.values())))

</pallas_src>

<mosaic_0001>
#map = affine_map<(d0, d1) -> (0, 0)>
#map1 = affine_map<(d0, d1) -> (0)>
module attributes {stable_mosaic.version = 14 : i64} {
  func.func @_sc_intervene(%arg0: i32, %arg1: i32, %arg2: memref<16384x512xf32, #tpu.memory_space<hbm>>, %arg3: memref<16384x512xf32, #tpu.memory_space<hbm>>, %arg4: memref<128xi32, #tpu.memory_space<hbm>>, %arg5: memref<16384x512xf32, #tpu.memory_space<hbm>>, %arg6: memref<32x512xf32, #tpu.memory_space<vmem>>, %arg7: memref<32x512xf32, #tpu.memory_space<vmem>>, %arg8: memref<32x512xf32, #tpu.memory_space<vmem>>, %arg9: memref<32x512xf32, #tpu.memory_space<vmem>>, %arg10: memref<32x512xf32, #tpu.memory_space<vmem>>, %arg11: memref<32x512xf32, #tpu.memory_space<vmem>>, %arg12: memref<128xi32, #tpu.memory_space<vmem>>, %arg13: memref<!tpu.dma_semaphore, #tpu.memory_space<semaphore_mem>>, %arg14: memref<!tpu.dma_semaphore, #tpu.memory_space<semaphore_mem>>, %arg15: memref<!tpu.dma_semaphore, #tpu.memory_space<semaphore_mem>>, %arg16: memref<!tpu.dma_semaphore, #tpu.memory_space<semaphore_mem>>, %arg17: memref<!tpu.dma_semaphore, #tpu.memory_space<semaphore_mem>>, %arg18: memref<!tpu.dma_semaphore, #tpu.memory_space<semaphore_mem>>) attributes {dimension_semantics = [#tpu.dimension_semantics<core_parallel>, #tpu.dimension_semantics<subcore_parallel>], iteration_bounds = array<i64: 2, 16>, scalar_prefetch = 0 : i64, scratch_operands = 13 : i64, tpu.core_type = #tpu.core_type<sc_vector_subcore>, window_params = [{transform_indices = #map}, {transform_indices = #map}, {transform_indices = #map1}, {transform_indices = #map}]} {
    %mul3A = arith.constant 2 : i32
    %mul3A_0 = arith.muli %arg1, %mul3A : i32
    %add3A = arith.addi %mul3A_0, %arg0 : i32
    %mul3A_1 = arith.constant 512 : i32
    %mul3A_2 = arith.muli %add3A, %mul3A_1 : i32
    "tpu.region"() ({
      %run_scoped3A = tpu.sem_alloc : memref<!tpu.dma_semaphore, #tpu.memory_space<semaphore_mem>>
      tpu.enqueue_dma source(%arg4 : memref<128xi32, #tpu.memory_space<hbm>>) target(%arg12 : memref<128xi32, #tpu.memory_space<vmem>>) target_semaphore(%run_scoped3A : memref<!tpu.dma_semaphore, #tpu.memory_space<semaphore_mem>>)
      tpu.wait_dma2 semaphore(%run_scoped3A : memref<!tpu.dma_semaphore, #tpu.memory_space<semaphore_mem>>) src(%arg4 : memref<128xi32, #tpu.memory_space<hbm>>) dst(%arg12 : memref<128xi32, #tpu.memory_space<vmem>>)
      tpu.yield
    }) : () -> ()
    %get3A = arith.constant 0 : index
    %get3A_3 = tpu.vector_load %arg12[%get3A] {strides = array<i32>} : memref<128xi32, #tpu.memory_space<vmem>>, vector<16xi32>,
    %get3A_4 = arith.constant 16 : index
    %get3A_5 = tpu.vector_load %arg12[%get3A_4] {strides = array<i32>} : memref<128xi32, #tpu.memory_space<vmem>>, vector<16xi32>,
    %get3A_6 = arith.constant 32 : index
    %get3A_7 = tpu.vector_load %arg12[%get3A_6] {strides = array<i32>} : memref<128xi32, #tpu.memory_space<vmem>>, vector<16xi32>,
    %get3A_8 = arith.constant 48 : index
    %get3A_9 = tpu.vector_load %arg12[%get3A_8] {strides = array<i32>} : memref<128xi32, #tpu.memory_space<vmem>>, vector<16xi32>,
    %get3A_10 = arith.constant 64 : index
    %get3A_11 = tpu.vector_load %arg12[%get3A_10] {strides = array<i32>} : memref<128xi32, #tpu.memory_space<vmem>>, vector<16xi32>,
    %get3A_12 = arith.constant 80 : index
    %get3A_13 = tpu.vector_load %arg12[%get3A_12] {strides = array<i32>} : memref<128xi32, #tpu.memory_space<vmem>>, vector<16xi32>,
    %get3A_14 = arith.constant 96 : index
    %get3A_15 = tpu.vector_load %arg12[%get3A_14] {strides = array<i32>} : memref<128xi32, #tpu.memory_space<vmem>>, vector<16xi32>,
    %get3A_16 = arith.constant 112 : index
    %get3A_17 = tpu.vector_load %arg12[%get3A_16] {strides = array<i32>} : memref<128xi32, #tpu.memory_space<vmem>>, vector<16xi32>,
    %add3A_18 = arith.constant 0 : i32
    %add3A_19 = arith.addi %mul3A_2, %add3A_18 : i32
    %dma_start3A = arith.constant 0 : i32
    %dma_start3A_20 = tpu.memref_slice %arg2[%add3A_19, %dma_start3A] : memref<16384x512xf32, #tpu.memory_space<hbm>> -> memref<32x512xf32, #tpu.memory_space<hbm>>
    %dma_start3A_21 = arith.constant 0 : i32
    %dma_start3A_22 = tpu.memref_slice %arg2[%add3A_19, %dma_start3A_21] : memref<16384x512xf32, #tpu.memory_space<hbm>> -> memref<32x512xf32, #tpu.memory_space<hbm>>
    tpu.enqueue_dma source(%dma_start3A_22 : memref<32x512xf32, #tpu.memory_space<hbm>>) target(%arg6 : memref<32x512xf32, #tpu.memory_space<vmem>>) target_semaphore(%arg13 : memref<!tpu.dma_semaphore, #tpu.memory_space<semaphore_mem>>)
    %dma_start3A_23 = arith.constant 0 : i32
    %dma_start3A_24 = tpu.memref_slice %arg3[%add3A_19, %dma_start3A_23] : memref<16384x512xf32, #tpu.memory_space<hbm>> -> memref<32x512xf32, #tpu.memory_space<hbm>>
    %dma_start3A_25 = arith.constant 0 : i32
    %dma_start3A_26 = tpu.memref_slice %arg3[%add3A_19, %dma_start3A_25] : memref<16384x512xf32, #tpu.memory_space<hbm>> -> memref<32x512xf32, #tpu.memory_space<hbm>>
    tpu.enqueue_dma source(%dma_start3A_26 : memref<32x512xf32, #tpu.memory_space<hbm>>) target(%arg9 : memref<32x512xf32, #tpu.memory_space<vmem>>) target_semaphore(%arg13 : memref<!tpu.dma_semaphore, #tpu.memory_space<semaphore_mem>>)
    %add3A_27 = arith.constant 32 : i32
    %add3A_28 = arith.addi %mul3A_2, %add3A_27 : i32
    %dma_start3A_29 = arith.constant 0 : i32
    %dma_start3A_30 = tpu.memref_slice %arg2[%add3A_28, %dma_start3A_29] : memref<16384x512xf32, #tpu.memory_space<hbm>> -> memref<32x512xf32, #tpu.memory_space<hbm>>
    %dma_start3A_31 = arith.constant 0 : i32
    %dma_start3A_32 = tpu.memref_slice %arg2[%add3A_28, %dma_start3A_31] : memref<16384x512xf32, #tpu.memory_space<hbm>> -> memref<32x512xf32, #tpu.memory_space<hbm>>
    tpu.enqueue_dma source(%dma_start3A_32 : memref<32x512xf32, #tpu.memory_space<hbm>>) target(%arg7 : memref<32x512xf32, #tpu.memory_space<vmem>>) target_semaphore(%arg14 : memref<!tpu.dma_semaphore, #tpu.memory_space<semaphore_mem>>)
    %dma_start3A_33 = arith.constant 0 : i32
    %dma_start3A_34 = tpu.memref_slice %arg3[%add3A_28, %dma_start3A_33] : memref<16384x512xf32, #tpu.memory_space<hbm>> -> memref<32x512xf32, #tpu.memory_space<hbm>>
    %dma_start3A_35 = arith.constant 0 : i32
    %dma_start3A_36 = tpu.memref_slice %arg3[%add3A_28, %dma_start3A_35] : memref<16384x512xf32, #tpu.memory_space<hbm>> -> memref<32x512xf32, #tpu.memory_space<hbm>>
    tpu.enqueue_dma source(%dma_start3A_36 : memref<32x512xf32, #tpu.memory_space<hbm>>) target(%arg10 : memref<32x512xf32, #tpu.memory_space<vmem>>) target_semaphore(%arg14 : memref<!tpu.dma_semaphore, #tpu.memory_space<semaphore_mem>>)
    %add3A_37 = arith.constant 0 : i32
    %add3A_38 = arith.addi %mul3A_2, %add3A_37 : i32
    %dma_wait3A = arith.constant 0 : i32
    %dma_wait3A_39 = tpu.memref_slice %arg2[%add3A_38, %dma_wait3A] : memref<16384x512xf32, #tpu.memory_space<hbm>> -> memref<32x512xf32, #tpu.memory_space<hbm>>
    %dma_wait3A_40 = arith.constant 0 : i32
    %dma_wait3A_41 = tpu.memref_slice %arg2[%add3A_38, %dma_wait3A_40] : memref<16384x512xf32, #tpu.memory_space<hbm>> -> memref<32x512xf32, #tpu.memory_space<hbm>>
    tpu.wait_dma2 semaphore(%arg13 : memref<!tpu.dma_semaphore, #tpu.memory_space<semaphore_mem>>) src(%dma_wait3A_41 : memref<32x512xf32, #tpu.memory_space<hbm>>) dst(%arg6 : memref<32x512xf32, #tpu.memory_space<vmem>>)
    %dma_wait3A_42 = arith.constant 0 : i32
    %dma_wait3A_43 = tpu.memref_slice %arg3[%add3A_38, %dma_wait3A_42] : memref<16384x512xf32, #tpu.memory_space<hbm>> -> memref<32x512xf32, #tpu.memory_space<hbm>>
    %dma_wait3A_44 = arith.constant 0 : i32
    %dma_wait3A_45 = tpu.memref_slice %arg3[%add3A_38, %dma_wait3A_44] : memref<16384x512xf32, #tpu.memory_space<hbm>> -> memref<32x512xf32, #tpu.memory_space<hbm>>
    tpu.wait_dma2 semaphore(%arg13 : memref<!tpu.dma_semaphore, #tpu.memory_space<semaphore_mem>>) src(%dma_wait3A_45 : memref<32x512xf32, #tpu.memory_space<hbm>>) dst(%arg9 : memref<32x512xf32, #tpu.memory_space<vmem>>)
    %scan3A = arith.constant 0 : i32
    %scan3A_46 = arith.constant 0 : i32
    %scan3A_47 = arith.constant 32 : i32
    %scan3A_48 = arith.addi %scan3A_46, %scan3A_47 : i32
    %scan3A_49 = arith.constant 1 : i32
    scf.for %scan3A_623 = %scan3A_46 to %scan3A_48 step %scan3A_49  : i32 {
      %broadcast_in_dim3A = vector.broadcast %scan3A_623 : i32 to vector<16xi32>
      %gather3A = tpu.vector_load_idx %arg9[%broadcast_in_dim3A, %get3A_3] : memref<32x512xf32, #tpu.memory_space<vmem>>[vector<16xi32>, vector<16xi32>], vector<16xf32>,
      tpu.vector_store_idx %arg6[%broadcast_in_dim3A, %get3A_3], %gather3A : memref<32x512xf32, #tpu.memory_space<vmem>>[vector<16xi32>, vector<16xi32>], vector<16xf32>,
      %gather3A_624 = tpu.vector_load_idx %arg9[%broadcast_in_dim3A, %get3A_5] : memref<32x512xf32, #tpu.memory_space<vmem>>[vector<16xi32>, vector<16xi32>], vector<16xf32>,
      tpu.vector_store_idx %arg6[%broadcast_in_dim3A, %get3A_5], %gather3A_624 : memref<32x512xf32, #tpu.memory_space<vmem>>[vector<16xi32>, vector<16xi32>], vector<16xf32>,
      %gather3A_625 = tpu.vector_load_idx %arg9[%broadcast_in_dim3A, %get3A_7] : memref<32x512xf32, #tpu.memory_space<vmem>>[vector<16xi32>, vector<16xi32>], vector<16xf32>,
      tpu.vector_store_idx %arg6[%broadcast_in_dim3A, %get3A_7], %gather3A_625 : memref<32x512xf32, #tpu.memory_space<vmem>>[vector<16xi32>, vector<16xi32>], vector<16xf32>,
      %gather3A_626 = tpu.vector_load_idx %arg9[%broadcast_in_dim3A, %get3A_9] : memref<32x512xf32, #tpu.memory_space<vmem>>[vector<16xi32>, vector<16xi32>], vector<16xf32>,
      tpu.vector_store_idx %arg6[%broadcast_in_dim3A, %get3A_9], %gather3A_626 : memref<32x512xf32, #tpu.memory_space<vmem>>[vector<16xi32>, vector<16xi32>], vector<16xf32>,
      %gather3A_627 = tpu.vector_load_idx %arg9[%broadcast_in_dim3A, %get3A_11] : memref<32x512xf32, #tpu.memory_space<vmem>>[vector<16xi32>, vector<16xi32>], vector<16xf32>,
      tpu.vector_store_idx %arg6[%broadcast_in_dim3A, %get3A_11], %gather3A_627 : memref<32x512xf32, #tpu.memory_space<vmem>>[vector<16xi32>, vector<16xi32>], vector<16xf32>,
      %gather3A_628 = tpu.vector_load_idx %arg9[%broadcast_in_dim3A, %get3A_13] : memref<32x512xf32, #tpu.memory_space<vmem>>[vector<16xi32>, vector<16xi32>], vector<16xf32>,
      tpu.vector_store_idx %arg6[%broadcast_in_dim3A, %get3A_13], %gather3A_628 : memref<32x512xf32, #tpu.memory_space<vmem>>[vector<16xi32>, vector<16xi32>], vector<16xf32>,
      %gather3A_629 = tpu.vector_load_idx %arg9[%broadcast_in_dim3A, %get3A_15] : memref<32x512xf32, #tpu.memory_space<vmem>>[vector<16xi32>, vector<16xi32>], vector<16xf32>,
      tpu.vector_store_idx %arg6[%broadcast_in_dim3A, %get3A_15], %gather3A_629 : memref<32x512xf32, #tpu.memory_space<vmem>>[vector<16xi32>, vector<16xi32>], vector<16xf32>,
      %gather3A_630 = tpu.vector_load_idx %arg9[%broadcast_in_dim3A, %get3A_17] : memref<32x512xf32, #tpu.memory_space<vmem>>[vector<16xi32>, vector<16xi32>], vector<16xf32>,
      tpu.vector_store_idx %arg6[%broadcast_in_dim3A, %get3A_17], %gather3A_630 : memref<32x512xf32, #tpu.memory_space<vmem>>[vector<16xi32>, vector<16xi32>], vector<16xf32>,
    }
    %scan3A_50 = arith.constant 32 : i32
    %add3A_51 = arith.constant 0 : i32
    %add3A_52 = arith.addi %mul3A_2, %add3A_51 : i32
    %dma_start3A_53 = arith.constant 0 : i32
    %dma_start3A_54 = tpu.memref_slice %arg5[%add3A_52, %dma_start3A_53] : memref<16384x512xf32, #tpu.memory_space<hbm>> -> memref<32x512xf32, #tpu.memory_space<hbm>>
    %dma_start3A_55 = arith.constant 0 : i32
    %dma_start3A_56 = tpu.memref_slice %arg5[%add3A_52, %dma_start3A_55] : memref<16384x512xf32, #tpu.memory_space<hbm>> -> memref<32x512xf32, #tpu.memory_space<hbm>>
    tpu.enqueue_dma source(%arg6 : memref<32x512xf32, #tpu.memory_space<vmem>>) target(%dma_start3A_56 : memref<32x512xf32, #tpu.memory_space<hbm>>) target_semaphore(%arg16 : memref<!tpu.dma_semaphore, #tpu.memory_space<semaphore_mem>>)
    %add3A_57 = arith.constant 64 : i32
    %add3A_58 = arith.addi %mul3A_2, %add3A_57 : i32
    %dma_start3A_59 = arith.constant 0 : i32
    %dma_start3A_60 = tpu.memref_slice %arg2[%add3A_58, %dma_start3A_59] : memref<16384x512xf32, #tpu.memory_space<hbm>> -> memref<32x512xf32, #tpu.memory_space<hbm>>
    %dma_start3A_61 = arith.constant 0 : i32
    %dma_start3A_62 = tpu.memref_slice %arg2[%add3A_58, %dma_start3A_61] : memref<16384x512xf32, #tpu.memory_space<hbm>> -> memref<32x512xf32, #tpu.memory_space<hbm>>
    tpu.enqueue_dma source(%dma_start3A_62 : memref<32x512xf32, #tpu.memory_space<hbm>>) target(%arg8 : memref<32x512xf32, #tpu.memory_space<vmem>>) target_semaphore(%arg15 : memref<!tpu.dma_semaphore, #tpu.memory_space<semaphore_mem>>)
    %dma_start3A_63 = arith.constant 0 : i32
    %dma_start3A_64 = tpu.memref_slice %arg3[%add3A_58, %dma_start3A_63] : memref<16384x512xf32, #tpu.memory_space<hbm>> -> memref<32x512xf32, #tpu.memory_space<hbm>>
    %dma_start3A_65 = arith.constant 0 : i32
    %dma_start3A_66 = tpu.memref_slice %arg3[%add3A_58, %dma_start3A_65] : memref<16384x512xf32, #tpu.memory_space<hbm>> -> memref<32x512xf32, #tpu.memory_space<hbm>>
    tpu.enqueue_dma source(%dma_start3A_66 : memref<32x512xf32, #tpu.memory_space<hbm>>) target(%arg11 : memref<32x512xf32, #tpu.memory_space<vmem>>) target_semaphore(%arg15 : memref<!tpu.dma_semaphore, #tpu.memory_space<semaphore_mem>>)
    %add3A_67 = arith.constant 32 : i32
    %add3A_68 = arith.addi %mul3A_2, %add3A_67 : i32
    %dma_wait3A_69 = arith.constant 0 : i32
    %dma_wait3A_70 = tpu.memref_slice %arg2[%add3A_68, %dma_wait3A_69] : memref<16384x512xf32, #tpu.memory_space<hbm>> -> memref<32x512xf32, #tpu.memory_space<hbm>>
    %dma_wait3A_71 = arith.constant 0 : i32
    %dma_wait3A_72 = tpu.memref_slice %arg2[%add3A_68, %dma_wait3A_71] : memref<16384x512xf32, #tpu.memory_space<hbm>> -> memref<32x512xf32, #tpu.memory_space<hbm>>
    tpu.wait_dma2 semaphore(%arg14 : memref<!tpu.dma_semaphore, #tpu.memory_space<semaphore_mem>>) src(%dma_wait3A_72 : memref<32x512xf32, #tpu.memory_space<hbm>>) dst(%arg7 : memref<32x512xf32, #tpu.memory_space<vmem>>)
    %dma_wait3A_73 = arith.constant 0 : i32
    %dma_wait3A_74 = tpu.memref_slice %arg3[%add3A_68, %dma_wait3A_73] : memref<16384x512xf32, #tpu.memory_space<hbm>> -> memref<32x512xf32, #tpu.memory_space<hbm>>
    %dma_wait3A_75 = arith.constant 0 : i32
    %dma_wait3A_76 = tpu.memref_slice %arg3[%add3A_68, %dma_wait3A_75] : memref<16384x512xf32, #tpu.memory_space<hbm>> -> memref<32x512xf32, #tpu.memory_space<hbm>>
    tpu.wait_dma2 semaphore(%arg14 : memref<!tpu.dma_semaphore, #tpu.memory_space<semaphore_mem>>) src(%dma_wait3A_76 : memref<32x512xf32, #tpu.memory_space<hbm>>) dst(%arg10 : memref<32x512xf32, #tpu.memory_space<vmem>>)
    %scan3A_77 = arith.constant 0 : i32
    %scan3A_78 = arith.constant 0 : i32
    %scan3A_79 = arith.constant 32 : i32
    %scan3A_80 = arith.addi %scan3A_78, %scan3A_79 : i32
    %scan3A_81 = arith.constant 1 : i32
    scf.for %scan3A_623 = %scan3A_78 to %scan3A_80 step %scan3A_81  : i32 {
      %broadcast_in_dim3A = vector.broadcast %scan3A_623 : i32 to vector<16xi32>
      %gather3A = tpu.vector_load_idx %arg10[%broadcast_in_dim3A, %get3A_3] : memref<32x512xf32, #tpu.memory_space<vmem>>[vector<16xi32>, vector<16xi32>], vector<16xf32>,
      tpu.vector_store_idx %arg7[%broadcast_in_dim3A, %get3A_3], %gather3A : memref<32x512xf32, #tpu.memory_space<vmem>>[vector<16xi32>, vector<16xi32>], vector<16xf32>,
      %gather3A_624 = tpu.vector_load_idx %arg10[%broadcast_in_dim3A, %get3A_5] : memref<32x512xf32, #tpu.memory_space<vmem>>[vector<16xi32>, vector<16xi32>], vector<16xf32>,
      tpu.vector_store_idx %arg7[%broadcast_in_dim3A, %get3A_5], %gather3A_624 : memref<32x512xf32, #tpu.memory_space<vmem>>[vector<16xi32>, vector<16xi32>], vector<16xf32>,
      %gather3A_625 = tpu.vector_load_idx %arg10[%broadcast_in_dim3A, %get3A_7] : memref<32x512xf32, #tpu.memory_space<vmem>>[vector<16xi32>, vector<16xi32>], vector<16xf32>,
      tpu.vector_store_idx %arg7[%broadcast_in_dim3A, %get3A_7], %gather3A_625 : memref<32x512xf32, #tpu.memory_space<vmem>>[vector<16xi32>, vector<16xi32>], vector<16xf32>,
      %gather3A_626 = tpu.vector_load_idx %arg10[%broadcast_in_dim3A, %get3A_9] : memref<32x512xf32, #tpu.memory_space<vmem>>[vector<16xi32>, vector<16xi32>], vector<16xf32>,
      tpu.vector_store_idx %arg7[%broadcast_in_dim3A, %get3A_9], %gather3A_626 : memref<32x512xf32, #tpu.memory_space<vmem>>[vector<16xi32>, vector<16xi32>], vector<16xf32>,
      %gather3A_627 = tpu.vector_load_idx %arg10[%broadcast_in_dim3A, %get3A_11] : memref<32x512xf32, #tpu.memory_space<vmem>>[vector<16xi32>, vector<16xi32>], vector<16xf32>,
      tpu.vector_store_idx %arg7[%broadcast_in_dim3A, %get3A_11], %gather3A_627 : memref<32x512xf32, #tpu.memory_space<vmem>>[vector<16xi32>, vector<16xi32>], vector<16xf32>,
      %gather3A_628 = tpu.vector_load_idx %arg10[%broadcast_in_dim3A, %get3A_13] : memref<32x512xf32, #tpu.memory_space<vmem>>[vector<16xi32>, vector<16xi32>], vector<16xf32>,
      tpu.vector_store_idx %arg7[%broadcast_in_dim3A, %get3A_13], %gather3A_628 : memref<32x512xf32, #tpu.memory_space<vmem>>[vector<16xi32>, vector<16xi32>], vector<16xf32>,
      %gather3A_629 = tpu.vector_load_idx %arg10[%broadcast_in_dim3A, %get3A_15] : memref<32x512xf32, #tpu.memory_space<vmem>>[vector<16xi32>, vector<16xi32>], vector<16xf32>,
      tpu.vector_store_idx %arg7[%broadcast_in_dim3A, %get3A_15], %gather3A_629 : memref<32x512xf32, #tpu.memory_space<vmem>>[vector<16xi32>, vector<16xi32>], vector<16xf32>,
      %gather3A_630 = tpu.vector_load_idx %arg10[%broadcast_in_dim3A, %get3A_17] : memref<32x512xf32, #tpu.memory_space<vmem>>[vector<16xi32>, vector<16xi32>], vector<16xf32>,
      tpu.vector_store_idx %arg7[%broadcast_in_dim3A, %get3A_17], %gather3A_630 : memref<32x512xf32, #tpu.memory_space<vmem>>[vector<16xi32>, vector<16xi32>], vector<16xf32>,
    }
    %scan3A_82 = arith.constant 32 : i32
    %add3A_83 = arith.constant 32 : i32
    %add3A_84 = arith.addi %mul3A_2, %add3A_83 : i32
    %dma_start3A_85 = arith.constant 0 : i32
    %dma_start3A_86 = tpu.memref_slice %arg5[%add3A_84, %dma_start3A_85] : memref<16384x512xf32, #tpu.memory_space<hbm>> -> memref<32x512xf32, #tpu.memory_space<hbm>>
    %dma_start3A_87 = arith.constant 0 : i32
    %dma_start3A_88 = tpu.memref_slice %arg5[%add3A_84, %dma_start3A_87] : memref<16384x512xf32, #tpu.memory_space<hbm>> -> memref<32x512xf32, #tpu.memory_space<hbm>>
    tpu.enqueue_dma source(%arg7 : memref<32x512xf32, #tpu.memory_space<vmem>>) target(%dma_start3A_88 : memref<32x512xf32, #tpu.memory_space<hbm>>) target_semaphore(%arg17 : memref<!tpu.dma_semaphore, #tpu.memory_space<semaphore_mem>>)
    %add3A_89 = arith.constant 0 : i32
    %add3A_90 = arith.addi %mul3A_2, %add3A_89 : i32
    %dma_wait3A_91 = arith.constant 0 : i32
    %dma_wait3A_92 = tpu.memref_slice %arg5[%add3A_90, %dma_wait3A_91] : memref<16384x512xf32, #tpu.memory_space<hbm>> -> memref<32x512xf32, #tpu.memory_space<hbm>>
    %dma_wait3A_93 = arith.constant 0 : i32
    %dma_wait3A_94 = tpu.memref_slice %arg5[%add3A_90, %dma_wait3A_93] : memref<16384x512xf32, #tpu.memory_space<hbm>> -> memref<32x512xf32, #tpu.memory_space<hbm>>
    tpu.wait_dma2 semaphore(%arg16 : memref<!tpu.dma_semaphore, #tpu.memory_space<semaphore_mem>>) src(%arg6 : memref<32x512xf32, #tpu.memory_space<vmem>>) dst(%dma_wait3A_94 : memref<32x512xf32, #tpu.memory_space<hbm>>)
    %add3A_95 = arith.constant 96 : i32
    %add3A_96 = arith.addi %mul3A_2, %add3A_95 : i32
    %dma_start3A_97 = arith.constant 0 : i32
    %dma_start3A_98 = tpu.memref_slice %arg2[%add3A_96, %dma_start3A_97] : memref<16384x512xf32, #tpu.memory_space<hbm>> -> memref<32x512xf32, #tpu.memory_space<hbm>>
    %dma_start3A_99 = arith.constant 0 : i32
    %dma_start3A_100 = tpu.memref_slice %arg2[%add3A_96, %dma_start3A_99] : memref<16384x512xf32, #tpu.memory_space<hbm>> -> memref<32x512xf32, #tpu.memory_space<hbm>>
    tpu.enqueue_dma source(%dma_start3A_100 : memref<32x512xf32, #tpu.memory_space<hbm>>) target(%arg6 : memref<32x512xf32, #tpu.memory_space<vmem>>) target_semaphore(%arg13 : memref<!tpu.dma_semaphore, #tpu.memory_space<semaphore_mem>>)
    %dma_start3A_101 = arith.constant 0 : i32
    %dma_start3A_102 = tpu.memref_slice %arg3[%add3A_96, %dma_start3A_101] : memref<16384x512xf32, #tpu.memory_space<hbm>> -> memref<32x512xf32, #tpu.memory_space<hbm>>
    %dma_start3A_103 = arith.constant 0 : i32
    %dma_start3A_104 = tpu.memref_slice %arg3[%add3A_96, %dma_start3A_103] : memref<16384x512xf32, #tpu.memory_space<hbm>> -> memref<32x512xf32, #tpu.memory_space<hbm>>
    tpu.enqueue_dma source(%dma_start3A_104 : memref<32x512xf32, #tpu.memory_space<hbm>>) target(%arg9 : memref<32x512xf32, #tpu.memory_space<vmem>>) target_semaphore(%arg13 : memref<!tpu.dma_semaphore, #tpu.memory_space<semaphore_mem>>)
    %add3A_105 = arith.constant 64 : i32
    %add3A_106 = arith.addi %mul3A_2, %add3A_105 : i32
    %dma_wait3A_107 = arith.constant 0 : i32
    %dma_wait3A_108 = tpu.memref_slice %arg2[%add3A_106, %dma_wait3A_107] : memref<16384x512xf32, #tpu.memory_space<hbm>> -> memref<32x512xf32, #tpu.memory_space<hbm>>
    %dma_wait3A_109 = arith.constant 0 : i32
    %dma_wait3A_110 = tpu.memref_slice %arg2[%add3A_106, %dma_wait3A_109] : memref<16384x512xf32, #tpu.memory_space<hbm>> -> memref<32x512xf32, #tpu.memory_space<hbm>>
    tpu.wait_dma2 semaphore(%arg15 : memref<!tpu.dma_semaphore, #tpu.memory_space<semaphore_mem>>) src(%dma_wait3A_110 : memref<32x512xf32, #tpu.memory_space<hbm>>) dst(%arg8 : memref<32x512xf32, #tpu.memory_space<vmem>>)
    %dma_wait3A_111 = arith.constant 0 : i32
    %dma_wait3A_112 = tpu.memref_slice %arg3[%add3A_106, %dma_wait3A_111] : memref<16384x512xf32, #tpu.memory_space<hbm>> -> memref<32x512xf32, #tpu.memory_space<hbm>>
    %dma_wait3A_113 = arith.constant 0 : i32
    %dma_wait3A_114 = tpu.memref_slice %arg3[%add3A_106, %dma_wait3A_113] : memref<16384x512xf32, #tpu.memory_space<hbm>> -> memref<32x512xf32, #tpu.memory_space<hbm>>
    tpu.wait_dma2 semaphore(%arg15 : memref<!tpu.dma_semaphore, #tpu.memory_space<semaphore_mem>>) src(%dma_wait3A_114 : memref<32x512xf32, #tpu.memory_space<hbm>>) dst(%arg11 : memref<32x512xf32, #tpu.memory_space<vmem>>)
    %scan3A_115 = arith.constant 0 : i32
    %scan3A_116 = arith.constant 0 : i32
    %scan3A_117 = arith.constant 32 : i32
    %scan3A_118 = arith.addi %scan3A_116, %scan3A_117 : i32
    %scan3A_119 = arith.constant 1 : i32
    scf.for %scan3A_623 = %scan3A_116 to %scan3A_118 step %scan3A_119  : i32 {
      %broadcast_in_dim3A = vector.broadcast %scan3A_623 : i32 to vector<16xi32>
      %gather3A = tpu.vector_load_idx %arg11[%broadcast_in_dim3A, %get3A_3] : memref<32x512xf32, #tpu.memory_space<vmem>>[vector<16xi32>, vector<16xi32>], vector<16xf32>,
      tpu.vector_store_idx %arg8[%broadcast_in_dim3A, %get3A_3], %gather3A : memref<32x512xf32, #tpu.memory_space<vmem>>[vector<16xi32>, vector<16xi32>], vector<16xf32>,
      %gather3A_624 = tpu.vector_load_idx %arg11[%broadcast_in_dim3A, %get3A_5] : memref<32x512xf32, #tpu.memory_space<vmem>>[vector<16xi32>, vector<16xi32>], vector<16xf32>,
      tpu.vector_store_idx %arg8[%broadcast_in_dim3A, %get3A_5], %gather3A_624 : memref<32x512xf32, #tpu.memory_space<vmem>>[vector<16xi32>, vector<16xi32>], vector<16xf32>,
      %gather3A_625 = tpu.vector_load_idx %arg11[%broadcast_in_dim3A, %get3A_7] : memref<32x512xf32, #tpu.memory_space<vmem>>[vector<16xi32>, vector<16xi32>], vector<16xf32>,
      tpu.vector_store_idx %arg8[%broadcast_in_dim3A, %get3A_7], %gather3A_625 : memref<32x512xf32, #tpu.memory_space<vmem>>[vector<16xi32>, vector<16xi32>], vector<16xf32>,
      %gather3A_626 = tpu.vector_load_idx %arg11[%broadcast_in_dim3A, %get3A_9] : memref<32x512xf32, #tpu.memory_space<vmem>>[vector<16xi32>, vector<16xi32>], vector<16xf32>,
      tpu.vector_store_idx %arg8[%broadcast_in_dim3A, %get3A_9], %gather3A_626 : memref<32x512xf32, #tpu.memory_space<vmem>>[vector<16xi32>, vector<16xi32>], vector<16xf32>,
      %gather3A_627 = tpu.vector_load_idx %arg11[%broadcast_in_dim3A, %get3A_11] : memref<32x512xf32, #tpu.memory_space<vmem>>[vector<16xi32>, vector<16xi32>], vector<16xf32>,
      tpu.vector_store_idx %arg8[%broadcast_in_dim3A, %get3A_11], %gather3A_627 : memref<32x512xf32, #tpu.memory_space<vmem>>[vector<16xi32>, vector<16xi32>], vector<16xf32>,
      %gather3A_628 = tpu.vector_load_idx %arg11[%broadcast_in_dim3A, %get3A_13] : memref<32x512xf32, #tpu.memory_space<vmem>>[vector<16xi32>, vector<16xi32>], vector<16xf32>,
      tpu.vector_store_idx %arg8[%broadcast_in_dim3A, %get3A_13], %gather3A_628 : memref<32x512xf32, #tpu.memory_space<vmem>>[vector<16xi32>, vector<16xi32>], vector<16xf32>,
      %gather3A_629 = tpu.vector_load_idx %arg11[%broadcast_in_dim3A, %get3A_15] : memref<32x512xf32, #tpu.memory_space<vmem>>[vector<16xi32>, vector<16xi32>], vector<16xf32>,
      tpu.vector_store_idx %arg8[%broadcast_in_dim3A, %get3A_15], %gather3A_629 : memref<32x512xf32, #tpu.memory_space<vmem>>[vector<16xi32>, vector<16xi32>], vector<16xf32>,
      %gather3A_630 = tpu.vector_load_idx %arg11[%broadcast_in_dim3A, %get3A_17] : memref<32x512xf32, #tpu.memory_space<vmem>>[vector<16xi32>, vector<16xi32>], vector<16xf32>,
      tpu.vector_store_idx %arg8[%broadcast_in_dim3A, %get3A_17], %gather3A_630 : memref<32x512xf32, #tpu.memory_space<vmem>>[vector<16xi32>, vector<16xi32>], vector<16xf32>,
    }
    %scan3A_120 = arith.constant 32 : i32
    %add3A_121 = arith.constant 64 : i32
    %add3A_122 = arith.addi %mul3A_2, %add3A_121 : i32
    %dma_start3A_123 = arith.constant 0 : i32
    %dma_start3A_124 = tpu.memref_slice %arg5[%add3A_122, %dma_start3A_123] : memref<16384x512xf32, #tpu.memory_space<hbm>> -> memref<32x512xf32, #tpu.memory_space<hbm>>
    %dma_start3A_125 = arith.constant 0 : i32
    %dma_start3A_126 = tpu.memref_slice %arg5[%add3A_122, %dma_start3A_125] : memref<16384x512xf32, #tpu.memory_space<hbm>> -> memref<32x512xf32, #tpu.memory_space<hbm>>
    tpu.enqueue_dma source(%arg8 : memref<32x512xf32, #tpu.memory_space<vmem>>) target(%dma_start3A_126 : memref<32x512xf32, #tpu.memory_space<hbm>>) target_semaphore(%arg18 : memref<!tpu.dma_semaphore, #tpu.memory_space<semaphore_mem>>)
    %add3A_127 = arith.constant 32 : i32
    %add3A_128 = arith.addi %mul3A_2, %add3A_127 : i32
    %dma_wait3A_129 = arith.constant 0 : i32
    %dma_wait3A_130 = tpu.memref_slice %arg5[%add3A_128, %dma_wait3A_129] : memref<16384x512xf32, #tpu.memory_space<hbm>> -> memref<32x512xf32, #tpu.memory_space<hbm>>
    %dma_wait3A_131 = arith.constant 0 : i32
    %dma_wait3A_132 = tpu.memref_slice %arg5[%add3A_128, %dma_wait3A_131] : memref<16384x512xf32, #tpu.memory_space<hbm>> -> memref<32x512xf32, #tpu.memory_space<hbm>>
    tpu.wait_dma2 semaphore(%arg17 : memref<!tpu.dma_semaphore, #tpu.memory_space<semaphore_mem>>) src(%arg7 : memref<32x512xf32, #tpu.memory_space<vmem>>) dst(%dma_wait3A_132 : memref<32x512xf32, #tpu.memory_space<hbm>>)
    %add3A_133 = arith.constant 128 : i32
    %add3A_134 = arith.addi %mul3A_2, %add3A_133 : i32
    %dma_start3A_135 = arith.constant 0 : i32
    %dma_start3A_136 = tpu.memref_slice %arg2[%add3A_134, %dma_start3A_135] : memref<16384x512xf32, #tpu.memory_space<hbm>> -> memref<32x512xf32, #tpu.memory_space<hbm>>
    %dma_start3A_137 = arith.constant 0 : i32
    %dma_start3A_138 = tpu.memref_slice %arg2[%add3A_134, %dma_start3A_137] : memref<16384x512xf32, #tpu.memory_space<hbm>> -> memref<32x512xf32, #tpu.memory_space<hbm>>
    tpu.enqueue_dma source(%dma_start3A_138 : memref<32x512xf32, #tpu.memory_space<hbm>>) target(%arg7 : memref<32x512xf32, #tpu.memory_space<vmem>>) target_semaphore(%arg14 : memref<!tpu.dma_semaphore, #tpu.memory_space<semaphore_mem>>)
    %dma_start3A_139 = arith.constant 0 : i32
    %dma_start3A_140 = tpu.memref_slice %arg3[%add3A_134, %dma_start3A_139] : memref<16384x512xf32, #tpu.memory_space<hbm>> -> memref<32x512xf32, #tpu.memory_space<hbm>>
    %dma_start3A_141 = arith.constant 0 : i32
    %dma_start3A_142 = tpu.memref_slice %arg3[%add3A_134, %dma_start3A_141] : memref<16384x512xf32, #tpu.memory_space<hbm>> -> memref<32x512xf32, #tpu.memory_space<hbm>>
    tpu.enqueue_dma source(%dma_start3A_142 : memref<32x512xf32, #tpu.memory_space<hbm>>) target(%arg10 : memref<32x512xf32, #tpu.memory_space<vmem>>) target_semaphore(%arg14 : memref<!tpu.dma_semaphore, #tpu.memory_space<semaphore_mem>>)
    %add3A_143 = arith.constant 96 : i32
    %add3A_144 = arith.addi %mul3A_2, %add3A_143 : i32
    %dma_wait3A_145 = arith.constant 0 : i32
    %dma_wait3A_146 = tpu.memref_slice %arg2[%add3A_144, %dma_wait3A_145] : memref<16384x512xf32, #tpu.memory_space<hbm>> -> memref<32x512xf32, #tpu.memory_space<hbm>>
    %dma_wait3A_147 = arith.constant 0 : i32
    %dma_wait3A_148 = tpu.memref_slice %arg2[%add3A_144, %dma_wait3A_147] : memref<16384x512xf32, #tpu.memory_space<hbm>> -> memref<32x512xf32, #tpu.memory_space<hbm>>
    tpu.wait_dma2 semaphore(%arg13 : memref<!tpu.dma_semaphore, #tpu.memory_space<semaphore_mem>>) src(%dma_wait3A_148 : memref<32x512xf32, #tpu.memory_space<hbm>>) dst(%arg6 : memref<32x512xf32, #tpu.memory_space<vmem>>)
    %dma_wait3A_149 = arith.constant 0 : i32
    %dma_wait3A_150 = tpu.memref_slice %arg3[%add3A_144, %dma_wait3A_149] : memref<16384x512xf32, #tpu.memory_space<hbm>> -> memref<32x512xf32, #tpu.memory_space<hbm>>
    %dma_wait3A_151 = arith.constant 0 : i32
    %dma_wait3A_152 = tpu.memref_slice %arg3[%add3A_144, %dma_wait3A_151] : memref<16384x512xf32, #tpu.memory_space<hbm>> -> memref<32x512xf32, #tpu.memory_space<hbm>>
    tpu.wait_dma2 semaphore(%arg13 : memref<!tpu.dma_semaphore, #tpu.memory_space<semaphore_mem>>) src(%dma_wait3A_152 : memref<32x512xf32, #tpu.memory_space<hbm>>) dst(%arg9 : memref<32x512xf32, #tpu.memory_space<vmem>>)
    %scan3A_153 = arith.constant 0 : i32
    %scan3A_154 = arith.constant 0 : i32
    %scan3A_155 = arith.constant 32 : i32
    %scan3A_156 = arith.addi %scan3A_154, %scan3A_155 : i32
    %scan3A_157 = arith.constant 1 : i32
    scf.for %scan3A_623 = %scan3A_154 to %scan3A_156 step %scan3A_157  : i32 {
      %broadcast_in_dim3A = vector.broadcast %scan3A_623 : i32 to vector<16xi32>
      %gather3A = tpu.vector_load_idx %arg9[%broadcast_in_dim3A, %get3A_3] : memref<32x512xf32, #tpu.memory_space<vmem>>[vector<16xi32>, vector<16xi32>], vector<16xf32>,
      tpu.vector_store_idx %arg6[%broadcast_in_dim3A, %get3A_3], %gather3A : memref<32x512xf32, #tpu.memory_space<vmem>>[vector<16xi32>, vector<16xi32>], vector<16xf32>,
      %gather3A_624 = tpu.vector_load_idx %arg9[%broadcast_in_dim3A, %get3A_5] : memref<32x512xf32, #tpu.memory_space<vmem>>[vector<16xi32>, vector<16xi32>], vector<16xf32>,
      tpu.vector_store_idx %arg6[%broadcast_in_dim3A, %get3A_5], %gather3A_624 : memref<32x512xf32, #tpu.memory_space<vmem>>[vector<16xi32>, vector<16xi32>], vector<16xf32>,
      %gather3A_625 = tpu.vector_load_idx %arg9[%broadcast_in_dim3A, %get3A_7] : memref<32x512xf32, #tpu.memory_space<vmem>>[vector<16xi32>, vector<16xi32>], vector<16xf32>,
      tpu.vector_store_idx %arg6[%broadcast_in_dim3A, %get3A_7], %gather3A_625 : memref<32x512xf32, #tpu.memory_space<vmem>>[vector<16xi32>, vector<16xi32>], vector<16xf32>,
      %gather3A_626 = tpu.vector_load_idx %arg9[%broadcast_in_dim3A, %get3A_9] : memref<32x512xf32, #tpu.memory_space<vmem>>[vector<16xi32>, vector<16xi32>], vector<16xf32>,
      tpu.vector_store_idx %arg6[%broadcast_in_dim3A, %get3A_9], %gather3A_626 : memref<32x512xf32, #tpu.memory_space<vmem>>[vector<16xi32>, vector<16xi32>], vector<16xf32>,
      %gather3A_627 = tpu.vector_load_idx %arg9[%broadcast_in_dim3A, %get3A_11] : memref<32x512xf32, #tpu.memory_space<vmem>>[vector<16xi32>, vector<16xi32>], vector<16xf32>,
      tpu.vector_store_idx %arg6[%broadcast_in_dim3A, %get3A_11], %gather3A_627 : memref<32x512xf32, #tpu.memory_space<vmem>>[vector<16xi32>, vector<16xi32>], vector<16xf32>,
      %gather3A_628 = tpu.vector_load_idx %arg9[%broadcast_in_dim3A, %get3A_13] : memref<32x512xf32, #tpu.memory_space<vmem>>[vector<16xi32>, vector<16xi32>], vector<16xf32>,
      tpu.vector_store_idx %arg6[%broadcast_in_dim3A, %get3A_13], %gather3A_628 : memref<32x512xf32, #tpu.memory_space<vmem>>[vector<16xi32>, vector<16xi32>], vector<16xf32>,
      %gather3A_629 = tpu.vector_load_idx %arg9[%broadcast_in_dim3A, %get3A_15] : memref<32x512xf32, #tpu.memory_space<vmem>>[vector<16xi32>, vector<16xi32>], vector<16xf32>,
      tpu.vector_store_idx %arg6[%broadcast_in_dim3A, %get3A_15], %gather3A_629 : memref<32x512xf32, #tpu.memory_space<vmem>>[vector<16xi32>, vector<16xi32>], vector<16xf32>,
      %gather3A_630 = tpu.vector_load_idx %arg9[%broadcast_in_dim3A, %get3A_17] : memref<32x512xf32, #tpu.memory_space<vmem>>[vector<16xi32>, vector<16xi32>], vector<16xf32>,
      tpu.vector_store_idx %arg6[%broadcast_in_dim3A, %get3A_17], %gather3A_630 : memref<32x512xf32, #tpu.memory_space<vmem>>[vector<16xi32>, vector<16xi32>], vector<16xf32>,
    }
    %scan3A_158 = arith.constant 32 : i32
    %add3A_159 = arith.constant 96 : i32
    %add3A_160 = arith.addi %mul3A_2, %add3A_159 : i32
    %dma_start3A_161 = arith.constant 0 : i32
    %dma_start3A_162 = tpu.memref_slice %arg5[%add3A_160, %dma_start3A_161] : memref<16384x512xf32, #tpu.memory_space<hbm>> -> memref<32x512xf32, #tpu.memory_space<hbm>>
    %dma_start3A_163 = arith.constant 0 : i32
    %dma_start3A_164 = tpu.memref_slice %arg5[%add3A_160, %dma_start3A_163] : memref<16384x512xf32, #tpu.memory_space<hbm>> -> memref<32x512xf32, #tpu.memory_space<hbm>>
    tpu.enqueue_dma source(%arg6 : memref<32x512xf32, #tpu.memory_space<vmem>>) target(%dma_start3A_164 : memref<32x512xf32, #tpu.memory_space<hbm>>) target_semaphore(%arg16 : memref<!tpu.dma_semaphore, #tpu.memory_space<semaphore_mem>>)
    %add3A_165 = arith.constant 64 : i32
    %add3A_166 = arith.addi %mul3A_2, %add3A_165 : i32
    %dma_wait3A_167 = arith.constant 0 : i32
    %dma_wait3A_168 = tpu.memref_slice %arg5[%add3A_166, %dma_wait3A_167] : memref<16384x512xf32, #tpu.memory_space<hbm>> -> memref<32x512xf32, #tpu.memory_space<hbm>>
    %dma_wait3A_169 = arith.constant 0 : i32
    %dma_wait3A_170 = tpu.memref_slice %arg5[%add3A_166, %dma_wait3A_169] : memref<16384x512xf32, #tpu.memory_space<hbm>> -> memref<32x512xf32, #tpu.memory_space<hbm>>
    tpu.wait_dma2 semaphore(%arg18 : memref<!tpu.dma_semaphore, #tpu.memory_space<semaphore_mem>>) src(%arg8 : memref<32x512xf32, #tpu.memory_space<vmem>>) dst(%dma_wait3A_170 : memref<32x512xf32, #tpu.memory_space<hbm>>)
    %add3A_171 = arith.constant 160 : i32
    %add3A_172 = arith.addi %mul3A_2, %add3A_171 : i32
    %dma_start3A_173 = arith.constant 0 : i32
    %dma_start3A_174 = tpu.memref_slice %arg2[%add3A_172, %dma_start3A_173] : memref<16384x512xf32, #tpu.memory_space<hbm>> -> memref<32x512xf32, #tpu.memory_space<hbm>>
    %dma_start3A_175 = arith.constant 0 : i32
    %dma_start3A_176 = tpu.memref_slice %arg2[%add3A_172, %dma_start3A_175] : memref<16384x512xf32, #tpu.memory_space<hbm>> -> memref<32x512xf32, #tpu.memory_space<hbm>>
    tpu.enqueue_dma source(%dma_start3A_176 : memref<32x512xf32, #tpu.memory_space<hbm>>) target(%arg8 : memref<32x512xf32, #tpu.memory_space<vmem>>) target_semaphore(%arg15 : memref<!tpu.dma_semaphore, #tpu.memory_space<semaphore_mem>>)
    %dma_start3A_177 = arith.constant 0 : i32
    %dma_start3A_178 = tpu.memref_slice %arg3[%add3A_172, %dma_start3A_177] : memref<16384x512xf32, #tpu.memory_space<hbm>> -> memref<32x512xf32, #tpu.memory_space<hbm>>
    %dma_start3A_179 = arith.constant 0 : i32
    %dma_start3A_180 = tpu.memref_slice %arg3[%add3A_172, %dma_start3A_179] : memref<16384x512xf32, #tpu.memory_space<hbm>> -> memref<32x512xf32, #tpu.memory_space<hbm>>
    tpu.enqueue_dma source(%dma_start3A_180 : memref<32x512xf32, #tpu.memory_space<hbm>>) target(%arg11 : memref<32x512xf32, #tpu.memory_space<vmem>>) target_semaphore(%arg15 : memref<!tpu.dma_semaphore, #tpu.memory_space<semaphore_mem>>)
    %add3A_181 = arith.constant 128 : i32
    %add3A_182 = arith.addi %mul3A_2, %add3A_181 : i32
    %dma_wait3A_183 = arith.constant 0 : i32
    %dma_wait3A_184 = tpu.memref_slice %arg2[%add3A_182, %dma_wait3A_183] : memref<16384x512xf32, #tpu.memory_space<hbm>> -> memref<32x512xf32, #tpu.memory_space<hbm>>
    %dma_wait3A_185 = arith.constant 0 : i32
    %dma_wait3A_186 = tpu.memref_slice %arg2[%add3A_182, %dma_wait3A_185] : memref<16384x512xf32, #tpu.memory_space<hbm>> -> memref<32x512xf32, #tpu.memory_space<hbm>>
    tpu.wait_dma2 semaphore(%arg14 : memref<!tpu.dma_semaphore, #tpu.memory_space<semaphore_mem>>) src(%dma_wait3A_186 : memref<32x512xf32, #tpu.memory_space<hbm>>) dst(%arg7 : memref<32x512xf32, #tpu.memory_space<vmem>>)
    %dma_wait3A_187 = arith.constant 0 : i32
    %dma_wait3A_188 = tpu.memref_slice %arg3[%add3A_182, %dma_wait3A_187] : memref<16384x512xf32, #tpu.memory_space<hbm>> -> memref<32x512xf32, #tpu.memory_space<hbm>>
    %dma_wait3A_189 = arith.constant 0 : i32
    %dma_wait3A_190 = tpu.memref_slice %arg3[%add3A_182, %dma_wait3A_189] : memref<16384x512xf32, #tpu.memory_space<hbm>> -> memref<32x512xf32, #tpu.memory_space<hbm>>
    tpu.wait_dma2 semaphore(%arg14 : memref<!tpu.dma_semaphore, #tpu.memory_space<semaphore_mem>>) src(%dma_wait3A_190 : memref<32x512xf32, #tpu.memory_space<hbm>>) dst(%arg10 : memref<32x512xf32, #tpu.memory_space<vmem>>)
    %scan3A_191 = arith.constant 0 : i32
    %scan3A_192 = arith.constant 0 : i32
    %scan3A_193 = arith.constant 32 : i32
    %scan3A_194 = arith.addi %scan3A_192, %scan3A_193 : i32
    %scan3A_195 = arith.constant 1 : i32
    scf.for %scan3A_623 = %scan3A_192 to %scan3A_194 step %scan3A_195  : i32 {
      %broadcast_in_dim3A = vector.broadcast %scan3A_623 : i32 to vector<16xi32>
      %gather3A = tpu.vector_load_idx %arg10[%broadcast_in_dim3A, %get3A_3] : memref<32x512xf32, #tpu.memory_space<vmem>>[vector<16xi32>, vector<16xi32>], vector<16xf32>,
      tpu.vector_store_idx %arg7[%broadcast_in_dim3A, %get3A_3], %gather3A : memref<32x512xf32, #tpu.memory_space<vmem>>[vector<16xi32>, vector<16xi32>], vector<16xf32>,
      %gather3A_624 = tpu.vector_load_idx %arg10[%broadcast_in_dim3A, %get3A_5] : memref<32x512xf32, #tpu.memory_space<vmem>>[vector<16xi32>, vector<16xi32>], vector<16xf32>,
      tpu.vector_store_idx %arg7[%broadcast_in_dim3A, %get3A_5], %gather3A_624 : memref<32x512xf32, #tpu.memory_space<vmem>>[vector<16xi32>, vector<16xi32>], vector<16xf32>,
      %gather3A_625 = tpu.vector_load_idx %arg10[%broadcast_in_dim3A, %get3A_7] : memref<32x512xf32, #tpu.memory_space<vmem>>[vector<16xi32>, vector<16xi32>], vector<16xf32>,
      tpu.vector_store_idx %arg7[%broadcast_in_dim3A, %get3A_7], %gather3A_625 : memref<32x512xf32, #tpu.memory_space<vmem>>[vector<16xi32>, vector<16xi32>], vector<16xf32>,
      %gather3A_626 = tpu.vector_load_idx %arg10[%broadcast_in_dim3A, %get3A_9] : memref<32x512xf32, #tpu.memory_space<vmem>>[vector<16xi32>, vector<16xi32>], vector<16xf32>,
      tpu.vector_store_idx %arg7[%broadcast_in_dim3A, %get3A_9], %gather3A_626 : memref<32x512xf32, #tpu.memory_space<vmem>>[vector<16xi32>, vector<16xi32>], vector<16xf32>,
      %gather3A_627 = tpu.vector_load_idx %arg10[%broadcast_in_dim3A, %get3A_11] : memref<32x512xf32, #tpu.memory_space<vmem>>[vector<16xi32>, vector<16xi32>], vector<16xf32>,
      tpu.vector_store_idx %arg7[%broadcast_in_dim3A, %get3A_11], %gather3A_627 : memref<32x512xf32, #tpu.memory_space<vmem>>[vector<16xi32>, vector<16xi32>], vector<16xf32>,
      %gather3A_628 = tpu.vector_load_idx %arg10[%broadcast_in_dim3A, %get3A_13] : memref<32x512xf32, #tpu.memory_space<vmem>>[vector<16xi32>, vector<16xi32>], vector<16xf32>,
      tpu.vector_store_idx %arg7[%broadcast_in_dim3A, %get3A_13], %gather3A_628 : memref<32x512xf32, #tpu.memory_space<vmem>>[vector<16xi32>, vector<16xi32>], vector<16xf32>,
      %gather3A_629 = tpu.vector_load_idx %arg10[%broadcast_in_dim3A, %get3A_15] : memref<32x512xf32, #tpu.memory_space<vmem>>[vector<16xi32>, vector<16xi32>], vector<16xf32>,
      tpu.vector_store_idx %arg7[%broadcast_in_dim3A, %get3A_15], %gather3A_629 : memref<32x512xf32, #tpu.memory_space<vmem>>[vector<16xi32>, vector<16xi32>], vector<16xf32>,
      %gather3A_630 = tpu.vector_load_idx %arg10[%broadcast_in_dim3A, %get3A_17] : memref<32x512xf32, #tpu.memory_space<vmem>>[vector<16xi32>, vector<16xi32>], vector<16xf32>,
      tpu.vector_store_idx %arg7[%broadcast_in_dim3A, %get3A_17], %gather3A_630 : memref<32x512xf32, #tpu.memory_space<vmem>>[vector<16xi32>, vector<16xi32>], vector<16xf32>,
    }
    %scan3A_196 = arith.constant 32 : i32
    %add3A_197 = arith.constant 128 : i32
    %add3A_198 = arith.addi %mul3A_2, %add3A_197 : i32
    %dma_start3A_199 = arith.constant 0 : i32
    %dma_start3A_200 = tpu.memref_slice %arg5[%add3A_198, %dma_start3A_199] : memref<16384x512xf32, #tpu.memory_space<hbm>> -> memref<32x512xf32, #tpu.memory_space<hbm>>
    %dma_start3A_201 = arith.constant 0 : i32
    %dma_start3A_202 = tpu.memref_slice %arg5[%add3A_198, %dma_start3A_201] : memref<16384x512xf32, #tpu.memory_space<hbm>> -> memref<32x512xf32, #tpu.memory_space<hbm>>
    tpu.enqueue_dma source(%arg7 : memref<32x512xf32, #tpu.memory_space<vmem>>) target(%dma_start3A_202 : memref<32x512xf32, #tpu.memory_space<hbm>>) target_semaphore(%arg17 : memref<!tpu.dma_semaphore, #tpu.memory_space<semaphore_mem>>)
    %add3A_203 = arith.constant 96 : i32
    %add3A_204 = arith.addi %mul3A_2, %add3A_203 : i32
    %dma_wait3A_205 = arith.constant 0 : i32
    %dma_wait3A_206 = tpu.memref_slice %arg5[%add3A_204, %dma_wait3A_205] : memref<16384x512xf32, #tpu.memory_space<hbm>> -> memref<32x512xf32, #tpu.memory_space<hbm>>
    %dma_wait3A_207 = arith.constant 0 : i32
    %dma_wait3A_208 = tpu.memref_slice %arg5[%add3A_204, %dma_wait3A_207] : memref<16384x512xf32, #tpu.memory_space<hbm>> -> memref<32x512xf32, #tpu.memory_space<hbm>>
    tpu.wait_dma2 semaphore(%arg16 : memref<!tpu.dma_semaphore, #tpu.memory_space<semaphore_mem>>) src(%arg6 : memref<32x512xf32, #tpu.memory_space<vmem>>) dst(%dma_wait3A_208 : memref<32x512xf32, #tpu.memory_space<hbm>>)
    %add3A_209 = arith.constant 192 : i32
    %add3A_210 = arith.addi %mul3A_2, %add3A_209 : i32
    %dma_start3A_211 = arith.constant 0 : i32
    %dma_start3A_212 = tpu.memref_slice %arg2[%add3A_210, %dma_start3A_211] : memref<16384x512xf32, #tpu.memory_space<hbm>> -> memref<32x512xf32, #tpu.memory_space<hbm>>
    %dma_start3A_213 = arith.constant 0 : i32
    %dma_start3A_214 = tpu.memref_slice %arg2[%add3A_210, %dma_start3A_213] : memref<16384x512xf32, #tpu.memory_space<hbm>> -> memref<32x512xf32, #tpu.memory_space<hbm>>
    tpu.enqueue_dma source(%dma_start3A_214 : memref<32x512xf32, #tpu.memory_space<hbm>>) target(%arg6 : memref<32x512xf32, #tpu.memory_space<vmem>>) target_semaphore(%arg13 : memref<!tpu.dma_semaphore, #tpu.memory_space<semaphore_mem>>)
    %dma_start3A_215 = arith.constant 0 : i32
    %dma_start3A_216 = tpu.memref_slice %arg3[%add3A_210, %dma_start3A_215] : memref<16384x512xf32, #tpu.memory_space<hbm>> -> memref<32x512xf32, #tpu.memory_space<hbm>>
    %dma_start3A_217 = arith.constant 0 : i32
    %dma_start3A_218 = tpu.memref_slice %arg3[%add3A_210, %dma_start3A_217] : memref<16384x512xf32, #tpu.memory_space<hbm>> -> memref<32x512xf32, #tpu.memory_space<hbm>>
    tpu.enqueue_dma source(%dma_start3A_218 : memref<32x512xf32, #tpu.memory_space<hbm>>) target(%arg9 : memref<32x512xf32, #tpu.memory_space<vmem>>) target_semaphore(%arg13 : memref<!tpu.dma_semaphore, #tpu.memory_space<semaphore_mem>>)
    %add3A_219 = arith.constant 160 : i32
    %add3A_220 = arith.addi %mul3A_2, %add3A_219 : i32
    %dma_wait3A_221 = arith.constant 0 : i32
    %dma_wait3A_222 = tpu.memref_slice %arg2[%add3A_220, %dma_wait3A_221] : memref<16384x512xf32, #tpu.memory_space<hbm>> -> memref<32x512xf32, #tpu.memory_space<hbm>>
    %dma_wait3A_223 = arith.constant 0 : i32
    %dma_wait3A_224 = tpu.memref_slice %arg2[%add3A_220, %dma_wait3A_223] : memref<16384x512xf32, #tpu.memory_space<hbm>> -> memref<32x512xf32, #tpu.memory_space<hbm>>
    tpu.wait_dma2 semaphore(%arg15 : memref<!tpu.dma_semaphore, #tpu.memory_space<semaphore_mem>>) src(%dma_wait3A_224 : memref<32x512xf32, #tpu.memory_space<hbm>>) dst(%arg8 : memref<32x512xf32, #tpu.memory_space<vmem>>)
    %dma_wait3A_225 = arith.constant 0 : i32
    %dma_wait3A_226 = tpu.memref_slice %arg3[%add3A_220, %dma_wait3A_225] : memref<16384x512xf32, #tpu.memory_space<hbm>> -> memref<32x512xf32, #tpu.memory_space<hbm>>
    %dma_wait3A_227 = arith.constant 0 : i32
    %dma_wait3A_228 = tpu.memref_slice %arg3[%add3A_220, %dma_wait3A_227] : memref<16384x512xf32, #tpu.memory_space<hbm>> -> memref<32x512xf32, #tpu.memory_space<hbm>>
    tpu.wait_dma2 semaphore(%arg15 : memref<!tpu.dma_semaphore, #tpu.memory_space<semaphore_mem>>) src(%dma_wait3A_228 : memref<32x512xf32, #tpu.memory_space<hbm>>) dst(%arg11 : memref<32x512xf32, #tpu.memory_space<vmem>>)
    %scan3A_229 = arith.constant 0 : i32
    %scan3A_230 = arith.constant 0 : i32
    %scan3A_231 = arith.constant 32 : i32
    %scan3A_232 = arith.addi %scan3A_230, %scan3A_231 : i32
    %scan3A_233 = arith.constant 1 : i32
    scf.for %scan3A_623 = %scan3A_230 to %scan3A_232 step %scan3A_233  : i32 {
      %broadcast_in_dim3A = vector.broadcast %scan3A_623 : i32 to vector<16xi32>
      %gather3A = tpu.vector_load_idx %arg11[%broadcast_in_dim3A, %get3A_3] : memref<32x512xf32, #tpu.memory_space<vmem>>[vector<16xi32>, vector<16xi32>], vector<16xf32>,
      tpu.vector_store_idx %arg8[%broadcast_in_dim3A, %get3A_3], %gather3A : memref<32x512xf32, #tpu.memory_space<vmem>>[vector<16xi32>, vector<16xi32>], vector<16xf32>,
      %gather3A_624 = tpu.vector_load_idx %arg11[%broadcast_in_dim3A, %get3A_5] : memref<32x512xf32, #tpu.memory_space<vmem>>[vector<16xi32>, vector<16xi32>], vector<16xf32>,
      tpu.vector_store_idx %arg8[%broadcast_in_dim3A, %get3A_5], %gather3A_624 : memref<32x512xf32, #tpu.memory_space<vmem>>[vector<16xi32>, vector<16xi32>], vector<16xf32>,
      %gather3A_625 = tpu.vector_load_idx %arg11[%broadcast_in_dim3A, %get3A_7] : memref<32x512xf32, #tpu.memory_space<vmem>>[vector<16xi32>, vector<16xi32>], vector<16xf32>,
      tpu.vector_store_idx %arg8[%broadcast_in_dim3A, %get3A_7], %gather3A_625 : memref<32x512xf32, #tpu.memory_space<vmem>>[vector<16xi32>, vector<16xi32>], vector<16xf32>,
      %gather3A_626 = tpu.vector_load_idx %arg11[%broadcast_in_dim3A, %get3A_9] : memref<32x512xf32, #tpu.memory_space<vmem>>[vector<16xi32>, vector<16xi32>], vector<16xf32>,
      tpu.vector_store_idx %arg8[%broadcast_in_dim3A, %get3A_9], %gather3A_626 : memref<32x512xf32, #tpu.memory_space<vmem>>[vector<16xi32>, vector<16xi32>], vector<16xf32>,
      %gather3A_627 = tpu.vector_load_idx %arg11[%broadcast_in_dim3A, %get3A_11] : memref<32x512xf32, #tpu.memory_space<vmem>>[vector<16xi32>, vector<16xi32>], vector<16xf32>,
      tpu.vector_store_idx %arg8[%broadcast_in_dim3A, %get3A_11], %gather3A_627 : memref<32x512xf32, #tpu.memory_space<vmem>>[vector<16xi32>, vector<16xi32>], vector<16xf32>,
      %gather3A_628 = tpu.vector_load_idx %arg11[%broadcast_in_dim3A, %get3A_13] : memref<32x512xf32, #tpu.memory_space<vmem>>[vector<16xi32>, vector<16xi32>], vector<16xf32>,
      tpu.vector_store_idx %arg8[%broadcast_in_dim3A, %get3A_13], %gather3A_628 : memref<32x512xf32, #tpu.memory_space<vmem>>[vector<16xi32>, vector<16xi32>], vector<16xf32>,
      %gather3A_629 = tpu.vector_load_idx %arg11[%broadcast_in_dim3A, %get3A_15] : memref<32x512xf32, #tpu.memory_space<vmem>>[vector<16xi32>, vector<16xi32>], vector<16xf32>,
      tpu.vector_store_idx %arg8[%broadcast_in_dim3A, %get3A_15], %gather3A_629 : memref<32x512xf32, #tpu.memory_space<vmem>>[vector<16xi32>, vector<16xi32>], vector<16xf32>,
      %gather3A_630 = tpu.vector_load_idx %arg11[%broadcast_in_dim3A, %get3A_17] : memref<32x512xf32, #tpu.memory_space<vmem>>[vector<16xi32>, vector<16xi32>], vector<16xf32>,
      tpu.vector_store_idx %arg8[%broadcast_in_dim3A, %get3A_17], %gather3A_630 : memref<32x512xf32, #tpu.memory_space<vmem>>[vector<16xi32>, vector<16xi32>], vector<16xf32>,
    }
    %scan3A_234 = arith.constant 32 : i32
    %add3A_235 = arith.constant 160 : i32
    %add3A_236 = arith.addi %mul3A_2, %add3A_235 : i32
    %dma_start3A_237 = arith.constant 0 : i32
    %dma_start3A_238 = tpu.memref_slice %arg5[%add3A_236, %dma_start3A_237] : memref<16384x512xf32, #tpu.memory_space<hbm>> -> memref<32x512xf32, #tpu.memory_space<hbm>>
    %dma_start3A_239 = arith.constant 0 : i32
    %dma_start3A_240 = tpu.memref_slice %arg5[%add3A_236, %dma_start3A_239] : memref<16384x512xf32, #tpu.memory_space<hbm>> -> memref<32x512xf32, #tpu.memory_space<hbm>>
    tpu.enqueue_dma source(%arg8 : memref<32x512xf32, #tpu.memory_space<vmem>>) target(%dma_start3A_240 : memref<32x512xf32, #tpu.memory_space<hbm>>) target_semaphore(%arg18 : memref<!tpu.dma_semaphore, #tpu.memory_space<semaphore_mem>>)
    %add3A_241 = arith.constant 128 : i32
    %add3A_242 = arith.addi %mul3A_2, %add3A_241 : i32
    %dma_wait3A_243 = arith.constant 0 : i32
    %dma_wait3A_244 = tpu.memref_slice %arg5[%add3A_242, %dma_wait3A_243] : memref<16384x512xf32, #tpu.memory_space<hbm>> -> memref<32x512xf32, #tpu.memory_space<hbm>>
    %dma_wait3A_245 = arith.constant 0 : i32
    %dma_wait3A_246 = tpu.memref_slice %arg5[%add3A_242, %dma_wait3A_245] : memref<16384x512xf32, #tpu.memory_space<hbm>> -> memref<32x512xf32, #tpu.memory_space<hbm>>
    tpu.wait_dma2 semaphore(%arg17 : memref<!tpu.dma_semaphore, #tpu.memory_space<semaphore_mem>>) src(%arg7 : memref<32x512xf32, #tpu.memory_space<vmem>>) dst(%dma_wait3A_246 : memref<32x512xf32, #tpu.memory_space<hbm>>)
    %add3A_247 = arith.constant 224 : i32
    %add3A_248 = arith.addi %mul3A_2, %add3A_247 : i32
    %dma_start3A_249 = arith.constant 0 : i32
    %dma_start3A_250 = tpu.memref_slice %arg2[%add3A_248, %dma_start3A_249] : memref<16384x512xf32, #tpu.memory_space<hbm>> -> memref<32x512xf32, #tpu.memory_space<hbm>>
    %dma_start3A_251 = arith.constant 0 : i32
    %dma_start3A_252 = tpu.memref_slice %arg2[%add3A_248, %dma_start3A_251] : memref<16384x512xf32, #tpu.memory_space<hbm>> -> memref<32x512xf32, #tpu.memory_space<hbm>>
    tpu.enqueue_dma source(%dma_start3A_252 : memref<32x512xf32, #tpu.memory_space<hbm>>) target(%arg7 : memref<32x512xf32, #tpu.memory_space<vmem>>) target_semaphore(%arg14 : memref<!tpu.dma_semaphore, #tpu.memory_space<semaphore_mem>>)
    %dma_start3A_253 = arith.constant 0 : i32
    %dma_start3A_254 = tpu.memref_slice %arg3[%add3A_248, %dma_start3A_253] : memref<16384x512xf32, #tpu.memory_space<hbm>> -> memref<32x512xf32, #tpu.memory_space<hbm>>
    %dma_start3A_255 = arith.constant 0 : i32
    %dma_start3A_256 = tpu.memref_slice %arg3[%add3A_248, %dma_start3A_255] : memref<16384x512xf32, #tpu.memory_space<hbm>> -> memref<32x512xf32, #tpu.memory_space<hbm>>
    tpu.enqueue_dma source(%dma_start3A_256 : memref<32x512xf32, #tpu.memory_space<hbm>>) target(%arg10 : memref<32x512xf32, #tpu.memory_space<vmem>>) target_semaphore(%arg14 : memref<!tpu.dma_semaphore, #tpu.memory_space<semaphore_mem>>)
    %add3A_257 = arith.constant 192 : i32
    %add3A_258 = arith.addi %mul3A_2, %add3A_257 : i32
    %dma_wait3A_259 = arith.constant 0 : i32
    %dma_wait3A_260 = tpu.memref_slice %arg2[%add3A_258, %dma_wait3A_259] : memref<16384x512xf32, #tpu.memory_space<hbm>> -> memref<32x512xf32, #tpu.memory_space<hbm>>
    %dma_wait3A_261 = arith.constant 0 : i32
    %dma_wait3A_262 = tpu.memref_slice %arg2[%add3A_258, %dma_wait3A_261] : memref<16384x512xf32, #tpu.memory_space<hbm>> -> memref<32x512xf32, #tpu.memory_space<hbm>>
    tpu.wait_dma2 semaphore(%arg13 : memref<!tpu.dma_semaphore, #tpu.memory_space<semaphore_mem>>) src(%dma_wait3A_262 : memref<32x512xf32, #tpu.memory_space<hbm>>) dst(%arg6 : memref<32x512xf32, #tpu.memory_space<vmem>>)
    %dma_wait3A_263 = arith.constant 0 : i32
    %dma_wait3A_264 = tpu.memref_slice %arg3[%add3A_258, %dma_wait3A_263] : memref<16384x512xf32, #tpu.memory_space<hbm>> -> memref<32x512xf32, #tpu.memory_space<hbm>>
    %dma_wait3A_265 = arith.constant 0 : i32
    %dma_wait3A_266 = tpu.memref_slice %arg3[%add3A_258, %dma_wait3A_265] : memref<16384x512xf32, #tpu.memory_space<hbm>> -> memref<32x512xf32, #tpu.memory_space<hbm>>
    tpu.wait_dma2 semaphore(%arg13 : memref<!tpu.dma_semaphore, #tpu.memory_space<semaphore_mem>>) src(%dma_wait3A_266 : memref<32x512xf32, #tpu.memory_space<hbm>>) dst(%arg9 : memref<32x512xf32, #tpu.memory_space<vmem>>)
    %scan3A_267 = arith.constant 0 : i32
    %scan3A_268 = arith.constant 0 : i32
    %scan3A_269 = arith.constant 32 : i32
    %scan3A_270 = arith.addi %scan3A_268, %scan3A_269 : i32
    %scan3A_271 = arith.constant 1 : i32
    scf.for %scan3A_623 = %scan3A_268 to %scan3A_270 step %scan3A_271  : i32 {
      %broadcast_in_dim3A = vector.broadcast %scan3A_623 : i32 to vector<16xi32>
      %gather3A = tpu.vector_load_idx %arg9[%broadcast_in_dim3A, %get3A_3] : memref<32x512xf32, #tpu.memory_space<vmem>>[vector<16xi32>, vector<16xi32>], vector<16xf32>,
      tpu.vector_store_idx %arg6[%broadcast_in_dim3A, %get3A_3], %gather3A : memref<32x512xf32, #tpu.memory_space<vmem>>[vector<16xi32>, vector<16xi32>], vector<16xf32>,
      %gather3A_624 = tpu.vector_load_idx %arg9[%broadcast_in_dim3A, %get3A_5] : memref<32x512xf32, #tpu.memory_space<vmem>>[vector<16xi32>, vector<16xi32>], vector<16xf32>,
      tpu.vector_store_idx %arg6[%broadcast_in_dim3A, %get3A_5], %gather3A_624 : memref<32x512xf32, #tpu.memory_space<vmem>>[vector<16xi32>, vector<16xi32>], vector<16xf32>,
      %gather3A_625 = tpu.vector_load_idx %arg9[%broadcast_in_dim3A, %get3A_7] : memref<32x512xf32, #tpu.memory_space<vmem>>[vector<16xi32>, vector<16xi32>], vector<16xf32>,
      tpu.vector_store_idx %arg6[%broadcast_in_dim3A, %get3A_7], %gather3A_625 : memref<32x512xf32, #tpu.memory_space<vmem>>[vector<16xi32>, vector<16xi32>], vector<16xf32>,
      %gather3A_626 = tpu.vector_load_idx %arg9[%broadcast_in_dim3A, %get3A_9] : memref<32x512xf32, #tpu.memory_space<vmem>>[vector<16xi32>, vector<16xi32>], vector<16xf32>,
      tpu.vector_store_idx %arg6[%broadcast_in_dim3A, %get3A_9], %gather3A_626 : memref<32x512xf32, #tpu.memory_space<vmem>>[vector<16xi32>, vector<16xi32>], vector<16xf32>,
      %gather3A_627 = tpu.vector_load_idx %arg9[%broadcast_in_dim3A, %get3A_11] : memref<32x512xf32, #tpu.memory_space<vmem>>[vector<16xi32>, vector<16xi32>], vector<16xf32>,
      tpu.vector_store_idx %arg6[%broadcast_in_dim3A, %get3A_11], %gather3A_627 : memref<32x512xf32, #tpu.memory_space<vmem>>[vector<16xi32>, vector<16xi32>], vector<16xf32>,
      %gather3A_628 = tpu.vector_load_idx %arg9[%broadcast_in_dim3A, %get3A_13] : memref<32x512xf32, #tpu.memory_space<vmem>>[vector<16xi32>, vector<16xi32>], vector<16xf32>,
      tpu.vector_store_idx %arg6[%broadcast_in_dim3A, %get3A_13], %gather3A_628 : memref<32x512xf32, #tpu.memory_space<vmem>>[vector<16xi32>, vector<16xi32>], vector<16xf32>,
      %gather3A_629 = tpu.vector_load_idx %arg9[%broadcast_in_dim3A, %get3A_15] : memref<32x512xf32, #tpu.memory_space<vmem>>[vector<16xi32>, vector<16xi32>], vector<16xf32>,
      tpu.vector_store_idx %arg6[%broadcast_in_dim3A, %get3A_15], %gather3A_629 : memref<32x512xf32, #tpu.memory_space<vmem>>[vector<16xi32>, vector<16xi32>], vector<16xf32>,
      %gather3A_630 = tpu.vector_load_idx %arg9[%broadcast_in_dim3A, %get3A_17] : memref<32x512xf32, #tpu.memory_space<vmem>>[vector<16xi32>, vector<16xi32>], vector<16xf32>,
      tpu.vector_store_idx %arg6[%broadcast_in_dim3A, %get3A_17], %gather3A_630 : memref<32x512xf32, #tpu.memory_space<vmem>>[vector<16xi32>, vector<16xi32>], vector<16xf32>,
    }
    %scan3A_272 = arith.constant 32 : i32
    %add3A_273 = arith.constant 192 : i32
    %add3A_274 = arith.addi %mul3A_2, %add3A_273 : i32
    %dma_start3A_275 = arith.constant 0 : i32
    %dma_start3A_276 = tpu.memref_slice %arg5[%add3A_274, %dma_start3A_275] : memref<16384x512xf32, #tpu.memory_space<hbm>> -> memref<32x512xf32, #tpu.memory_space<hbm>>
    %dma_start3A_277 = arith.constant 0 : i32
    %dma_start3A_278 = tpu.memref_slice %arg5[%add3A_274, %dma_start3A_277] : memref<16384x512xf32, #tpu.memory_space<hbm>> -> memref<32x512xf32, #tpu.memory_space<hbm>>
    tpu.enqueue_dma source(%arg6 : memref<32x512xf32, #tpu.memory_space<vmem>>) target(%dma_start3A_278 : memref<32x512xf32, #tpu.memory_space<hbm>>) target_semaphore(%arg16 : memref<!tpu.dma_semaphore, #tpu.memory_space<semaphore_mem>>)
    %add3A_279 = arith.constant 160 : i32
    %add3A_280 = arith.addi %mul3A_2, %add3A_279 : i32
    %dma_wait3A_281 = arith.constant 0 : i32
    %dma_wait3A_282 = tpu.memref_slice %arg5[%add3A_280, %dma_wait3A_281] : memref<16384x512xf32, #tpu.memory_space<hbm>> -> memref<32x512xf32, #tpu.memory_space<hbm>>
    %dma_wait3A_283 = arith.constant 0 : i32
    %dma_wait3A_284 = tpu.memref_slice %arg5[%add3A_280, %dma_wait3A_283] : memref<16384x512xf32, #tpu.memory_space<hbm>> -> memref<32x512xf32, #tpu.memory_space<hbm>>
    tpu.wait_dma2 semaphore(%arg18 : memref<!tpu.dma_semaphore, #tpu.memory_space<semaphore_mem>>) src(%arg8 : memref<32x512xf32, #tpu.memory_space<vmem>>) dst(%dma_wait3A_284 : memref<32x512xf32, #tpu.memory_space<hbm>>)
    %add3A_285 = arith.constant 256 : i32
    %add3A_286 = arith.addi %mul3A_2, %add3A_285 : i32
    %dma_start3A_287 = arith.constant 0 : i32
    %dma_start3A_288 = tpu.memref_slice %arg2[%add3A_286, %dma_start3A_287] : memref<16384x512xf32, #tpu.memory_space<hbm>> -> memref<32x512xf32, #tpu.memory_space<hbm>>
    %dma_start3A_289 = arith.constant 0 : i32
    %dma_start3A_290 = tpu.memref_slice %arg2[%add3A_286, %dma_start3A_289] : memref<16384x512xf32, #tpu.memory_space<hbm>> -> memref<32x512xf32, #tpu.memory_space<hbm>>
    tpu.enqueue_dma source(%dma_start3A_290 : memref<32x512xf32, #tpu.memory_space<hbm>>) target(%arg8 : memref<32x512xf32, #tpu.memory_space<vmem>>) target_semaphore(%arg15 : memref<!tpu.dma_semaphore, #tpu.memory_space<semaphore_mem>>)
    %dma_start3A_291 = arith.constant 0 : i32
    %dma_start3A_292 = tpu.memref_slice %arg3[%add3A_286, %dma_start3A_291] : memref<16384x512xf32, #tpu.memory_space<hbm>> -> memref<32x512xf32, #tpu.memory_space<hbm>>
    %dma_start3A_293 = arith.constant 0 : i32
    %dma_start3A_294 = tpu.memref_slice %arg3[%add3A_286, %dma_start3A_293] : memref<16384x512xf32, #tpu.memory_space<hbm>> -> memref<32x512xf32, #tpu.memory_space<hbm>>
    tpu.enqueue_dma source(%dma_start3A_294 : memref<32x512xf32, #tpu.memory_space<hbm>>) target(%arg11 : memref<32x512xf32, #tpu.memory_space<vmem>>) target_semaphore(%arg15 : memref<!tpu.dma_semaphore, #tpu.memory_space<semaphore_mem>>)
    %add3A_295 = arith.constant 224 : i32
    %add3A_296 = arith.addi %mul3A_2, %add3A_295 : i32
    %dma_wait3A_297 = arith.constant 0 : i32
    %dma_wait3A_298 = tpu.memref_slice %arg2[%add3A_296, %dma_wait3A_297] : memref<16384x512xf32, #tpu.memory_space<hbm>> -> memref<32x512xf32, #tpu.memory_space<hbm>>
    %dma_wait3A_299 = arith.constant 0 : i32
    %dma_wait3A_300 = tpu.memref_slice %arg2[%add3A_296, %dma_wait3A_299] : memref<16384x512xf32, #tpu.memory_space<hbm>> -> memref<32x512xf32, #tpu.memory_space<hbm>>
    tpu.wait_dma2 semaphore(%arg14 : memref<!tpu.dma_semaphore, #tpu.memory_space<semaphore_mem>>) src(%dma_wait3A_300 : memref<32x512xf32, #tpu.memory_space<hbm>>) dst(%arg7 : memref<32x512xf32, #tpu.memory_space<vmem>>)
    %dma_wait3A_301 = arith.constant 0 : i32
    %dma_wait3A_302 = tpu.memref_slice %arg3[%add3A_296, %dma_wait3A_301] : memref<16384x512xf32, #tpu.memory_space<hbm>> -> memref<32x512xf32, #tpu.memory_space<hbm>>
    %dma_wait3A_303 = arith.constant 0 : i32
    %dma_wait3A_304 = tpu.memref_slice %arg3[%add3A_296, %dma_wait3A_303] : memref<16384x512xf32, #tpu.memory_space<hbm>> -> memref<32x512xf32, #tpu.memory_space<hbm>>
    tpu.wait_dma2 semaphore(%arg14 : memref<!tpu.dma_semaphore, #tpu.memory_space<semaphore_mem>>) src(%dma_wait3A_304 : memref<32x512xf32, #tpu.memory_space<hbm>>) dst(%arg10 : memref<32x512xf32, #tpu.memory_space<vmem>>)
    %scan3A_305 = arith.constant 0 : i32
    %scan3A_306 = arith.constant 0 : i32
    %scan3A_307 = arith.constant 32 : i32
    %scan3A_308 = arith.addi %scan3A_306, %scan3A_307 : i32
    %scan3A_309 = arith.constant 1 : i32
    scf.for %scan3A_623 = %scan3A_306 to %scan3A_308 step %scan3A_309  : i32 {
      %broadcast_in_dim3A = vector.broadcast %scan3A_623 : i32 to vector<16xi32>
      %gather3A = tpu.vector_load_idx %arg10[%broadcast_in_dim3A, %get3A_3] : memref<32x512xf32, #tpu.memory_space<vmem>>[vector<16xi32>, vector<16xi32>], vector<16xf32>,
      tpu.vector_store_idx %arg7[%broadcast_in_dim3A, %get3A_3], %gather3A : memref<32x512xf32, #tpu.memory_space<vmem>>[vector<16xi32>, vector<16xi32>], vector<16xf32>,
      %gather3A_624 = tpu.vector_load_idx %arg10[%broadcast_in_dim3A, %get3A_5] : memref<32x512xf32, #tpu.memory_space<vmem>>[vector<16xi32>, vector<16xi32>], vector<16xf32>,
      tpu.vector_store_idx %arg7[%broadcast_in_dim3A, %get3A_5], %gather3A_624 : memref<32x512xf32, #tpu.memory_space<vmem>>[vector<16xi32>, vector<16xi32>], vector<16xf32>,
      %gather3A_625 = tpu.vector_load_idx %arg10[%broadcast_in_dim3A, %get3A_7] : memref<32x512xf32, #tpu.memory_space<vmem>>[vector<16xi32>, vector<16xi32>], vector<16xf32>,
      tpu.vector_store_idx %arg7[%broadcast_in_dim3A, %get3A_7], %gather3A_625 : memref<32x512xf32, #tpu.memory_space<vmem>>[vector<16xi32>, vector<16xi32>], vector<16xf32>,
      %gather3A_626 = tpu.vector_load_idx %arg10[%broadcast_in_dim3A, %get3A_9] : memref<32x512xf32, #tpu.memory_space<vmem>>[vector<16xi32>, vector<16xi32>], vector<16xf32>,
      tpu.vector_store_idx %arg7[%broadcast_in_dim3A, %get3A_9], %gather3A_626 : memref<32x512xf32, #tpu.memory_space<vmem>>[vector<16xi32>, vector<16xi32>], vector<16xf32>,
      %gather3A_627 = tpu.vector_load_idx %arg10[%broadcast_in_dim3A, %get3A_11] : memref<32x512xf32, #tpu.memory_space<vmem>>[vector<16xi32>, vector<16xi32>], vector<16xf32>,
      tpu.vector_store_idx %arg7[%broadcast_in_dim3A, %get3A_11], %gather3A_627 : memref<32x512xf32, #tpu.memory_space<vmem>>[vector<16xi32>, vector<16xi32>], vector<16xf32>,
      %gather3A_628 = tpu.vector_load_idx %arg10[%broadcast_in_dim3A, %get3A_13] : memref<32x512xf32, #tpu.memory_space<vmem>>[vector<16xi32>, vector<16xi32>], vector<16xf32>,
      tpu.vector_store_idx %arg7[%broadcast_in_dim3A, %get3A_13], %gather3A_628 : memref<32x512xf32, #tpu.memory_space<vmem>>[vector<16xi32>, vector<16xi32>], vector<16xf32>,
      %gather3A_629 = tpu.vector_load_idx %arg10[%broadcast_in_dim3A, %get3A_15] : memref<32x512xf32, #tpu.memory_space<vmem>>[vector<16xi32>, vector<16xi32>], vector<16xf32>,
      tpu.vector_store_idx %arg7[%broadcast_in_dim3A, %get3A_15], %gather3A_629 : memref<32x512xf32, #tpu.memory_space<vmem>>[vector<16xi32>, vector<16xi32>], vector<16xf32>,
      %gather3A_630 = tpu.vector_load_idx %arg10[%broadcast_in_dim3A, %get3A_17] : memref<32x512xf32, #tpu.memory_space<vmem>>[vector<16xi32>, vector<16xi32>], vector<16xf32>,
      tpu.vector_store_idx %arg7[%broadcast_in_dim3A, %get3A_17], %gather3A_630 : memref<32x512xf32, #tpu.memory_space<vmem>>[vector<16xi32>, vector<16xi32>], vector<16xf32>,
    }
    %scan3A_310 = arith.constant 32 : i32
    %add3A_311 = arith.constant 224 : i32
    %add3A_312 = arith.addi %mul3A_2, %add3A_311 : i32
    %dma_start3A_313 = arith.constant 0 : i32
    %dma_start3A_314 = tpu.memref_slice %arg5[%add3A_312, %dma_start3A_313] : memref<16384x512xf32, #tpu.memory_space<hbm>> -> memref<32x512xf32, #tpu.memory_space<hbm>>
    %dma_start3A_315 = arith.constant 0 : i32
    %dma_start3A_316 = tpu.memref_slice %arg5[%add3A_312, %dma_start3A_315] : memref<16384x512xf32, #tpu.memory_space<hbm>> -> memref<32x512xf32, #tpu.memory_space<hbm>>
    tpu.enqueue_dma source(%arg7 : memref<32x512xf32, #tpu.memory_space<vmem>>) target(%dma_start3A_316 : memref<32x512xf32, #tpu.memory_space<hbm>>) target_semaphore(%arg17 : memref<!tpu.dma_semaphore, #tpu.memory_space<semaphore_mem>>)
    %add3A_317 = arith.constant 192 : i32
    %add3A_318 = arith.addi %mul3A_2, %add3A_317 : i32
    %dma_wait3A_319 = arith.constant 0 : i32
    %dma_wait3A_320 = tpu.memref_slice %arg5[%add3A_318, %dma_wait3A_319] : memref<16384x512xf32, #tpu.memory_space<hbm>> -> memref<32x512xf32, #tpu.memory_space<hbm>>
    %dma_wait3A_321 = arith.constant 0 : i32
    %dma_wait3A_322 = tpu.memref_slice %arg5[%add3A_318, %dma_wait3A_321] : memref<16384x512xf32, #tpu.memory_space<hbm>> -> memref<32x512xf32, #tpu.memory_space<hbm>>
    tpu.wait_dma2 semaphore(%arg16 : memref<!tpu.dma_semaphore, #tpu.memory_space<semaphore_mem>>) src(%arg6 : memref<32x512xf32, #tpu.memory_space<vmem>>) dst(%dma_wait3A_322 : memref<32x512xf32, #tpu.memory_space<hbm>>)
    %add3A_323 = arith.constant 288 : i32
    %add3A_324 = arith.addi %mul3A_2, %add3A_323 : i32
    %dma_start3A_325 = arith.constant 0 : i32
    %dma_start3A_326 = tpu.memref_slice %arg2[%add3A_324, %dma_start3A_325] : memref<16384x512xf32, #tpu.memory_space<hbm>> -> memref<32x512xf32, #tpu.memory_space<hbm>>
    %dma_start3A_327 = arith.constant 0 : i32
    %dma_start3A_328 = tpu.memref_slice %arg2[%add3A_324, %dma_start3A_327] : memref<16384x512xf32, #tpu.memory_space<hbm>> -> memref<32x512xf32, #tpu.memory_space<hbm>>
    tpu.enqueue_dma source(%dma_start3A_328 : memref<32x512xf32, #tpu.memory_space<hbm>>) target(%arg6 : memref<32x512xf32, #tpu.memory_space<vmem>>) target_semaphore(%arg13 : memref<!tpu.dma_semaphore, #tpu.memory_space<semaphore_mem>>)
    %dma_start3A_329 = arith.constant 0 : i32
    %dma_start3A_330 = tpu.memref_slice %arg3[%add3A_324, %dma_start3A_329] : memref<16384x512xf32, #tpu.memory_space<hbm>> -> memref<32x512xf32, #tpu.memory_space<hbm>>
    %dma_start3A_331 = arith.constant 0 : i32
    %dma_start3A_332 = tpu.memref_slice %arg3[%add3A_324, %dma_start3A_331] : memref<16384x512xf32, #tpu.memory_space<hbm>> -> memref<32x512xf32, #tpu.memory_space<hbm>>
    tpu.enqueue_dma source(%dma_start3A_332 : memref<32x512xf32, #tpu.memory_space<hbm>>) target(%arg9 : memref<32x512xf32, #tpu.memory_space<vmem>>) target_semaphore(%arg13 : memref<!tpu.dma_semaphore, #tpu.memory_space<semaphore_mem>>)
    %add3A_333 = arith.constant 256 : i32
    %add3A_334 = arith.addi %mul3A_2, %add3A_333 : i32
    %dma_wait3A_335 = arith.constant 0 : i32
    %dma_wait3A_336 = tpu.memref_slice %arg2[%add3A_334, %dma_wait3A_335] : memref<16384x512xf32, #tpu.memory_space<hbm>> -> memref<32x512xf32, #tpu.memory_space<hbm>>
    %dma_wait3A_337 = arith.constant 0 : i32
    %dma_wait3A_338 = tpu.memref_slice %arg2[%add3A_334, %dma_wait3A_337] : memref<16384x512xf32, #tpu.memory_space<hbm>> -> memref<32x512xf32, #tpu.memory_space<hbm>>
    tpu.wait_dma2 semaphore(%arg15 : memref<!tpu.dma_semaphore, #tpu.memory_space<semaphore_mem>>) src(%dma_wait3A_338 : memref<32x512xf32, #tpu.memory_space<hbm>>) dst(%arg8 : memref<32x512xf32, #tpu.memory_space<vmem>>)
    %dma_wait3A_339 = arith.constant 0 : i32
    %dma_wait3A_340 = tpu.memref_slice %arg3[%add3A_334, %dma_wait3A_339] : memref<16384x512xf32, #tpu.memory_space<hbm>> -> memref<32x512xf32, #tpu.memory_space<hbm>>
    %dma_wait3A_341 = arith.constant 0 : i32
    %dma_wait3A_342 = tpu.memref_slice %arg3[%add3A_334, %dma_wait3A_341] : memref<16384x512xf32, #tpu.memory_space<hbm>> -> memref<32x512xf32, #tpu.memory_space<hbm>>
    tpu.wait_dma2 semaphore(%arg15 : memref<!tpu.dma_semaphore, #tpu.memory_space<semaphore_mem>>) src(%dma_wait3A_342 : memref<32x512xf32, #tpu.memory_space<hbm>>) dst(%arg11 : memref<32x512xf32, #tpu.memory_space<vmem>>)
    %scan3A_343 = arith.constant 0 : i32
    %scan3A_344 = arith.constant 0 : i32
    %scan3A_345 = arith.constant 32 : i32
    %scan3A_346 = arith.addi %scan3A_344, %scan3A_345 : i32
    %scan3A_347 = arith.constant 1 : i32
    scf.for %scan3A_623 = %scan3A_344 to %scan3A_346 step %scan3A_347  : i32 {
      %broadcast_in_dim3A = vector.broadcast %scan3A_623 : i32 to vector<16xi32>
      %gather3A = tpu.vector_load_idx %arg11[%broadcast_in_dim3A, %get3A_3] : memref<32x512xf32, #tpu.memory_space<vmem>>[vector<16xi32>, vector<16xi32>], vector<16xf32>,
      tpu.vector_store_idx %arg8[%broadcast_in_dim3A, %get3A_3], %gather3A : memref<32x512xf32, #tpu.memory_space<vmem>>[vector<16xi32>, vector<16xi32>], vector<16xf32>,
      %gather3A_624 = tpu.vector_load_idx %arg11[%broadcast_in_dim3A, %get3A_5] : memref<32x512xf32, #tpu.memory_space<vmem>>[vector<16xi32>, vector<16xi32>], vector<16xf32>,
      tpu.vector_store_idx %arg8[%broadcast_in_dim3A, %get3A_5], %gather3A_624 : memref<32x512xf32, #tpu.memory_space<vmem>>[vector<16xi32>, vector<16xi32>], vector<16xf32>,
      %gather3A_625 = tpu.vector_load_idx %arg11[%broadcast_in_dim3A, %get3A_7] : memref<32x512xf32, #tpu.memory_space<vmem>>[vector<16xi32>, vector<16xi32>], vector<16xf32>,
      tpu.vector_store_idx %arg8[%broadcast_in_dim3A, %get3A_7], %gather3A_625 : memref<32x512xf32, #tpu.memory_space<vmem>>[vector<16xi32>, vector<16xi32>], vector<16xf32>,
      %gather3A_626 = tpu.vector_load_idx %arg11[%broadcast_in_dim3A, %get3A_9] : memref<32x512xf32, #tpu.memory_space<vmem>>[vector<16xi32>, vector<16xi32>], vector<16xf32>,
      tpu.vector_store_idx %arg8[%broadcast_in_dim3A, %get3A_9], %gather3A_626 : memref<32x512xf32, #tpu.memory_space<vmem>>[vector<16xi32>, vector<16xi32>], vector<16xf32>,
      %gather3A_627 = tpu.vector_load_idx %arg11[%broadcast_in_dim3A, %get3A_11] : memref<32x512xf32, #tpu.memory_space<vmem>>[vector<16xi32>, vector<16xi32>], vector<16xf32>,
      tpu.vector_store_idx %arg8[%broadcast_in_dim3A, %get3A_11], %gather3A_627 : memref<32x512xf32, #tpu.memory_space<vmem>>[vector<16xi32>, vector<16xi32>], vector<16xf32>,
      %gather3A_628 = tpu.vector_load_idx %arg11[%broadcast_in_dim3A, %get3A_13] : memref<32x512xf32, #tpu.memory_space<vmem>>[vector<16xi32>, vector<16xi32>], vector<16xf32>,
      tpu.vector_store_idx %arg8[%broadcast_in_dim3A, %get3A_13], %gather3A_628 : memref<32x512xf32, #tpu.memory_space<vmem>>[vector<16xi32>, vector<16xi32>], vector<16xf32>,
      %gather3A_629 = tpu.vector_load_idx %arg11[%broadcast_in_dim3A, %get3A_15] : memref<32x512xf32, #tpu.memory_space<vmem>>[vector<16xi32>, vector<16xi32>], vector<16xf32>,
      tpu.vector_store_idx %arg8[%broadcast_in_dim3A, %get3A_15], %gather3A_629 : memref<32x512xf32, #tpu.memory_space<vmem>>[vector<16xi32>, vector<16xi32>], vector<16xf32>,
      %gather3A_630 = tpu.vector_load_idx %arg11[%broadcast_in_dim3A, %get3A_17] : memref<32x512xf32, #tpu.memory_space<vmem>>[vector<16xi32>, vector<16xi32>], vector<16xf32>,
      tpu.vector_store_idx %arg8[%broadcast_in_dim3A, %get3A_17], %gather3A_630 : memref<32x512xf32, #tpu.memory_space<vmem>>[vector<16xi32>, vector<16xi32>], vector<16xf32>,
    }
    %scan3A_348 = arith.constant 32 : i32
    %add3A_349 = arith.constant 256 : i32
    %add3A_350 = arith.addi %mul3A_2, %add3A_349 : i32
    %dma_start3A_351 = arith.constant 0 : i32
    %dma_start3A_352 = tpu.memref_slice %arg5[%add3A_350, %dma_start3A_351] : memref<16384x512xf32, #tpu.memory_space<hbm>> -> memref<32x512xf32, #tpu.memory_space<hbm>>
    %dma_start3A_353 = arith.constant 0 : i32
    %dma_start3A_354 = tpu.memref_slice %arg5[%add3A_350, %dma_start3A_353] : memref<16384x512xf32, #tpu.memory_space<hbm>> -> memref<32x512xf32, #tpu.memory_space<hbm>>
    tpu.enqueue_dma source(%arg8 : memref<32x512xf32, #tpu.memory_space<vmem>>) target(%dma_start3A_354 : memref<32x512xf32, #tpu.memory_space<hbm>>) target_semaphore(%arg18 : memref<!tpu.dma_semaphore, #tpu.memory_space<semaphore_mem>>)
    %add3A_355 = arith.constant 224 : i32
    %add3A_356 = arith.addi %mul3A_2, %add3A_355 : i32
    %dma_wait3A_357 = arith.constant 0 : i32
    %dma_wait3A_358 = tpu.memref_slice %arg5[%add3A_356, %dma_wait3A_357] : memref<16384x512xf32, #tpu.memory_space<hbm>> -> memref<32x512xf32, #tpu.memory_space<hbm>>
    %dma_wait3A_359 = arith.constant 0 : i32
    %dma_wait3A_360 = tpu.memref_slice %arg5[%add3A_356, %dma_wait3A_359] : memref<16384x512xf32, #tpu.memory_space<hbm>> -> memref<32x512xf32, #tpu.memory_space<hbm>>
    tpu.wait_dma2 semaphore(%arg17 : memref<!tpu.dma_semaphore, #tpu.memory_space<semaphore_mem>>) src(%arg7 : memref<32x512xf32, #tpu.memory_space<vmem>>) dst(%dma_wait3A_360 : memref<32x512xf32, #tpu.memory_space<hbm>>)
    %add3A_361 = arith.constant 320 : i32
    %add3A_362 = arith.addi %mul3A_2, %add3A_361 : i32
    %dma_start3A_363 = arith.constant 0 : i32
    %dma_start3A_364 = tpu.memref_slice %arg2[%add3A_362, %dma_start3A_363] : memref<16384x512xf32, #tpu.memory_space<hbm>> -> memref<32x512xf32, #tpu.memory_space<hbm>>
    %dma_start3A_365 = arith.constant 0 : i32
    %dma_start3A_366 = tpu.memref_slice %arg2[%add3A_362, %dma_start3A_365] : memref<16384x512xf32, #tpu.memory_space<hbm>> -> memref<32x512xf32, #tpu.memory_space<hbm>>
    tpu.enqueue_dma source(%dma_start3A_366 : memref<32x512xf32, #tpu.memory_space<hbm>>) target(%arg7 : memref<32x512xf32, #tpu.memory_space<vmem>>) target_semaphore(%arg14 : memref<!tpu.dma_semaphore, #tpu.memory_space<semaphore_mem>>)
    %dma_start3A_367 = arith.constant 0 : i32
    %dma_start3A_368 = tpu.memref_slice %arg3[%add3A_362, %dma_start3A_367] : memref<16384x512xf32, #tpu.memory_space<hbm>> -> memref<32x512xf32, #tpu.memory_space<hbm>>
    %dma_start3A_369 = arith.constant 0 : i32
    %dma_start3A_370 = tpu.memref_slice %arg3[%add3A_362, %dma_start3A_369] : memref<16384x512xf32, #tpu.memory_space<hbm>> -> memref<32x512xf32, #tpu.memory_space<hbm>>
    tpu.enqueue_dma source(%dma_start3A_370 : memref<32x512xf32, #tpu.memory_space<hbm>>) target(%arg10 : memref<32x512xf32, #tpu.memory_space<vmem>>) target_semaphore(%arg14 : memref<!tpu.dma_semaphore, #tpu.memory_space<semaphore_mem>>)
    %add3A_371 = arith.constant 288 : i32
    %add3A_372 = arith.addi %mul3A_2, %add3A_371 : i32
    %dma_wait3A_373 = arith.constant 0 : i32
    %dma_wait3A_374 = tpu.memref_slice %arg2[%add3A_372, %dma_wait3A_373] : memref<16384x512xf32, #tpu.memory_space<hbm>> -> memref<32x512xf32, #tpu.memory_space<hbm>>
    %dma_wait3A_375 = arith.constant 0 : i32
    %dma_wait3A_376 = tpu.memref_slice %arg2[%add3A_372, %dma_wait3A_375] : memref<16384x512xf32, #tpu.memory_space<hbm>> -> memref<32x512xf32, #tpu.memory_space<hbm>>
    tpu.wait_dma2 semaphore(%arg13 : memref<!tpu.dma_semaphore, #tpu.memory_space<semaphore_mem>>) src(%dma_wait3A_376 : memref<32x512xf32, #tpu.memory_space<hbm>>) dst(%arg6 : memref<32x512xf32, #tpu.memory_space<vmem>>)
    %dma_wait3A_377 = arith.constant 0 : i32
    %dma_wait3A_378 = tpu.memref_slice %arg3[%add3A_372, %dma_wait3A_377] : memref<16384x512xf32, #tpu.memory_space<hbm>> -> memref<32x512xf32, #tpu.memory_space<hbm>>
    %dma_wait3A_379 = arith.constant 0 : i32
    %dma_wait3A_380 = tpu.memref_slice %arg3[%add3A_372, %dma_wait3A_379] : memref<16384x512xf32, #tpu.memory_space<hbm>> -> memref<32x512xf32, #tpu.memory_space<hbm>>
    tpu.wait_dma2 semaphore(%arg13 : memref<!tpu.dma_semaphore, #tpu.memory_space<semaphore_mem>>) src(%dma_wait3A_380 : memref<32x512xf32, #tpu.memory_space<hbm>>) dst(%arg9 : memref<32x512xf32, #tpu.memory_space<vmem>>)
    %scan3A_381 = arith.constant 0 : i32
    %scan3A_382 = arith.constant 0 : i32
    %scan3A_383 = arith.constant 32 : i32
    %scan3A_384 = arith.addi %scan3A_382, %scan3A_383 : i32
    %scan3A_385 = arith.constant 1 : i32
    scf.for %scan3A_623 = %scan3A_382 to %scan3A_384 step %scan3A_385  : i32 {
      %broadcast_in_dim3A = vector.broadcast %scan3A_623 : i32 to vector<16xi32>
      %gather3A = tpu.vector_load_idx %arg9[%broadcast_in_dim3A, %get3A_3] : memref<32x512xf32, #tpu.memory_space<vmem>>[vector<16xi32>, vector<16xi32>], vector<16xf32>,
      tpu.vector_store_idx %arg6[%broadcast_in_dim3A, %get3A_3], %gather3A : memref<32x512xf32, #tpu.memory_space<vmem>>[vector<16xi32>, vector<16xi32>], vector<16xf32>,
      %gather3A_624 = tpu.vector_load_idx %arg9[%broadcast_in_dim3A, %get3A_5] : memref<32x512xf32, #tpu.memory_space<vmem>>[vector<16xi32>, vector<16xi32>], vector<16xf32>,
      tpu.vector_store_idx %arg6[%broadcast_in_dim3A, %get3A_5], %gather3A_624 : memref<32x512xf32, #tpu.memory_space<vmem>>[vector<16xi32>, vector<16xi32>], vector<16xf32>,
      %gather3A_625 = tpu.vector_load_idx %arg9[%broadcast_in_dim3A, %get3A_7] : memref<32x512xf32, #tpu.memory_space<vmem>>[vector<16xi32>, vector<16xi32>], vector<16xf32>,
      tpu.vector_store_idx %arg6[%broadcast_in_dim3A, %get3A_7], %gather3A_625 : memref<32x512xf32, #tpu.memory_space<vmem>>[vector<16xi32>, vector<16xi32>], vector<16xf32>,
      %gather3A_626 = tpu.vector_load_idx %arg9[%broadcast_in_dim3A, %get3A_9] : memref<32x512xf32, #tpu.memory_space<vmem>>[vector<16xi32>, vector<16xi32>], vector<16xf32>,
      tpu.vector_store_idx %arg6[%broadcast_in_dim3A, %get3A_9], %gather3A_626 : memref<32x512xf32, #tpu.memory_space<vmem>>[vector<16xi32>, vector<16xi32>], vector<16xf32>,
      %gather3A_627 = tpu.vector_load_idx %arg9[%broadcast_in_dim3A, %get3A_11] : memref<32x512xf32, #tpu.memory_space<vmem>>[vector<16xi32>, vector<16xi32>], vector<16xf32>,
      tpu.vector_store_idx %arg6[%broadcast_in_dim3A, %get3A_11], %gather3A_627 : memref<32x512xf32, #tpu.memory_space<vmem>>[vector<16xi32>, vector<16xi32>], vector<16xf32>,
      %gather3A_628 = tpu.vector_load_idx %arg9[%broadcast_in_dim3A, %get3A_13] : memref<32x512xf32, #tpu.memory_space<vmem>>[vector<16xi32>, vector<16xi32>], vector<16xf32>,
      tpu.vector_store_idx %arg6[%broadcast_in_dim3A, %get3A_13], %gather3A_628 : memref<32x512xf32, #tpu.memory_space<vmem>>[vector<16xi32>, vector<16xi32>], vector<16xf32>,
      %gather3A_629 = tpu.vector_load_idx %arg9[%broadcast_in_dim3A, %get3A_15] : memref<32x512xf32, #tpu.memory_space<vmem>>[vector<16xi32>, vector<16xi32>], vector<16xf32>,
      tpu.vector_store_idx %arg6[%broadcast_in_dim3A, %get3A_15], %gather3A_629 : memref<32x512xf32, #tpu.memory_space<vmem>>[vector<16xi32>, vector<16xi32>], vector<16xf32>,
      %gather3A_630 = tpu.vector_load_idx %arg9[%broadcast_in_dim3A, %get3A_17] : memref<32x512xf32, #tpu.memory_space<vmem>>[vector<16xi32>, vector<16xi32>], vector<16xf32>,
      tpu.vector_store_idx %arg6[%broadcast_in_dim3A, %get3A_17], %gather3A_630 : memref<32x512xf32, #tpu.memory_space<vmem>>[vector<16xi32>, vector<16xi32>], vector<16xf32>,
    }
    %scan3A_386 = arith.constant 32 : i32
    %add3A_387 = arith.constant 288 : i32
    %add3A_388 = arith.addi %mul3A_2, %add3A_387 : i32
    %dma_start3A_389 = arith.constant 0 : i32
    %dma_start3A_390 = tpu.memref_slice %arg5[%add3A_388, %dma_start3A_389] : memref<16384x512xf32, #tpu.memory_space<hbm>> -> memref<32x512xf32, #tpu.memory_space<hbm>>
    %dma_start3A_391 = arith.constant 0 : i32
    %dma_start3A_392 = tpu.memref_slice %arg5[%add3A_388, %dma_start3A_391] : memref<16384x512xf32, #tpu.memory_space<hbm>> -> memref<32x512xf32, #tpu.memory_space<hbm>>
    tpu.enqueue_dma source(%arg6 : memref<32x512xf32, #tpu.memory_space<vmem>>) target(%dma_start3A_392 : memref<32x512xf32, #tpu.memory_space<hbm>>) target_semaphore(%arg16 : memref<!tpu.dma_semaphore, #tpu.memory_space<semaphore_mem>>)
    %add3A_393 = arith.constant 256 : i32
    %add3A_394 = arith.addi %mul3A_2, %add3A_393 : i32
    %dma_wait3A_395 = arith.constant 0 : i32
    %dma_wait3A_396 = tpu.memref_slice %arg5[%add3A_394, %dma_wait3A_395] : memref<16384x512xf32, #tpu.memory_space<hbm>> -> memref<32x512xf32, #tpu.memory_space<hbm>>
    %dma_wait3A_397 = arith.constant 0 : i32
    %dma_wait3A_398 = tpu.memref_slice %arg5[%add3A_394, %dma_wait3A_397] : memref<16384x512xf32, #tpu.memory_space<hbm>> -> memref<32x512xf32, #tpu.memory_space<hbm>>
    tpu.wait_dma2 semaphore(%arg18 : memref<!tpu.dma_semaphore, #tpu.memory_space<semaphore_mem>>) src(%arg8 : memref<32x512xf32, #tpu.memory_space<vmem>>) dst(%dma_wait3A_398 : memref<32x512xf32, #tpu.memory_space<hbm>>)
    %add3A_399 = arith.constant 352 : i32
    %add3A_400 = arith.addi %mul3A_2, %add3A_399 : i32
    %dma_start3A_401 = arith.constant 0 : i32
    %dma_start3A_402 = tpu.memref_slice %arg2[%add3A_400, %dma_start3A_401] : memref<16384x512xf32, #tpu.memory_space<hbm>> -> memref<32x512xf32, #tpu.memory_space<hbm>>
    %dma_start3A_403 = arith.constant 0 : i32
    %dma_start3A_404 = tpu.memref_slice %arg2[%add3A_400, %dma_start3A_403] : memref<16384x512xf32, #tpu.memory_space<hbm>> -> memref<32x512xf32, #tpu.memory_space<hbm>>
    tpu.enqueue_dma source(%dma_start3A_404 : memref<32x512xf32, #tpu.memory_space<hbm>>) target(%arg8 : memref<32x512xf32, #tpu.memory_space<vmem>>) target_semaphore(%arg15 : memref<!tpu.dma_semaphore, #tpu.memory_space<semaphore_mem>>)
    %dma_start3A_405 = arith.constant 0 : i32
    %dma_start3A_406 = tpu.memref_slice %arg3[%add3A_400, %dma_start3A_405] : memref<16384x512xf32, #tpu.memory_space<hbm>> -> memref<32x512xf32, #tpu.memory_space<hbm>>
    %dma_start3A_407 = arith.constant 0 : i32
    %dma_start3A_408 = tpu.memref_slice %arg3[%add3A_400, %dma_start3A_407] : memref<16384x512xf32, #tpu.memory_space<hbm>> -> memref<32x512xf32, #tpu.memory_space<hbm>>
    tpu.enqueue_dma source(%dma_start3A_408 : memref<32x512xf32, #tpu.memory_space<hbm>>) target(%arg11 : memref<32x512xf32, #tpu.memory_space<vmem>>) target_semaphore(%arg15 : memref<!tpu.dma_semaphore, #tpu.memory_space<semaphore_mem>>)
    %add3A_409 = arith.constant 320 : i32
    %add3A_410 = arith.addi %mul3A_2, %add3A_409 : i32
    %dma_wait3A_411 = arith.constant 0 : i32
    %dma_wait3A_412 = tpu.memref_slice %arg2[%add3A_410, %dma_wait3A_411] : memref<16384x512xf32, #tpu.memory_space<hbm>> -> memref<32x512xf32, #tpu.memory_space<hbm>>
    %dma_wait3A_413 = arith.constant 0 : i32
    %dma_wait3A_414 = tpu.memref_slice %arg2[%add3A_410, %dma_wait3A_413] : memref<16384x512xf32, #tpu.memory_space<hbm>> -> memref<32x512xf32, #tpu.memory_space<hbm>>
    tpu.wait_dma2 semaphore(%arg14 : memref<!tpu.dma_semaphore, #tpu.memory_space<semaphore_mem>>) src(%dma_wait3A_414 : memref<32x512xf32, #tpu.memory_space<hbm>>) dst(%arg7 : memref<32x512xf32, #tpu.memory_space<vmem>>)
    %dma_wait3A_415 = arith.constant 0 : i32
    %dma_wait3A_416 = tpu.memref_slice %arg3[%add3A_410, %dma_wait3A_415] : memref<16384x512xf32, #tpu.memory_space<hbm>> -> memref<32x512xf32, #tpu.memory_space<hbm>>
    %dma_wait3A_417 = arith.constant 0 : i32
    %dma_wait3A_418 = tpu.memref_slice %arg3[%add3A_410, %dma_wait3A_417] : memref<16384x512xf32, #tpu.memory_space<hbm>> -> memref<32x512xf32, #tpu.memory_space<hbm>>
    tpu.wait_dma2 semaphore(%arg14 : memref<!tpu.dma_semaphore, #tpu.memory_space<semaphore_mem>>) src(%dma_wait3A_418 : memref<32x512xf32, #tpu.memory_space<hbm>>) dst(%arg10 : memref<32x512xf32, #tpu.memory_space<vmem>>)
    %scan3A_419 = arith.constant 0 : i32
    %scan3A_420 = arith.constant 0 : i32
    %scan3A_421 = arith.constant 32 : i32
    %scan3A_422 = arith.addi %scan3A_420, %scan3A_421 : i32
    %scan3A_423 = arith.constant 1 : i32
    scf.for %scan3A_623 = %scan3A_420 to %scan3A_422 step %scan3A_423  : i32 {
      %broadcast_in_dim3A = vector.broadcast %scan3A_623 : i32 to vector<16xi32>
      %gather3A = tpu.vector_load_idx %arg10[%broadcast_in_dim3A, %get3A_3] : memref<32x512xf32, #tpu.memory_space<vmem>>[vector<16xi32>, vector<16xi32>], vector<16xf32>,
      tpu.vector_store_idx %arg7[%broadcast_in_dim3A, %get3A_3], %gather3A : memref<32x512xf32, #tpu.memory_space<vmem>>[vector<16xi32>, vector<16xi32>], vector<16xf32>,
      %gather3A_624 = tpu.vector_load_idx %arg10[%broadcast_in_dim3A, %get3A_5] : memref<32x512xf32, #tpu.memory_space<vmem>>[vector<16xi32>, vector<16xi32>], vector<16xf32>,
      tpu.vector_store_idx %arg7[%broadcast_in_dim3A, %get3A_5], %gather3A_624 : memref<32x512xf32, #tpu.memory_space<vmem>>[vector<16xi32>, vector<16xi32>], vector<16xf32>,
      %gather3A_625 = tpu.vector_load_idx %arg10[%broadcast_in_dim3A, %get3A_7] : memref<32x512xf32, #tpu.memory_space<vmem>>[vector<16xi32>, vector<16xi32>], vector<16xf32>,
      tpu.vector_store_idx %arg7[%broadcast_in_dim3A, %get3A_7], %gather3A_625 : memref<32x512xf32, #tpu.memory_space<vmem>>[vector<16xi32>, vector<16xi32>], vector<16xf32>,
      %gather3A_626 = tpu.vector_load_idx %arg10[%broadcast_in_dim3A, %get3A_9] : memref<32x512xf32, #tpu.memory_space<vmem>>[vector<16xi32>, vector<16xi32>], vector<16xf32>,
      tpu.vector_store_idx %arg7[%broadcast_in_dim3A, %get3A_9], %gather3A_626 : memref<32x512xf32, #tpu.memory_space<vmem>>[vector<16xi32>, vector<16xi32>], vector<16xf32>,
      %gather3A_627 = tpu.vector_load_idx %arg10[%broadcast_in_dim3A, %get3A_11] : memref<32x512xf32, #tpu.memory_space<vmem>>[vector<16xi32>, vector<16xi32>], vector<16xf32>,
      tpu.vector_store_idx %arg7[%broadcast_in_dim3A, %get3A_11], %gather3A_627 : memref<32x512xf32, #tpu.memory_space<vmem>>[vector<16xi32>, vector<16xi32>], vector<16xf32>,
      %gather3A_628 = tpu.vector_load_idx %arg10[%broadcast_in_dim3A, %get3A_13] : memref<32x512xf32, #tpu.memory_space<vmem>>[vector<16xi32>, vector<16xi32>], vector<16xf32>,
      tpu.vector_store_idx %arg7[%broadcast_in_dim3A, %get3A_13], %gather3A_628 : memref<32x512xf32, #tpu.memory_space<vmem>>[vector<16xi32>, vector<16xi32>], vector<16xf32>,
      %gather3A_629 = tpu.vector_load_idx %arg10[%broadcast_in_dim3A, %get3A_15] : memref<32x512xf32, #tpu.memory_space<vmem>>[vector<16xi32>, vector<16xi32>], vector<16xf32>,
      tpu.vector_store_idx %arg7[%broadcast_in_dim3A, %get3A_15], %gather3A_629 : memref<32x512xf32, #tpu.memory_space<vmem>>[vector<16xi32>, vector<16xi32>], vector<16xf32>,
      %gather3A_630 = tpu.vector_load_idx %arg10[%broadcast_in_dim3A, %get3A_17] : memref<32x512xf32, #tpu.memory_space<vmem>>[vector<16xi32>, vector<16xi32>], vector<16xf32>,
      tpu.vector_store_idx %arg7[%broadcast_in_dim3A, %get3A_17], %gather3A_630 : memref<32x512xf32, #tpu.memory_space<vmem>>[vector<16xi32>, vector<16xi32>], vector<16xf32>,
    }
    %scan3A_424 = arith.constant 32 : i32
    %add3A_425 = arith.constant 320 : i32
    %add3A_426 = arith.addi %mul3A_2, %add3A_425 : i32
    %dma_start3A_427 = arith.constant 0 : i32
    %dma_start3A_428 = tpu.memref_slice %arg5[%add3A_426, %dma_start3A_427] : memref<16384x512xf32, #tpu.memory_space<hbm>> -> memref<32x512xf32, #tpu.memory_space<hbm>>
    %dma_start3A_429 = arith.constant 0 : i32
    %dma_start3A_430 = tpu.memref_slice %arg5[%add3A_426, %dma_start3A_429] : memref<16384x512xf32, #tpu.memory_space<hbm>> -> memref<32x512xf32, #tpu.memory_space<hbm>>
    tpu.enqueue_dma source(%arg7 : memref<32x512xf32, #tpu.memory_space<vmem>>) target(%dma_start3A_430 : memref<32x512xf32, #tpu.memory_space<hbm>>) target_semaphore(%arg17 : memref<!tpu.dma_semaphore, #tpu.memory_space<semaphore_mem>>)
    %add3A_431 = arith.constant 288 : i32
    %add3A_432 = arith.addi %mul3A_2, %add3A_431 : i32
    %dma_wait3A_433 = arith.constant 0 : i32
    %dma_wait3A_434 = tpu.memref_slice %arg5[%add3A_432, %dma_wait3A_433] : memref<16384x512xf32, #tpu.memory_space<hbm>> -> memref<32x512xf32, #tpu.memory_space<hbm>>
    %dma_wait3A_435 = arith.constant 0 : i32
    %dma_wait3A_436 = tpu.memref_slice %arg5[%add3A_432, %dma_wait3A_435] : memref<16384x512xf32, #tpu.memory_space<hbm>> -> memref<32x512xf32, #tpu.memory_space<hbm>>
    tpu.wait_dma2 semaphore(%arg16 : memref<!tpu.dma_semaphore, #tpu.memory_space<semaphore_mem>>) src(%arg6 : memref<32x512xf32, #tpu.memory_space<vmem>>) dst(%dma_wait3A_436 : memref<32x512xf32, #tpu.memory_space<hbm>>)
    %add3A_437 = arith.constant 384 : i32
    %add3A_438 = arith.addi %mul3A_2, %add3A_437 : i32
    %dma_start3A_439 = arith.constant 0 : i32
    %dma_start3A_440 = tpu.memref_slice %arg2[%add3A_438, %dma_start3A_439] : memref<16384x512xf32, #tpu.memory_space<hbm>> -> memref<32x512xf32, #tpu.memory_space<hbm>>
    %dma_start3A_441 = arith.constant 0 : i32
    %dma_start3A_442 = tpu.memref_slice %arg2[%add3A_438, %dma_start3A_441] : memref<16384x512xf32, #tpu.memory_space<hbm>> -> memref<32x512xf32, #tpu.memory_space<hbm>>
    tpu.enqueue_dma source(%dma_start3A_442 : memref<32x512xf32, #tpu.memory_space<hbm>>) target(%arg6 : memref<32x512xf32, #tpu.memory_space<vmem>>) target_semaphore(%arg13 : memref<!tpu.dma_semaphore, #tpu.memory_space<semaphore_mem>>)
    %dma_start3A_443 = arith.constant 0 : i32
    %dma_start3A_444 = tpu.memref_slice %arg3[%add3A_438, %dma_start3A_443] : memref<16384x512xf32, #tpu.memory_space<hbm>> -> memref<32x512xf32, #tpu.memory_space<hbm>>
    %dma_start3A_445 = arith.constant 0 : i32
    %dma_start3A_446 = tpu.memref_slice %arg3[%add3A_438, %dma_start3A_445] : memref<16384x512xf32, #tpu.memory_space<hbm>> -> memref<32x512xf32, #tpu.memory_space<hbm>>
    tpu.enqueue_dma source(%dma_start3A_446 : memref<32x512xf32, #tpu.memory_space<hbm>>) target(%arg9 : memref<32x512xf32, #tpu.memory_space<vmem>>) target_semaphore(%arg13 : memref<!tpu.dma_semaphore, #tpu.memory_space<semaphore_mem>>)
    %add3A_447 = arith.constant 352 : i32
    %add3A_448 = arith.addi %mul3A_2, %add3A_447 : i32
    %dma_wait3A_449 = arith.constant 0 : i32
    %dma_wait3A_450 = tpu.memref_slice %arg2[%add3A_448, %dma_wait3A_449] : memref<16384x512xf32, #tpu.memory_space<hbm>> -> memref<32x512xf32, #tpu.memory_space<hbm>>
    %dma_wait3A_451 = arith.constant 0 : i32
    %dma_wait3A_452 = tpu.memref_slice %arg2[%add3A_448, %dma_wait3A_451] : memref<16384x512xf32, #tpu.memory_space<hbm>> -> memref<32x512xf32, #tpu.memory_space<hbm>>
    tpu.wait_dma2 semaphore(%arg15 : memref<!tpu.dma_semaphore, #tpu.memory_space<semaphore_mem>>) src(%dma_wait3A_452 : memref<32x512xf32, #tpu.memory_space<hbm>>) dst(%arg8 : memref<32x512xf32, #tpu.memory_space<vmem>>)
    %dma_wait3A_453 = arith.constant 0 : i32
    %dma_wait3A_454 = tpu.memref_slice %arg3[%add3A_448, %dma_wait3A_453] : memref<16384x512xf32, #tpu.memory_space<hbm>> -> memref<32x512xf32, #tpu.memory_space<hbm>>
    %dma_wait3A_455 = arith.constant 0 : i32
    %dma_wait3A_456 = tpu.memref_slice %arg3[%add3A_448, %dma_wait3A_455] : memref<16384x512xf32, #tpu.memory_space<hbm>> -> memref<32x512xf32, #tpu.memory_space<hbm>>
    tpu.wait_dma2 semaphore(%arg15 : memref<!tpu.dma_semaphore, #tpu.memory_space<semaphore_mem>>) src(%dma_wait3A_456 : memref<32x512xf32, #tpu.memory_space<hbm>>) dst(%arg11 : memref<32x512xf32, #tpu.memory_space<vmem>>)
    %scan3A_457 = arith.constant 0 : i32
    %scan3A_458 = arith.constant 0 : i32
    %scan3A_459 = arith.constant 32 : i32
    %scan3A_460 = arith.addi %scan3A_458, %scan3A_459 : i32
    %scan3A_461 = arith.constant 1 : i32
    scf.for %scan3A_623 = %scan3A_458 to %scan3A_460 step %scan3A_461  : i32 {
      %broadcast_in_dim3A = vector.broadcast %scan3A_623 : i32 to vector<16xi32>
      %gather3A = tpu.vector_load_idx %arg11[%broadcast_in_dim3A, %get3A_3] : memref<32x512xf32, #tpu.memory_space<vmem>>[vector<16xi32>, vector<16xi32>], vector<16xf32>,
      tpu.vector_store_idx %arg8[%broadcast_in_dim3A, %get3A_3], %gather3A : memref<32x512xf32, #tpu.memory_space<vmem>>[vector<16xi32>, vector<16xi32>], vector<16xf32>,
      %gather3A_624 = tpu.vector_load_idx %arg11[%broadcast_in_dim3A, %get3A_5] : memref<32x512xf32, #tpu.memory_space<vmem>>[vector<16xi32>, vector<16xi32>], vector<16xf32>,
      tpu.vector_store_idx %arg8[%broadcast_in_dim3A, %get3A_5], %gather3A_624 : memref<32x512xf32, #tpu.memory_space<vmem>>[vector<16xi32>, vector<16xi32>], vector<16xf32>,
      %gather3A_625 = tpu.vector_load_idx %arg11[%broadcast_in_dim3A, %get3A_7] : memref<32x512xf32, #tpu.memory_space<vmem>>[vector<16xi32>, vector<16xi32>], vector<16xf32>,
      tpu.vector_store_idx %arg8[%broadcast_in_dim3A, %get3A_7], %gather3A_625 : memref<32x512xf32, #tpu.memory_space<vmem>>[vector<16xi32>, vector<16xi32>], vector<16xf32>,
      %gather3A_626 = tpu.vector_load_idx %arg11[%broadcast_in_dim3A, %get3A_9] : memref<32x512xf32, #tpu.memory_space<vmem>>[vector<16xi32>, vector<16xi32>], vector<16xf32>,
      tpu.vector_store_idx %arg8[%broadcast_in_dim3A, %get3A_9], %gather3A_626 : memref<32x512xf32, #tpu.memory_space<vmem>>[vector<16xi32>, vector<16xi32>], vector<16xf32>,
      %gather3A_627 = tpu.vector_load_idx %arg11[%broadcast_in_dim3A, %get3A_11] : memref<32x512xf32, #tpu.memory_space<vmem>>[vector<16xi32>, vector<16xi32>], vector<16xf32>,
      tpu.vector_store_idx %arg8[%broadcast_in_dim3A, %get3A_11], %gather3A_627 : memref<32x512xf32, #tpu.memory_space<vmem>>[vector<16xi32>, vector<16xi32>], vector<16xf32>,
      %gather3A_628 = tpu.vector_load_idx %arg11[%broadcast_in_dim3A, %get3A_13] : memref<32x512xf32, #tpu.memory_space<vmem>>[vector<16xi32>, vector<16xi32>], vector<16xf32>,
      tpu.vector_store_idx %arg8[%broadcast_in_dim3A, %get3A_13], %gather3A_628 : memref<32x512xf32, #tpu.memory_space<vmem>>[vector<16xi32>, vector<16xi32>], vector<16xf32>,
      %gather3A_629 = tpu.vector_load_idx %arg11[%broadcast_in_dim3A, %get3A_15] : memref<32x512xf32, #tpu.memory_space<vmem>>[vector<16xi32>, vector<16xi32>], vector<16xf32>,
      tpu.vector_store_idx %arg8[%broadcast_in_dim3A, %get3A_15], %gather3A_629 : memref<32x512xf32, #tpu.memory_space<vmem>>[vector<16xi32>, vector<16xi32>], vector<16xf32>,
      %gather3A_630 = tpu.vector_load_idx %arg11[%broadcast_in_dim3A, %get3A_17] : memref<32x512xf32, #tpu.memory_space<vmem>>[vector<16xi32>, vector<16xi32>], vector<16xf32>,
      tpu.vector_store_idx %arg8[%broadcast_in_dim3A, %get3A_17], %gather3A_630 : memref<32x512xf32, #tpu.memory_space<vmem>>[vector<16xi32>, vector<16xi32>], vector<16xf32>,
    }
    %scan3A_462 = arith.constant 32 : i32
    %add3A_463 = arith.constant 352 : i32
    %add3A_464 = arith.addi %mul3A_2, %add3A_463 : i32
    %dma_start3A_465 = arith.constant 0 : i32
    %dma_start3A_466 = tpu.memref_slice %arg5[%add3A_464, %dma_start3A_465] : memref<16384x512xf32, #tpu.memory_space<hbm>> -> memref<32x512xf32, #tpu.memory_space<hbm>>
    %dma_start3A_467 = arith.constant 0 : i32
    %dma_start3A_468 = tpu.memref_slice %arg5[%add3A_464, %dma_start3A_467] : memref<16384x512xf32, #tpu.memory_space<hbm>> -> memref<32x512xf32, #tpu.memory_space<hbm>>
    tpu.enqueue_dma source(%arg8 : memref<32x512xf32, #tpu.memory_space<vmem>>) target(%dma_start3A_468 : memref<32x512xf32, #tpu.memory_space<hbm>>) target_semaphore(%arg18 : memref<!tpu.dma_semaphore, #tpu.memory_space<semaphore_mem>>)
    %add3A_469 = arith.constant 320 : i32
    %add3A_470 = arith.addi %mul3A_2, %add3A_469 : i32
    %dma_wait3A_471 = arith.constant 0 : i32
    %dma_wait3A_472 = tpu.memref_slice %arg5[%add3A_470, %dma_wait3A_471] : memref<16384x512xf32, #tpu.memory_space<hbm>> -> memref<32x512xf32, #tpu.memory_space<hbm>>
    %dma_wait3A_473 = arith.constant 0 : i32
    %dma_wait3A_474 = tpu.memref_slice %arg5[%add3A_470, %dma_wait3A_473] : memref<16384x512xf32, #tpu.memory_space<hbm>> -> memref<32x512xf32, #tpu.memory_space<hbm>>
    tpu.wait_dma2 semaphore(%arg17 : memref<!tpu.dma_semaphore, #tpu.memory_space<semaphore_mem>>) src(%arg7 : memref<32x512xf32, #tpu.memory_space<vmem>>) dst(%dma_wait3A_474 : memref<32x512xf32, #tpu.memory_space<hbm>>)
    %add3A_475 = arith.constant 416 : i32
    %add3A_476 = arith.addi %mul3A_2, %add3A_475 : i32
    %dma_start3A_477 = arith.constant 0 : i32
    %dma_start3A_478 = tpu.memref_slice %arg2[%add3A_476, %dma_start3A_477] : memref<16384x512xf32, #tpu.memory_space<hbm>> -> memref<32x512xf32, #tpu.memory_space<hbm>>
    %dma_start3A_479 = arith.constant 0 : i32
    %dma_start3A_480 = tpu.memref_slice %arg2[%add3A_476, %dma_start3A_479] : memref<16384x512xf32, #tpu.memory_space<hbm>> -> memref<32x512xf32, #tpu.memory_space<hbm>>
    tpu.enqueue_dma source(%dma_start3A_480 : memref<32x512xf32, #tpu.memory_space<hbm>>) target(%arg7 : memref<32x512xf32, #tpu.memory_space<vmem>>) target_semaphore(%arg14 : memref<!tpu.dma_semaphore, #tpu.memory_space<semaphore_mem>>)
    %dma_start3A_481 = arith.constant 0 : i32
    %dma_start3A_482 = tpu.memref_slice %arg3[%add3A_476, %dma_start3A_481] : memref<16384x512xf32, #tpu.memory_space<hbm>> -> memref<32x512xf32, #tpu.memory_space<hbm>>
    %dma_start3A_483 = arith.constant 0 : i32
    %dma_start3A_484 = tpu.memref_slice %arg3[%add3A_476, %dma_start3A_483] : memref<16384x512xf32, #tpu.memory_space<hbm>> -> memref<32x512xf32, #tpu.memory_space<hbm>>
    tpu.enqueue_dma source(%dma_start3A_484 : memref<32x512xf32, #tpu.memory_space<hbm>>) target(%arg10 : memref<32x512xf32, #tpu.memory_space<vmem>>) target_semaphore(%arg14 : memref<!tpu.dma_semaphore, #tpu.memory_space<semaphore_mem>>)
    %add3A_485 = arith.constant 384 : i32
    %add3A_486 = arith.addi %mul3A_2, %add3A_485 : i32
    %dma_wait3A_487 = arith.constant 0 : i32
    %dma_wait3A_488 = tpu.memref_slice %arg2[%add3A_486, %dma_wait3A_487] : memref<16384x512xf32, #tpu.memory_space<hbm>> -> memref<32x512xf32, #tpu.memory_space<hbm>>
    %dma_wait3A_489 = arith.constant 0 : i32
    %dma_wait3A_490 = tpu.memref_slice %arg2[%add3A_486, %dma_wait3A_489] : memref<16384x512xf32, #tpu.memory_space<hbm>> -> memref<32x512xf32, #tpu.memory_space<hbm>>
    tpu.wait_dma2 semaphore(%arg13 : memref<!tpu.dma_semaphore, #tpu.memory_space<semaphore_mem>>) src(%dma_wait3A_490 : memref<32x512xf32, #tpu.memory_space<hbm>>) dst(%arg6 : memref<32x512xf32, #tpu.memory_space<vmem>>)
    %dma_wait3A_491 = arith.constant 0 : i32
    %dma_wait3A_492 = tpu.memref_slice %arg3[%add3A_486, %dma_wait3A_491] : memref<16384x512xf32, #tpu.memory_space<hbm>> -> memref<32x512xf32, #tpu.memory_space<hbm>>
    %dma_wait3A_493 = arith.constant 0 : i32
    %dma_wait3A_494 = tpu.memref_slice %arg3[%add3A_486, %dma_wait3A_493] : memref<16384x512xf32, #tpu.memory_space<hbm>> -> memref<32x512xf32, #tpu.memory_space<hbm>>
    tpu.wait_dma2 semaphore(%arg13 : memref<!tpu.dma_semaphore, #tpu.memory_space<semaphore_mem>>) src(%dma_wait3A_494 : memref<32x512xf32, #tpu.memory_space<hbm>>) dst(%arg9 : memref<32x512xf32, #tpu.memory_space<vmem>>)
    %scan3A_495 = arith.constant 0 : i32
    %scan3A_496 = arith.constant 0 : i32
    %scan3A_497 = arith.constant 32 : i32
    %scan3A_498 = arith.addi %scan3A_496, %scan3A_497 : i32
    %scan3A_499 = arith.constant 1 : i32
    scf.for %scan3A_623 = %scan3A_496 to %scan3A_498 step %scan3A_499  : i32 {
      %broadcast_in_dim3A = vector.broadcast %scan3A_623 : i32 to vector<16xi32>
      %gather3A = tpu.vector_load_idx %arg9[%broadcast_in_dim3A, %get3A_3] : memref<32x512xf32, #tpu.memory_space<vmem>>[vector<16xi32>, vector<16xi32>], vector<16xf32>,
      tpu.vector_store_idx %arg6[%broadcast_in_dim3A, %get3A_3], %gather3A : memref<32x512xf32, #tpu.memory_space<vmem>>[vector<16xi32>, vector<16xi32>], vector<16xf32>,
      %gather3A_624 = tpu.vector_load_idx %arg9[%broadcast_in_dim3A, %get3A_5] : memref<32x512xf32, #tpu.memory_space<vmem>>[vector<16xi32>, vector<16xi32>], vector<16xf32>,
      tpu.vector_store_idx %arg6[%broadcast_in_dim3A, %get3A_5], %gather3A_624 : memref<32x512xf32, #tpu.memory_space<vmem>>[vector<16xi32>, vector<16xi32>], vector<16xf32>,
      %gather3A_625 = tpu.vector_load_idx %arg9[%broadcast_in_dim3A, %get3A_7] : memref<32x512xf32, #tpu.memory_space<vmem>>[vector<16xi32>, vector<16xi32>], vector<16xf32>,
      tpu.vector_store_idx %arg6[%broadcast_in_dim3A, %get3A_7], %gather3A_625 : memref<32x512xf32, #tpu.memory_space<vmem>>[vector<16xi32>, vector<16xi32>], vector<16xf32>,
      %gather3A_626 = tpu.vector_load_idx %arg9[%broadcast_in_dim3A, %get3A_9] : memref<32x512xf32, #tpu.memory_space<vmem>>[vector<16xi32>, vector<16xi32>], vector<16xf32>,
      tpu.vector_store_idx %arg6[%broadcast_in_dim3A, %get3A_9], %gather3A_626 : memref<32x512xf32, #tpu.memory_space<vmem>>[vector<16xi32>, vector<16xi32>], vector<16xf32>,
      %gather3A_627 = tpu.vector_load_idx %arg9[%broadcast_in_dim3A, %get3A_11] : memref<32x512xf32, #tpu.memory_space<vmem>>[vector<16xi32>, vector<16xi32>], vector<16xf32>,
      tpu.vector_store_idx %arg6[%broadcast_in_dim3A, %get3A_11], %gather3A_627 : memref<32x512xf32, #tpu.memory_space<vmem>>[vector<16xi32>, vector<16xi32>], vector<16xf32>,
      %gather3A_628 = tpu.vector_load_idx %arg9[%broadcast_in_dim3A, %get3A_13] : memref<32x512xf32, #tpu.memory_space<vmem>>[vector<16xi32>, vector<16xi32>], vector<16xf32>,
      tpu.vector_store_idx %arg6[%broadcast_in_dim3A, %get3A_13], %gather3A_628 : memref<32x512xf32, #tpu.memory_space<vmem>>[vector<16xi32>, vector<16xi32>], vector<16xf32>,
      %gather3A_629 = tpu.vector_load_idx %arg9[%broadcast_in_dim3A, %get3A_15] : memref<32x512xf32, #tpu.memory_space<vmem>>[vector<16xi32>, vector<16xi32>], vector<16xf32>,
      tpu.vector_store_idx %arg6[%broadcast_in_dim3A, %get3A_15], %gather3A_629 : memref<32x512xf32, #tpu.memory_space<vmem>>[vector<16xi32>, vector<16xi32>], vector<16xf32>,
      %gather3A_630 = tpu.vector_load_idx %arg9[%broadcast_in_dim3A, %get3A_17] : memref<32x512xf32, #tpu.memory_space<vmem>>[vector<16xi32>, vector<16xi32>], vector<16xf32>,
      tpu.vector_store_idx %arg6[%broadcast_in_dim3A, %get3A_17], %gather3A_630 : memref<32x512xf32, #tpu.memory_space<vmem>>[vector<16xi32>, vector<16xi32>], vector<16xf32>,
    }
    %scan3A_500 = arith.constant 32 : i32
    %add3A_501 = arith.constant 384 : i32
    %add3A_502 = arith.addi %mul3A_2, %add3A_501 : i32
    %dma_start3A_503 = arith.constant 0 : i32
    %dma_start3A_504 = tpu.memref_slice %arg5[%add3A_502, %dma_start3A_503] : memref<16384x512xf32, #tpu.memory_space<hbm>> -> memref<32x512xf32, #tpu.memory_space<hbm>>
    %dma_start3A_505 = arith.constant 0 : i32
    %dma_start3A_506 = tpu.memref_slice %arg5[%add3A_502, %dma_start3A_505] : memref<16384x512xf32, #tpu.memory_space<hbm>> -> memref<32x512xf32, #tpu.memory_space<hbm>>
    tpu.enqueue_dma source(%arg6 : memref<32x512xf32, #tpu.memory_space<vmem>>) target(%dma_start3A_506 : memref<32x512xf32, #tpu.memory_space<hbm>>) target_semaphore(%arg16 : memref<!tpu.dma_semaphore, #tpu.memory_space<semaphore_mem>>)
    %add3A_507 = arith.constant 352 : i32
    %add3A_508 = arith.addi %mul3A_2, %add3A_507 : i32
    %dma_wait3A_509 = arith.constant 0 : i32
    %dma_wait3A_510 = tpu.memref_slice %arg5[%add3A_508, %dma_wait3A_509] : memref<16384x512xf32, #tpu.memory_space<hbm>> -> memref<32x512xf32, #tpu.memory_space<hbm>>
    %dma_wait3A_511 = arith.constant 0 : i32
    %dma_wait3A_512 = tpu.memref_slice %arg5[%add3A_508, %dma_wait3A_511] : memref<16384x512xf32, #tpu.memory_space<hbm>> -> memref<32x512xf32, #tpu.memory_space<hbm>>
    tpu.wait_dma2 semaphore(%arg18 : memref<!tpu.dma_semaphore, #tpu.memory_space<semaphore_mem>>) src(%arg8 : memref<32x512xf32, #tpu.memory_space<vmem>>) dst(%dma_wait3A_512 : memref<32x512xf32, #tpu.memory_space<hbm>>)
    %add3A_513 = arith.constant 448 : i32
    %add3A_514 = arith.addi %mul3A_2, %add3A_513 : i32
    %dma_start3A_515 = arith.constant 0 : i32
    %dma_start3A_516 = tpu.memref_slice %arg2[%add3A_514, %dma_start3A_515] : memref<16384x512xf32, #tpu.memory_space<hbm>> -> memref<32x512xf32, #tpu.memory_space<hbm>>
    %dma_start3A_517 = arith.constant 0 : i32
    %dma_start3A_518 = tpu.memref_slice %arg2[%add3A_514, %dma_start3A_517] : memref<16384x512xf32, #tpu.memory_space<hbm>> -> memref<32x512xf32, #tpu.memory_space<hbm>>
    tpu.enqueue_dma source(%dma_start3A_518 : memref<32x512xf32, #tpu.memory_space<hbm>>) target(%arg8 : memref<32x512xf32, #tpu.memory_space<vmem>>) target_semaphore(%arg15 : memref<!tpu.dma_semaphore, #tpu.memory_space<semaphore_mem>>)
    %dma_start3A_519 = arith.constant 0 : i32
    %dma_start3A_520 = tpu.memref_slice %arg3[%add3A_514, %dma_start3A_519] : memref<16384x512xf32, #tpu.memory_space<hbm>> -> memref<32x512xf32, #tpu.memory_space<hbm>>
    %dma_start3A_521 = arith.constant 0 : i32
    %dma_start3A_522 = tpu.memref_slice %arg3[%add3A_514, %dma_start3A_521] : memref<16384x512xf32, #tpu.memory_space<hbm>> -> memref<32x512xf32, #tpu.memory_space<hbm>>
    tpu.enqueue_dma source(%dma_start3A_522 : memref<32x512xf32, #tpu.memory_space<hbm>>) target(%arg11 : memref<32x512xf32, #tpu.memory_space<vmem>>) target_semaphore(%arg15 : memref<!tpu.dma_semaphore, #tpu.memory_space<semaphore_mem>>)
    %add3A_523 = arith.constant 416 : i32
    %add3A_524 = arith.addi %mul3A_2, %add3A_523 : i32
    %dma_wait3A_525 = arith.constant 0 : i32
    %dma_wait3A_526 = tpu.memref_slice %arg2[%add3A_524, %dma_wait3A_525] : memref<16384x512xf32, #tpu.memory_space<hbm>> -> memref<32x512xf32, #tpu.memory_space<hbm>>
    %dma_wait3A_527 = arith.constant 0 : i32
    %dma_wait3A_528 = tpu.memref_slice %arg2[%add3A_524, %dma_wait3A_527] : memref<16384x512xf32, #tpu.memory_space<hbm>> -> memref<32x512xf32, #tpu.memory_space<hbm>>
    tpu.wait_dma2 semaphore(%arg14 : memref<!tpu.dma_semaphore, #tpu.memory_space<semaphore_mem>>) src(%dma_wait3A_528 : memref<32x512xf32, #tpu.memory_space<hbm>>) dst(%arg7 : memref<32x512xf32, #tpu.memory_space<vmem>>)
    %dma_wait3A_529 = arith.constant 0 : i32
    %dma_wait3A_530 = tpu.memref_slice %arg3[%add3A_524, %dma_wait3A_529] : memref<16384x512xf32, #tpu.memory_space<hbm>> -> memref<32x512xf32, #tpu.memory_space<hbm>>
    %dma_wait3A_531 = arith.constant 0 : i32
    %dma_wait3A_532 = tpu.memref_slice %arg3[%add3A_524, %dma_wait3A_531] : memref<16384x512xf32, #tpu.memory_space<hbm>> -> memref<32x512xf32, #tpu.memory_space<hbm>>
    tpu.wait_dma2 semaphore(%arg14 : memref<!tpu.dma_semaphore, #tpu.memory_space<semaphore_mem>>) src(%dma_wait3A_532 : memref<32x512xf32, #tpu.memory_space<hbm>>) dst(%arg10 : memref<32x512xf32, #tpu.memory_space<vmem>>)
    %scan3A_533 = arith.constant 0 : i32
    %scan3A_534 = arith.constant 0 : i32
    %scan3A_535 = arith.constant 32 : i32
    %scan3A_536 = arith.addi %scan3A_534, %scan3A_535 : i32
    %scan3A_537 = arith.constant 1 : i32
    scf.for %scan3A_623 = %scan3A_534 to %scan3A_536 step %scan3A_537  : i32 {
      %broadcast_in_dim3A = vector.broadcast %scan3A_623 : i32 to vector<16xi32>
      %gather3A = tpu.vector_load_idx %arg10[%broadcast_in_dim3A, %get3A_3] : memref<32x512xf32, #tpu.memory_space<vmem>>[vector<16xi32>, vector<16xi32>], vector<16xf32>,
      tpu.vector_store_idx %arg7[%broadcast_in_dim3A, %get3A_3], %gather3A : memref<32x512xf32, #tpu.memory_space<vmem>>[vector<16xi32>, vector<16xi32>], vector<16xf32>,
      %gather3A_624 = tpu.vector_load_idx %arg10[%broadcast_in_dim3A, %get3A_5] : memref<32x512xf32, #tpu.memory_space<vmem>>[vector<16xi32>, vector<16xi32>], vector<16xf32>,
      tpu.vector_store_idx %arg7[%broadcast_in_dim3A, %get3A_5], %gather3A_624 : memref<32x512xf32, #tpu.memory_space<vmem>>[vector<16xi32>, vector<16xi32>], vector<16xf32>,
      %gather3A_625 = tpu.vector_load_idx %arg10[%broadcast_in_dim3A, %get3A_7] : memref<32x512xf32, #tpu.memory_space<vmem>>[vector<16xi32>, vector<16xi32>], vector<16xf32>,
      tpu.vector_store_idx %arg7[%broadcast_in_dim3A, %get3A_7], %gather3A_625 : memref<32x512xf32, #tpu.memory_space<vmem>>[vector<16xi32>, vector<16xi32>], vector<16xf32>,
      %gather3A_626 = tpu.vector_load_idx %arg10[%broadcast_in_dim3A, %get3A_9] : memref<32x512xf32, #tpu.memory_space<vmem>>[vector<16xi32>, vector<16xi32>], vector<16xf32>,
      tpu.vector_store_idx %arg7[%broadcast_in_dim3A, %get3A_9], %gather3A_626 : memref<32x512xf32, #tpu.memory_space<vmem>>[vector<16xi32>, vector<16xi32>], vector<16xf32>,
      %gather3A_627 = tpu.vector_load_idx %arg10[%broadcast_in_dim3A, %get3A_11] : memref<32x512xf32, #tpu.memory_space<vmem>>[vector<16xi32>, vector<16xi32>], vector<16xf32>,
      tpu.vector_store_idx %arg7[%broadcast_in_dim3A, %get3A_11], %gather3A_627 : memref<32x512xf32, #tpu.memory_space<vmem>>[vector<16xi32>, vector<16xi32>], vector<16xf32>,
      %gather3A_628 = tpu.vector_load_idx %arg10[%broadcast_in_dim3A, %get3A_13] : memref<32x512xf32, #tpu.memory_space<vmem>>[vector<16xi32>, vector<16xi32>], vector<16xf32>,
      tpu.vector_store_idx %arg7[%broadcast_in_dim3A, %get3A_13], %gather3A_628 : memref<32x512xf32, #tpu.memory_space<vmem>>[vector<16xi32>, vector<16xi32>], vector<16xf32>,
      %gather3A_629 = tpu.vector_load_idx %arg10[%broadcast_in_dim3A, %get3A_15] : memref<32x512xf32, #tpu.memory_space<vmem>>[vector<16xi32>, vector<16xi32>], vector<16xf32>,
      tpu.vector_store_idx %arg7[%broadcast_in_dim3A, %get3A_15], %gather3A_629 : memref<32x512xf32, #tpu.memory_space<vmem>>[vector<16xi32>, vector<16xi32>], vector<16xf32>,
      %gather3A_630 = tpu.vector_load_idx %arg10[%broadcast_in_dim3A, %get3A_17] : memref<32x512xf32, #tpu.memory_space<vmem>>[vector<16xi32>, vector<16xi32>], vector<16xf32>,
      tpu.vector_store_idx %arg7[%broadcast_in_dim3A, %get3A_17], %gather3A_630 : memref<32x512xf32, #tpu.memory_space<vmem>>[vector<16xi32>, vector<16xi32>], vector<16xf32>,
    }
    %scan3A_538 = arith.constant 32 : i32
    %add3A_539 = arith.constant 416 : i32
    %add3A_540 = arith.addi %mul3A_2, %add3A_539 : i32
    %dma_start3A_541 = arith.constant 0 : i32
    %dma_start3A_542 = tpu.memref_slice %arg5[%add3A_540, %dma_start3A_541] : memref<16384x512xf32, #tpu.memory_space<hbm>> -> memref<32x512xf32, #tpu.memory_space<hbm>>
    %dma_start3A_543 = arith.constant 0 : i32
    %dma_start3A_544 = tpu.memref_slice %arg5[%add3A_540, %dma_start3A_543] : memref<16384x512xf32, #tpu.memory_space<hbm>> -> memref<32x512xf32, #tpu.memory_space<hbm>>
    tpu.enqueue_dma source(%arg7 : memref<32x512xf32, #tpu.memory_space<vmem>>) target(%dma_start3A_544 : memref<32x512xf32, #tpu.memory_space<hbm>>) target_semaphore(%arg17 : memref<!tpu.dma_semaphore, #tpu.memory_space<semaphore_mem>>)
    %add3A_545 = arith.constant 384 : i32
    %add3A_546 = arith.addi %mul3A_2, %add3A_545 : i32
    %dma_wait3A_547 = arith.constant 0 : i32
    %dma_wait3A_548 = tpu.memref_slice %arg5[%add3A_546, %dma_wait3A_547] : memref<16384x512xf32, #tpu.memory_space<hbm>> -> memref<32x512xf32, #tpu.memory_space<hbm>>
    %dma_wait3A_549 = arith.constant 0 : i32
    %dma_wait3A_550 = tpu.memref_slice %arg5[%add3A_546, %dma_wait3A_549] : memref<16384x512xf32, #tpu.memory_space<hbm>> -> memref<32x512xf32, #tpu.memory_space<hbm>>
    tpu.wait_dma2 semaphore(%arg16 : memref<!tpu.dma_semaphore, #tpu.memory_space<semaphore_mem>>) src(%arg6 : memref<32x512xf32, #tpu.memory_space<vmem>>) dst(%dma_wait3A_550 : memref<32x512xf32, #tpu.memory_space<hbm>>)
    %add3A_551 = arith.constant 480 : i32
    %add3A_552 = arith.addi %mul3A_2, %add3A_551 : i32
    %dma_start3A_553 = arith.constant 0 : i32
    %dma_start3A_554 = tpu.memref_slice %arg2[%add3A_552, %dma_start3A_553] : memref<16384x512xf32, #tpu.memory_space<hbm>> -> memref<32x512xf32, #tpu.memory_space<hbm>>
    %dma_start3A_555 = arith.constant 0 : i32
    %dma_start3A_556 = tpu.memref_slice %arg2[%add3A_552, %dma_start3A_555] : memref<16384x512xf32, #tpu.memory_space<hbm>> -> memref<32x512xf32, #tpu.memory_space<hbm>>
    tpu.enqueue_dma source(%dma_start3A_556 : memref<32x512xf32, #tpu.memory_space<hbm>>) target(%arg6 : memref<32x512xf32, #tpu.memory_space<vmem>>) target_semaphore(%arg13 : memref<!tpu.dma_semaphore, #tpu.memory_space<semaphore_mem>>)
    %dma_start3A_557 = arith.constant 0 : i32
    %dma_start3A_558 = tpu.memref_slice %arg3[%add3A_552, %dma_start3A_557] : memref<16384x512xf32, #tpu.memory_space<hbm>> -> memref<32x512xf32, #tpu.memory_space<hbm>>
    %dma_start3A_559 = arith.constant 0 : i32
    %dma_start3A_560 = tpu.memref_slice %arg3[%add3A_552, %dma_start3A_559] : memref<16384x512xf32, #tpu.memory_space<hbm>> -> memref<32x512xf32, #tpu.memory_space<hbm>>
    tpu.enqueue_dma source(%dma_start3A_560 : memref<32x512xf32, #tpu.memory_space<hbm>>) target(%arg9 : memref<32x512xf32, #tpu.memory_space<vmem>>) target_semaphore(%arg13 : memref<!tpu.dma_semaphore, #tpu.memory_space<semaphore_mem>>)
    %add3A_561 = arith.constant 448 : i32
    %add3A_562 = arith.addi %mul3A_2, %add3A_561 : i32
    %dma_wait3A_563 = arith.constant 0 : i32
    %dma_wait3A_564 = tpu.memref_slice %arg2[%add3A_562, %dma_wait3A_563] : memref<16384x512xf32, #tpu.memory_space<hbm>> -> memref<32x512xf32, #tpu.memory_space<hbm>>
    %dma_wait3A_565 = arith.constant 0 : i32
    %dma_wait3A_566 = tpu.memref_slice %arg2[%add3A_562, %dma_wait3A_565] : memref<16384x512xf32, #tpu.memory_space<hbm>> -> memref<32x512xf32, #tpu.memory_space<hbm>>
    tpu.wait_dma2 semaphore(%arg15 : memref<!tpu.dma_semaphore, #tpu.memory_space<semaphore_mem>>) src(%dma_wait3A_566 : memref<32x512xf32, #tpu.memory_space<hbm>>) dst(%arg8 : memref<32x512xf32, #tpu.memory_space<vmem>>)
    %dma_wait3A_567 = arith.constant 0 : i32
    %dma_wait3A_568 = tpu.memref_slice %arg3[%add3A_562, %dma_wait3A_567] : memref<16384x512xf32, #tpu.memory_space<hbm>> -> memref<32x512xf32, #tpu.memory_space<hbm>>
    %dma_wait3A_569 = arith.constant 0 : i32
    %dma_wait3A_570 = tpu.memref_slice %arg3[%add3A_562, %dma_wait3A_569] : memref<16384x512xf32, #tpu.memory_space<hbm>> -> memref<32x512xf32, #tpu.memory_space<hbm>>
    tpu.wait_dma2 semaphore(%arg15 : memref<!tpu.dma_semaphore, #tpu.memory_space<semaphore_mem>>) src(%dma_wait3A_570 : memref<32x512xf32, #tpu.memory_space<hbm>>) dst(%arg11 : memref<32x512xf32, #tpu.memory_space<vmem>>)
    %scan3A_571 = arith.constant 0 : i32
    %scan3A_572 = arith.constant 0 : i32
    %scan3A_573 = arith.constant 32 : i32
    %scan3A_574 = arith.addi %scan3A_572, %scan3A_573 : i32
    %scan3A_575 = arith.constant 1 : i32
    scf.for %scan3A_623 = %scan3A_572 to %scan3A_574 step %scan3A_575  : i32 {
      %broadcast_in_dim3A = vector.broadcast %scan3A_623 : i32 to vector<16xi32>
      %gather3A = tpu.vector_load_idx %arg11[%broadcast_in_dim3A, %get3A_3] : memref<32x512xf32, #tpu.memory_space<vmem>>[vector<16xi32>, vector<16xi32>], vector<16xf32>,
      tpu.vector_store_idx %arg8[%broadcast_in_dim3A, %get3A_3], %gather3A : memref<32x512xf32, #tpu.memory_space<vmem>>[vector<16xi32>, vector<16xi32>], vector<16xf32>,
      %gather3A_624 = tpu.vector_load_idx %arg11[%broadcast_in_dim3A, %get3A_5] : memref<32x512xf32, #tpu.memory_space<vmem>>[vector<16xi32>, vector<16xi32>], vector<16xf32>,
      tpu.vector_store_idx %arg8[%broadcast_in_dim3A, %get3A_5], %gather3A_624 : memref<32x512xf32, #tpu.memory_space<vmem>>[vector<16xi32>, vector<16xi32>], vector<16xf32>,
      %gather3A_625 = tpu.vector_load_idx %arg11[%broadcast_in_dim3A, %get3A_7] : memref<32x512xf32, #tpu.memory_space<vmem>>[vector<16xi32>, vector<16xi32>], vector<16xf32>,
      tpu.vector_store_idx %arg8[%broadcast_in_dim3A, %get3A_7], %gather3A_625 : memref<32x512xf32, #tpu.memory_space<vmem>>[vector<16xi32>, vector<16xi32>], vector<16xf32>,
      %gather3A_626 = tpu.vector_load_idx %arg11[%broadcast_in_dim3A, %get3A_9] : memref<32x512xf32, #tpu.memory_space<vmem>>[vector<16xi32>, vector<16xi32>], vector<16xf32>,
      tpu.vector_store_idx %arg8[%broadcast_in_dim3A, %get3A_9], %gather3A_626 : memref<32x512xf32, #tpu.memory_space<vmem>>[vector<16xi32>, vector<16xi32>], vector<16xf32>,
      %gather3A_627 = tpu.vector_load_idx %arg11[%broadcast_in_dim3A, %get3A_11] : memref<32x512xf32, #tpu.memory_space<vmem>>[vector<16xi32>, vector<16xi32>], vector<16xf32>,
      tpu.vector_store_idx %arg8[%broadcast_in_dim3A, %get3A_11], %gather3A_627 : memref<32x512xf32, #tpu.memory_space<vmem>>[vector<16xi32>, vector<16xi32>], vector<16xf32>,
      %gather3A_628 = tpu.vector_load_idx %arg11[%broadcast_in_dim3A, %get3A_13] : memref<32x512xf32, #tpu.memory_space<vmem>>[vector<16xi32>, vector<16xi32>], vector<16xf32>,
      tpu.vector_store_idx %arg8[%broadcast_in_dim3A, %get3A_13], %gather3A_628 : memref<32x512xf32, #tpu.memory_space<vmem>>[vector<16xi32>, vector<16xi32>], vector<16xf32>,
      %gather3A_629 = tpu.vector_load_idx %arg11[%broadcast_in_dim3A, %get3A_15] : memref<32x512xf32, #tpu.memory_space<vmem>>[vector<16xi32>, vector<16xi32>], vector<16xf32>,
      tpu.vector_store_idx %arg8[%broadcast_in_dim3A, %get3A_15], %gather3A_629 : memref<32x512xf32, #tpu.memory_space<vmem>>[vector<16xi32>, vector<16xi32>], vector<16xf32>,
      %gather3A_630 = tpu.vector_load_idx %arg11[%broadcast_in_dim3A, %get3A_17] : memref<32x512xf32, #tpu.memory_space<vmem>>[vector<16xi32>, vector<16xi32>], vector<16xf32>,
      tpu.vector_store_idx %arg8[%broadcast_in_dim3A, %get3A_17], %gather3A_630 : memref<32x512xf32, #tpu.memory_space<vmem>>[vector<16xi32>, vector<16xi32>], vector<16xf32>,
    }
    %scan3A_576 = arith.constant 32 : i32
    %add3A_577 = arith.constant 448 : i32
    %add3A_578 = arith.addi %mul3A_2, %add3A_577 : i32
    %dma_start3A_579 = arith.constant 0 : i32
    %dma_start3A_580 = tpu.memref_slice %arg5[%add3A_578, %dma_start3A_579] : memref<16384x512xf32, #tpu.memory_space<hbm>> -> memref<32x512xf32, #tpu.memory_space<hbm>>
    %dma_start3A_581 = arith.constant 0 : i32
    %dma_start3A_582 = tpu.memref_slice %arg5[%add3A_578, %dma_start3A_581] : memref<16384x512xf32, #tpu.memory_space<hbm>> -> memref<32x512xf32, #tpu.memory_space<hbm>>
    tpu.enqueue_dma source(%arg8 : memref<32x512xf32, #tpu.memory_space<vmem>>) target(%dma_start3A_582 : memref<32x512xf32, #tpu.memory_space<hbm>>) target_semaphore(%arg18 : memref<!tpu.dma_semaphore, #tpu.memory_space<semaphore_mem>>)
    %add3A_583 = arith.constant 480 : i32
    %add3A_584 = arith.addi %mul3A_2, %add3A_583 : i32
    %dma_wait3A_585 = arith.constant 0 : i32
    %dma_wait3A_586 = tpu.memref_slice %arg2[%add3A_584, %dma_wait3A_585] : memref<16384x512xf32, #tpu.memory_space<hbm>> -> memref<32x512xf32, #tpu.memory_space<hbm>>
    %dma_wait3A_587 = arith.constant 0 : i32
    %dma_wait3A_588 = tpu.memref_slice %arg2[%add3A_584, %dma_wait3A_587] : memref<16384x512xf32, #tpu.memory_space<hbm>> -> memref<32x512xf32, #tpu.memory_space<hbm>>
    tpu.wait_dma2 semaphore(%arg13 : memref<!tpu.dma_semaphore, #tpu.memory_space<semaphore_mem>>) src(%dma_wait3A_588 : memref<32x512xf32, #tpu.memory_space<hbm>>) dst(%arg6 : memref<32x512xf32, #tpu.memory_space<vmem>>)
    %dma_wait3A_589 = arith.constant 0 : i32
    %dma_wait3A_590 = tpu.memref_slice %arg3[%add3A_584, %dma_wait3A_589] : memref<16384x512xf32, #tpu.memory_space<hbm>> -> memref<32x512xf32, #tpu.memory_space<hbm>>
    %dma_wait3A_591 = arith.constant 0 : i32
    %dma_wait3A_592 = tpu.memref_slice %arg3[%add3A_584, %dma_wait3A_591] : memref<16384x512xf32, #tpu.memory_space<hbm>> -> memref<32x512xf32, #tpu.memory_space<hbm>>
    tpu.wait_dma2 semaphore(%arg13 : memref<!tpu.dma_semaphore, #tpu.memory_space<semaphore_mem>>) src(%dma_wait3A_592 : memref<32x512xf32, #tpu.memory_space<hbm>>) dst(%arg9 : memref<32x512xf32, #tpu.memory_space<vmem>>)
    %scan3A_593 = arith.constant 0 : i32
    %scan3A_594 = arith.constant 0 : i32
    %scan3A_595 = arith.constant 32 : i32
    %scan3A_596 = arith.addi %scan3A_594, %scan3A_595 : i32
    %scan3A_597 = arith.constant 1 : i32
    scf.for %scan3A_623 = %scan3A_594 to %scan3A_596 step %scan3A_597  : i32 {
      %broadcast_in_dim3A = vector.broadcast %scan3A_623 : i32 to vector<16xi32>
      %gather3A = tpu.vector_load_idx %arg9[%broadcast_in_dim3A, %get3A_3] : memref<32x512xf32, #tpu.memory_space<vmem>>[vector<16xi32>, vector<16xi32>], vector<16xf32>,
      tpu.vector_store_idx %arg6[%broadcast_in_dim3A, %get3A_3], %gather3A : memref<32x512xf32, #tpu.memory_space<vmem>>[vector<16xi32>, vector<16xi32>], vector<16xf32>,
      %gather3A_624 = tpu.vector_load_idx %arg9[%broadcast_in_dim3A, %get3A_5] : memref<32x512xf32, #tpu.memory_space<vmem>>[vector<16xi32>, vector<16xi32>], vector<16xf32>,
      tpu.vector_store_idx %arg6[%broadcast_in_dim3A, %get3A_5], %gather3A_624 : memref<32x512xf32, #tpu.memory_space<vmem>>[vector<16xi32>, vector<16xi32>], vector<16xf32>,
      %gather3A_625 = tpu.vector_load_idx %arg9[%broadcast_in_dim3A, %get3A_7] : memref<32x512xf32, #tpu.memory_space<vmem>>[vector<16xi32>, vector<16xi32>], vector<16xf32>,
      tpu.vector_store_idx %arg6[%broadcast_in_dim3A, %get3A_7], %gather3A_625 : memref<32x512xf32, #tpu.memory_space<vmem>>[vector<16xi32>, vector<16xi32>], vector<16xf32>,
      %gather3A_626 = tpu.vector_load_idx %arg9[%broadcast_in_dim3A, %get3A_9] : memref<32x512xf32, #tpu.memory_space<vmem>>[vector<16xi32>, vector<16xi32>], vector<16xf32>,
      tpu.vector_store_idx %arg6[%broadcast_in_dim3A, %get3A_9], %gather3A_626 : memref<32x512xf32, #tpu.memory_space<vmem>>[vector<16xi32>, vector<16xi32>], vector<16xf32>,
      %gather3A_627 = tpu.vector_load_idx %arg9[%broadcast_in_dim3A, %get3A_11] : memref<32x512xf32, #tpu.memory_space<vmem>>[vector<16xi32>, vector<16xi32>], vector<16xf32>,
      tpu.vector_store_idx %arg6[%broadcast_in_dim3A, %get3A_11], %gather3A_627 : memref<32x512xf32, #tpu.memory_space<vmem>>[vector<16xi32>, vector<16xi32>], vector<16xf32>,
      %gather3A_628 = tpu.vector_load_idx %arg9[%broadcast_in_dim3A, %get3A_13] : memref<32x512xf32, #tpu.memory_space<vmem>>[vector<16xi32>, vector<16xi32>], vector<16xf32>,
      tpu.vector_store_idx %arg6[%broadcast_in_dim3A, %get3A_13], %gather3A_628 : memref<32x512xf32, #tpu.memory_space<vmem>>[vector<16xi32>, vector<16xi32>], vector<16xf32>,
      %gather3A_629 = tpu.vector_load_idx %arg9[%broadcast_in_dim3A, %get3A_15] : memref<32x512xf32, #tpu.memory_space<vmem>>[vector<16xi32>, vector<16xi32>], vector<16xf32>,
      tpu.vector_store_idx %arg6[%broadcast_in_dim3A, %get3A_15], %gather3A_629 : memref<32x512xf32, #tpu.memory_space<vmem>>[vector<16xi32>, vector<16xi32>], vector<16xf32>,
      %gather3A_630 = tpu.vector_load_idx %arg9[%broadcast_in_dim3A, %get3A_17] : memref<32x512xf32, #tpu.memory_space<vmem>>[vector<16xi32>, vector<16xi32>], vector<16xf32>,
      tpu.vector_store_idx %arg6[%broadcast_in_dim3A, %get3A_17], %gather3A_630 : memref<32x512xf32, #tpu.memory_space<vmem>>[vector<16xi32>, vector<16xi32>], vector<16xf32>,
    }
    %scan3A_598 = arith.constant 32 : i32
    %add3A_599 = arith.constant 480 : i32
    %add3A_600 = arith.addi %mul3A_2, %add3A_599 : i32
    %dma_start3A_601 = arith.constant 0 : i32
    %dma_start3A_602 = tpu.memref_slice %arg5[%add3A_600, %dma_start3A_601] : memref<16384x512xf32, #tpu.memory_space<hbm>> -> memref<32x512xf32, #tpu.memory_space<hbm>>
    %dma_start3A_603 = arith.constant 0 : i32
    %dma_start3A_604 = tpu.memref_slice %arg5[%add3A_600, %dma_start3A_603] : memref<16384x512xf32, #tpu.memory_space<hbm>> -> memref<32x512xf32, #tpu.memory_space<hbm>>
    tpu.enqueue_dma source(%arg6 : memref<32x512xf32, #tpu.memory_space<vmem>>) target(%dma_start3A_604 : memref<32x512xf32, #tpu.memory_space<hbm>>) target_semaphore(%arg16 : memref<!tpu.dma_semaphore, #tpu.memory_space<semaphore_mem>>)
    %add3A_605 = arith.constant 416 : i32
    %add3A_606 = arith.addi %mul3A_2, %add3A_605 : i32
    %dma_wait3A_607 = arith.constant 0 : i32
    %dma_wait3A_608 = tpu.memref_slice %arg5[%add3A_606, %dma_wait3A_607] : memref<16384x512xf32, #tpu.memory_space<hbm>> -> memref<32x512xf32, #tpu.memory_space<hbm>>
    %dma_wait3A_609 = arith.constant 0 : i32
    %dma_wait3A_610 = tpu.memref_slice %arg5[%add3A_606, %dma_wait3A_609] : memref<16384x512xf32, #tpu.memory_space<hbm>> -> memref<32x512xf32, #tpu.memory_space<hbm>>
    tpu.wait_dma2 semaphore(%arg17 : memref<!tpu.dma_semaphore, #tpu.memory_space<semaphore_mem>>) src(%arg7 : memref<32x512xf32, #tpu.memory_space<vmem>>) dst(%dma_wait3A_610 : memref<32x512xf32, #tpu.memory_space<hbm>>)
    %add3A_611 = arith.constant 448 : i32
    %add3A_612 = arith.addi %mul3A_2, %add3A_611 : i32
    %dma_wait3A_613 = arith.constant 0 : i32
    %dma_wait3A_614 = tpu.memref_slice %arg5[%add3A_612, %dma_wait3A_613] : memref<16384x512xf32, #tpu.memory_space<hbm>> -> memref<32x512xf32, #tpu.memory_space<hbm>>
    %dma_wait3A_615 = arith.constant 0 : i32
    %dma_wait3A_616 = tpu.memref_slice %arg5[%add3A_612, %dma_wait3A_615] : memref<16384x512xf32, #tpu.memory_space<hbm>> -> memref<32x512xf32, #tpu.memory_space<hbm>>
    tpu.wait_dma2 semaphore(%arg18 : memref<!tpu.dma_semaphore, #tpu.memory_space<semaphore_mem>>) src(%arg8 : memref<32x512xf32, #tpu.memory_space<vmem>>) dst(%dma_wait3A_616 : memref<32x512xf32, #tpu.memory_space<hbm>>)
    %add3A_617 = arith.constant 480 : i32
    %add3A_618 = arith.addi %mul3A_2, %add3A_617 : i32
    %dma_wait3A_619 = arith.constant 0 : i32
    %dma_wait3A_620 = tpu.memref_slice %arg5[%add3A_618, %dma_wait3A_619] : memref<16384x512xf32, #tpu.memory_space<hbm>> -> memref<32x512xf32, #tpu.memory_space<hbm>>
    %dma_wait3A_621 = arith.constant 0 : i32
    %dma_wait3A_622 = tpu.memref_slice %arg5[%add3A_618, %dma_wait3A_621] : memref<16384x512xf32, #tpu.memory_space<hbm>> -> memref<32x512xf32, #tpu.memory_space<hbm>>
    tpu.wait_dma2 semaphore(%arg16 : memref<!tpu.dma_semaphore, #tpu.memory_space<semaphore_mem>>) src(%arg6 : memref<32x512xf32, #tpu.memory_space<vmem>>) dst(%dma_wait3A_622 : memref<32x512xf32, #tpu.memory_space<hbm>>)
    return
  }
}

</mosaic_0001>

<sc_bundles>
// kernel: kernel.3.cloned.1.call-start
scs
__scs_entry_jumppad:
0x0: {  	(pc) =	sbr.rel $0x88, $3  }
0x1: {  	(tag) =	ssettag $0x0;
	lr =	simm.s32 $0x1  }
0x2: {  	[smem:$0x3F9F] =	sst lr;
	_ =	strace $0xD0000000  }
0x3: {  	_ = 	snop  }
0x4: {  	_ = 	snop  }
0x5: {  	_ = 	snop  }
0x6: {  	_ = 	snop  }
0x7: {  	_ = 	snop  }
__scs_overlays_trampoline_lowered:
0x8: {  	[smem:$0x3FAE] =	sst s0  }
0x9: {  	[smem:$0x3FAF] =	sst s1  }
0xa: {  	[smem:$0x3FB0] =	sst s2  }
0xb: {  	[smem:$0x3FB1] =	sst s3  }
0xc: {  	[smem:$0x3FB2] =	sst s4  }
0xd: {  	[smem:$0x3FB3] =	sst s5  }
0xe: {  	[smem:$0x3FB4] =	sst s6  }
0xf: {  	[smem:$0x3FB5] =	sst s7  }
0x10: {  	[smem:$0x3FB6] =	sst s8  }
0x11: {  	[smem:$0x3FB7] =	sst s9;
	s0 =	simm.s32 @!p0 $0x0  }
0x12: {  	s1 =	sld [smem:$0x3F9D];
	s0 =	simm.s32 @p0 $0x1  }
0x13: {  	[smem:$0x3FB8] =	sst s0;
	s0 =	simm.s32 @!p1 $0x0  }
0x14: {  	s2 =	sld [smem:$0x3F9C];
	s0 =	simm.s32 @p1 $0x1  }
0x15: {  	[smem:$0x3FB9] =	sst s0;
	s0 =	simm.s32 @!p2 $0x0  }
0x16: {  	s3 =	sld [smem:$0x3FDB];
	s0 =	simm.s32 @p2 $0x1  }
0x17: {  	s4 =	simm.s32 $0x1BF5;
	[smem:$0x3FBB] =	sst s0  }
0x18: {  	s0 =	sld [smem:$0x3F9E];
	_ =	swait.ge [sflag:s4], $0x0  }
0x19: {  	s7 =	sld [smem:$0x3F9F]  }
0x1a: {  	s8 =	sadd.s32 $0xFFFFE003, lr  }
0x1b: {  	s9 =	sadd.s32 $0xFFFFFEF7, lr;
	s5 =	simm.s32 $0xFFFFFFFF;
	p2 =	slt.u32 s8, $0xFFFFF086  }
0x1c: {  	p1 =	slt.u32 s9, $0xF7A;
	s5 =	simm.s32 @!p2 $0x0  }
0x1d: {  	s5 =	simm.s32 @p1 $0x1;
	p0 =	seq.s32 s7, s2  }
0x1e: {  	s7 =	smul.u32 @!p0 $0xF7A, s2;
	p2 =	seq.s32 @!p0 s5, $0x0  }
0x1f: {  	s9 =	smul.u32 $0xF7A, s1;
	s8 =	simm.s32 @!p0 $0x1BF5;
	p2 =	por !p2, p0  }
0x20: {  	[sflag:s8] =	ssyncset.s32 @!p0 $0xFFFFF086;
	s6 =	sadd.s32 @!p0 s3, s7;
	s7 =	simm.s32 @!p0 $0x108  }
0x21: {  	s3 =	sadd.s32 s3, s9;
	s6 =	sadd.s32 @!p0 $0x88, s6;
	s7 =	simm.s32 @p2 $0x1082  }
0x22: {  	[simem:s7], [sflag:s8] =	dma.local @!p0 [hbm:s6], $0xF7A  }
0x23: {  	s9 =	sor.u32 $0xD0000000, s2;
	s6 =	simm.s32 $0x108;
	_ =	swait.ge @!p0 [sflag:s8], $0x0  }
0x24: {  	s3 =	sadd.s32 $0x88, s3;
	s6 =	simm.s32 @!p1 $0x1082;
	[sflag:s4] =	ssyncset.s32 $0xFFFFF086  }
0x25: {  	[simem:s6], [sflag:s4] =	dma.local [hbm:s3], $0xF7A  }
0x26: {  	[smem:$0x3F9F] =	sst s1;
	(tag) =	ssettag s2;
	_ =	strace s9  }
0x27: {  	s1 =	sld [smem:$0x3FAF]  }
0x28: {  	s2 =	sld [smem:$0x3FB0]  }
0x29: {  	s4 =	sld [smem:$0x3FB2]  }
0x2a: {  	p0 =	seq.s32 s5, $0x0;
	s5 =	sld [smem:$0x3FB3]  }
0x2b: {  	s6 =	sld [smem:$0x3FB4]  }
0x2c: {  	s7 =	sld [smem:$0x3FB5]  }
0x2d: {  	s3 =	simm.s32 $0x108;
	s8 =	sld [smem:$0x3FB6]  }
0x2e: {  	s3 =	simm.s32 @!p0 $0x1082;
	s9 =	sld [smem:$0x3FB7]  }
0x2f: {  	lr =	sadd.s32 s0, s3;
	s0 =	sld [smem:$0x3FAE]  }
0x30: {  	s3 =	sld [smem:$0x3FB1]  }
0x31: {  	[smem:$0x3FBA] =	sst s10  }
0x32: {  	s10 =	sld [smem:$0x3FB8];
	_ =	sdelay $0x3  }
0x33: {  	p0 =	seq.s32 s10, $0x1;
	s10 =	sld [smem:$0x3FBA];
	_ =	sdelay $0x3  }
0x34: {  	[smem:$0x3FBA] =	sst s10  }
0x35: {  	s10 =	sld [smem:$0x3FB9];
	_ =	sdelay $0x3  }
0x36: {  	p1 =	seq.s32 s10, $0x1;
	s10 =	sld [smem:$0x3FBA];
	_ =	sdelay $0x3  }
0x37: {  	[smem:$0x3FBA] =	sst s10  }
0x38: {  	s10 =	sld [smem:$0x3FBB]  }
0x39: {  	_ = 	snop;
	(pc) =	sbr.ind lr, $3  }
0x3a: {  	_ = 	snop  }
0x3b: {  	_ = 	snop  }
0x3c: {  	p2 =	seq.s32 s10, $0x1;
	s10 =	sld [smem:$0x3FBA]  }
0x3d: {  	_ =	shalt  }
0x3e: {  	_ =	shalt  }
0x3f: {  	_ =	shalt  }
0x40: {  	_ =	shalt  }
0x41: {  	_ =	shalt  }
0x42: {  	_ =	shalt  }
0x43: {  	_ =	shalt  }
0x44: {  	_ =	shalt  }
0x45: {  	_ =	shalt  }
0x46: {  	_ =	shalt  }
0x47: {  	_ =	shalt  }
0x48: {  	_ =	shalt  }
0x49: {  	_ =	shalt  }
0x4a: {  	_ =	shalt  }
0x4b: {  	_ =	shalt  }
0x4c: {  	_ =	shalt  }
0x4d: {  	_ =	shalt  }
0x4e: {  	_ =	shalt  }
0x4f: {  	_ =	shalt  }
0x50: {  	_ =	shalt  }
0x51: {  	_ =	shalt  }
0x52: {  	_ =	shalt  }
0x53: {  	_ =	shalt  }
0x54: {  	_ =	shalt  }
0x55: {  	_ =	shalt  }
0x56: {  	_ =	shalt  }
0x57: {  	_ =	shalt  }
0x58: {  	_ =	shalt  }
0x59: {  	_ =	shalt  }
0x5a: {  	_ =	shalt  }
0x5b: {  	_ =	shalt  }
0x5c: {  	_ =	shalt  }
0x5d: {  	_ =	shalt  }
0x5e: {  	_ =	shalt  }
0x5f: {  	_ =	shalt  }
0x60: {  	_ =	shalt  }
0x61: {  	_ =	shalt  }
0x62: {  	_ =	shalt  }
0x63: {  	_ =	shalt  }
0x64: {  	_ =	shalt  }
0x65: {  	_ =	shalt  }
0x66: {  	_ =	shalt  }
0x67: {  	_ =	shalt  }
0x68: {  	_ =	shalt  }
0x69: {  	_ =	shalt  }
0x6a: {  	_ =	shalt  }
0x6b: {  	_ =	shalt  }
0x6c: {  	_ =	shalt  }
0x6d: {  	_ =	shalt  }
0x6e: {  	_ =	shalt  }
0x6f: {  	_ =	shalt  }
0x70: {  	_ =	shalt  }
0x71: {  	_ =	shalt  }
0x72: {  	_ =	shalt  }
0x73: {  	_ =	shalt  }
0x74: {  	_ =	shalt  }
0x75: {  	_ =	shalt  }
0x76: {  	_ =	shalt  }
0x77: {  	_ =	shalt  }
0x78: {  	_ =	shalt  }
0x79: {  	_ =	shalt  }
0x7a: {  	_ =	shalt  }
0x7b: {  	_ =	shalt  }
0x7c: {  	_ =	shalt  }
0x7d: {  	_ =	shalt  }
0x7e: {  	_ =	shalt  }
0x7f: {  	_ =	shalt  }
0x80: {  	_ =	shalt  }
0x81: {  	_ =	shalt  }
0x82: {  	_ =	shalt  }
0x83: {  	_ =	shalt  }
0x84: {  	_ =	shalt  }
0x85: {  	_ =	shalt  }
0x86: {  	_ =	shalt  }
0x87: {  	_ =	shalt  }
.Lfunc_end0:
.L_simem_size_0:
called_computation_lowered:
.L_overlay_start_0:
0x88: {  	s2 =	sld [smem:$0x3FD9]  }
0x89: {  	s3 =	sld [smem:$0x3FFE];
	_ =	sdelay $0x1  }
0x8a: {  	s1 =	srdreg.scid  }
0x8b: {  	s0 =	sand.u32 $0x1, s1  }
0x8c: {  	s17 =	sshll.u32 s0, $0xA;
	s2 =	sadd.s32 s3, s2  }
0x8d: {  	s2 =	sadd.s32 s2, s17  }
0x8e: {  	[smem:$0x3FC6] =	sst s2  }
0x8f: {  	_ = 	snop  }
0x90: {  	s2 =	sld [smem:$0x3FC9]  }
0x91: {  	s18 =	sld [smem:$0x3FC8]  }
0x92: {  	s4 =	sld [smem:$0x3FD0];
	(tm) =	ssettm $0x1  }
0x93: {  	s5 =	sld [smem:$0x3FFB];
	_ =	sdelay $0x3  }
0x94: {  	_ =	strace s5  }
0x95: {  	s5 =	sld [smem:$0x3FFC];
	_ =	sdelay $0x3  }
0x96: {  	_ =	strace s5  }
0x97: {  	s5 =	sld [smem:$0x3FFD];
	_ =	sdelay $0x3  }
0x98: {  	_ =	strace s5  }
0x99: {  	_ =	strace $0x8FFFFFFF  }
0x9a: {  	s19 =	sld [smem:$0x3FDB];
	_ =	sdelay $0x1  }
0x9b: {  	s6 =	simm.s32 $_scs_section_size  }
0x9c: {  	s7 =	simm.s32 $_size__tile_overlayer_lowered;
	s8 =	simm.s32 $_tile_overlayer_lowered  }
0x9d: {  	s22 =	simm.s32 $0x1BFF;
	s21 =	sshll.u32 s8, $0x1;
	s5 =	sadd.s32 s6, s19  }
0x9e: {  	s9 =	simm.s32 $0x0;
	s20 =	sshll.u32 s7, $0x1;
	s7 =	sadd.s32 s21, s5  }
0x9f: {  	[timem:s9], [sflag:s22] =	dma.local [hbm:s7], s20  }
0xa0: {  	_ =	swait.ge [sflag:s22], s20  }
0xa1: {  	s6 =	ssub.s32 $0x0, s20;
	[sflag:s22] =	ssyncset.done $0x0  }
0xa2: {  	[sflag:s22] =	ssyncadd.s32 s6;
	_ =	sdelay $0x1  }
0xa3: {  	s23 =	simm.s32 $0x1B8B  }
0xa4: {  	_ =	swait.ge [sflag:s23], $0x1  }
0xa5: {  	[sflag:s23] =	ssyncset.done $0x0  }
0xa6: {  	s25 =	simm.s32 $0x1B8E;
	s24 =	sld [smem:$0x3FFE];
	[sflag:s23] =	ssyncadd.s32 $0xFFFFFFFF  }
0xa7: {  	s26 =	simm.s32 $execute0_lowered;
	[smem:$0x3FD2] =	sst s25  }
0xa8: {  	s7 =	sshll.u32 s26, $0x1;
	_ =	strace $0x80000046;
	[dreg:$0x1] =	wrdreg $0xFFFFFFFF  }
0xa9: {  	s28 =	simm.s32 $_size_execute0_lowered;
	s5 =	sadd.s32 s5, s7;
	[dreg:$0x0] =	wrdreg $0x0  }
0xaa: {  	s7 =	sshll.u32 s28, $0x1;
	[dreg:$0x2] =	wrdreg s5  }
0xab: {  	[dreg:$0x3] =	wrdreg s7  }
0xac: {  	[dreg:$0x4] =	wrdreg $0xC0  }
0xad: {  	_ =	task [dreg:s9], $0x5FFFF  }
0xae: {  	[dreg:$0x1] =	wrdreg $0xFFFFFFFF  }
0xaf: {  	[dreg:$0x0] =	wrdreg $0x60  }
0xb0: {  	[dreg:$0x2] =	wrdreg s2  }
0xb1: {  	[dreg:$0x3] =	wrdreg s18  }
0xb2: {  	[dreg:$0x4] =	wrdreg s24  }
0xb3: {  	[dreg:$0x5] =	wrdreg s4  }
0xb4: {  	[dreg:$0x6] =	wrdreg $0x9  }
0xb5: {  	_ =	task.clear_ibuf [dreg:s9], $0x7FFFF;
	_ =	strace $0x90000046  }
0xb6: {  	s29 =	simm.s32 $0x9;
	_ =	strace $0x80000048  }
0xb7: {  	_ =	swait.ge [sflag:s29], $0x1  }
0xb8: {  	[sflag:s29] =	ssyncadd.s32 $0xFFFFFFFF  }
0xb9: {  	_ =	strace $0x90000048  }
0xba: {  	_ =	sfence  }
0xbb: {  	s30 =	sld [smem:$0x0];
	_ =	sdelay $0x2  }
0xbc: {  	s31 =	sshll.u32 s1, $0xD;
	s1 =	sshrl.u32 s1, $0x2  }
0xbd: {  	s3 =	sand.u32 $0x4000, s31;
	s1 =	sadd.s32 s1, s30  }
0xbe: {  	s0 =	sor.u32 s3, s0;
	s1 =	sshll.u32 s1, $0x11  }
0xbf: {  	s0 =	sor.u32 s1, s0  }
0xc0: {  	s0 =	sadd.s32 $0x8F2B, s0  }
0xc1: {  	[sflag:s0] =	ssyncadd.remote.s32 $0x1  }
0xc2: {  	_ =	sfence.sel $0xFFFF  }
0xc3: {  	[dreg:$0x0] =	wrdreg $0xFFFFFFFF;
	(pc) =	sbr.abs _section_cstart, $3  }
0xc4: {  	[dreg:$0x1] =	wrdreg $0xFFFFFFFF  }
0xc5: {  	_ =	task.clear_ibuf [dreg:s9], $0x2FFFF;
	_ =	strace $0x9FFFFFFF  }
0xc6: {  	(tm) =	ssettm $0x7FFFFFFF  }
0xc7: {  	_ =	shalt  }
tec
execute0_lowered:
.L_overlay_start_1:
0x0: {  	(tag) =	ssettag $0x1  }
0x1: {  	s1 =	srdreg.scid  }
0x2: {  	s5 =	stileid.u32;
	s4 =	sand.u32 $0x1, s1  }
0x3: {  	s3 =	rddreg [dreg:$0x0];
	s5 =	sshll.u32 s5, $0x10;
	s6 =	sshll.u32 s4, $0xF  }
0x4: {  	s0 =	rddreg [dreg:$0x1];
	s14 =	sor.u32 s6, s5  }
0x5: {  	s2 =	rddreg [dreg:$0x3];
	s1 =	simm.s32 $0x0;
	s6 =	sor.u32 $0x800, s14  }
0x6: {  	s4 =	ssub.s32 $0x2, s4;
	[smem:$0x7FF] =	sst s1;
	s9 =	sadd.s32 s3, s6  }
0x7: {  	s10 =	sor.u32 $0x1000, s14;
	s7 =	sadd.s32 s0, s6;
	[dreg:$0x5] =	wrdreg s9  }
0x8: {  	s8 =	sshrl.u32 s4, $0x1;
	s11 =	sadd.s32 s3, s10;
	[dreg:$0x6] =	wrdreg s7  }
0x9: {  	s4 =	ssub.s32 s4, s8;
	s8 =	sadd.s32 s0, s10;
	[dreg:$0x7] =	wrdreg s11  }
0xa: {  	s12 =	sor.u32 $0x1800, s14;
	s6 =	sadd.s32 s2, s6;
	[dreg:$0x8] =	wrdreg s8  }
0xb: {  	s13 =	sadd.s32 s3, s12;
	[dreg:$0x9] =	wrdreg s6  }
0xc: {  	s15 =	sadd.s32 s0, s12;
	[dreg:$0xa] =	wrdreg s13  }
0xd: {  	s16 =	sor.u32 $0x2000, s14;
	s5 =	sadd.s32 s2, s10;
	[dreg:$0xb] =	wrdreg s15  }
0xe: {  	s17 =	sadd.s32 s3, s16;
	[dreg:$0xc] =	wrdreg s5  }
0xf: {  	s19 =	sor.u32 $0x2800, s14;
	s18 =	sadd.s32 s0, s16;
	[dreg:$0xd] =	wrdreg s17  }
0x10: {  	s20 =	sadd.s32 s3, s19;
	[dreg:$0xe] =	wrdreg s18  }
0x11: {  	s21 =	sor.u32 $0x3000, s14;
	s22 =	sadd.s32 s0, s19;
	[dreg:$0x10] =	wrdreg s20  }
0x12: {  	s23 =	sadd.s32 s3, s21;
	[dreg:$0x11] =	wrdreg s22  }
0x13: {  	s28 =	simm.s32 $0x14000;
	s24 =	sadd.s32 s0, s21;
	[dreg:$0x13] =	wrdreg s23  }
0x14: {  	s29 =	simm.s32 $0x2;
	s25 =	sadd.s32 s2, s19;
	[dreg:$0x14] =	wrdreg s24  }
0x15: {  	s30 =	simm.s32 $0x4;
	s7 =	sadd.s32 s2, s12;
	[dreg:$0x15] =	wrdreg s25  }
0x16: {  	s31 =	simm.s32 $0x3;
	s5 =	sadd.s32 s2, s16;
	[dreg:$0xf] =	wrdreg s7  }
0x17: {  	s26 =	sor.u32 $0x3800, s14;
	s8 =	sadd.s32 s2, s21;
	[dreg:$0x12] =	wrdreg s5  }
0x18: {  	s10 =	sor.u32 $0x4000, s14;
	s9 =	sadd.s32 s3, s26;
	[dreg:$0x16] =	wrdreg s8  }
0x19: {  	s19 =	sor.u32 $0x5000, s14;
	s11 =	sadd.s32 s0, s26;
	[dreg:$0x17] =	wrdreg s9  }
0x1a: {  	s12 =	sadd.s32 s3, s10;
	s13 =	sadd.s32 s0, s10;
	[dreg:$0x18] =	wrdreg s11  }
0x1b: {  	s15 =	sadd.s32 s2, s10;
	s16 =	sor.u32 $0x4800, s14;
	[dreg:$0x1a] =	wrdreg s12  }
0x1c: {  	s20 =	sadd.s32 s3, s19;
	s21 =	sor.u32 $0x5800, s14;
	[dreg:$0x1b] =	wrdreg s13  }
0x1d: {  	s22 =	sadd.s32 s0, s19;
	s6 =	sadd.s32 s2, s19;
	[dreg:$0x1c] =	wrdreg s15  }
0x1e: {  	s25 =	sor.u32 $0x6000, s14;
	s10 =	sor.u32 $0x6800, s14;
	[smem:$0x7F7] =	sst s20  }
0x1f: {  	s19 =	sor.u32 $0x7800, s14;
	s5 =	sadd.s32 s2, s26;
	[smem:$0x7F8] =	sst s22  }
0x20: {  	s17 =	sadd.s32 s3, s16;
	s18 =	sadd.s32 s0, s16;
	[smem:$0x7F9] =	sst s6  }
0x21: {  	s23 =	sadd.s32 s3, s21;
	s24 =	sadd.s32 s0, s21;
	s26 =	sadd.s32 s3, s25  }
0x22: {  	s6 =	sadd.s32 s0, s25;
	s7 =	sadd.s32 s2, s25;
	s8 =	sadd.s32 s3, s10  }
0x23: {  	s9 =	sadd.s32 s0, s10;
	s10 =	sadd.s32 s2, s10;
	[dreg:$0x19] =	wrdreg s5  }
0x24: {  	s11 =	sadd.s32 s3, s14;
	s12 =	sadd.s32 s0, s14;
	[dreg:$0x1d] =	wrdreg s17  }
0x25: {  	s13 =	sadd.s32 s2, s14;
	s15 =	sadd.s32 s3, s19;
	[dreg:$0x1e] =	wrdreg s18  }
0x26: {  	s20 =	smax.u32 s4, $0x1;
	s22 =	simm.s32 $0xC000;
	[smem:$0x7FA] =	sst s23  }
0x27: {  	s25 =	simm.s32 $0x1;
	s5 =	sadd.s32 s2, s16;
	[smem:$0x7FB] =	sst s24  }
0x28: {  	[smem:$0x7FD] =	sst s26;
	s18 =	sor.u32 $0x7000, s14;
	s17 =	sadd.s32 s0, s19  }
0x29: {  	s19 =	sadd.s32 s2, s19;
	s23 =	simm.s32 $0x4000;
	s24 =	simm.s32 $0x10000  }
0x2a: {  	s26 =	simm.s32 $0x8000;
	[dreg:$0x1f] =	wrdreg s5;
	s5 =	sadd.s32 s2, s21  }
0x2b: {  	s14 =	sadd.s32 s3, s18;
	s16 =	sadd.s32 s0, s18;
	s18 =	sadd.s32 s2, s18  }
0x2c: {  	s21 =	simm.s32 $0x7;
	s0 =	simm.s32 $0x5;
	[smem:$0x7FC] =	sst s5  }
0x2d: {  	s2 =	simm.s32 $0x6;
	s3 =	simm.s32 $0x0;
	_ =	strace $0x80000047  }
.LBB2_1:
0x2e: {  	s4 =	rddreg [dreg:$0x2];
	s5 =	simm.s32 $0x18000  }
0x2f: {  	[tilespmem:s5], [sflag:$0x7] =	stream.linear.gather [hbm4b:s4+s1], $0x80, $0x38;
	[tilespmem:$0x18080] =	vst v63  }
0x30: {  	_ =	swait.ge [sflag:s21], $0x80  }
0x31: {  	[sflag:s21] =	ssyncset.done $0x0  }
0x32: {  	[sflag:s21] =	ssyncadd.s32 $0xFFFFFF80  }
0x33: {  	v0 =	vld [tilespmem:$0x18000]  }
0x34: {  	v1 =	vld [tilespmem:$0x18010]  }
0x35: {  	v2 =	vld [tilespmem:$0x18020]  }
0x36: {  	v3 =	vld [tilespmem:$0x18030]  }
0x37: {  	v4 =	vld [tilespmem:$0x18040]  }
0x38: {  	v5 =	vld [tilespmem:$0x18050]  }
0x39: {  	v6 =	vld [tilespmem:$0x18060]  }
0x3a: {  	v7 =	vld [tilespmem:$0x18070];
	[tilespmem:s1], [sflag:$0x1] =	stream.linear.gather [hbm4b:s11+s1], $0x4000, $0x38  }
0x3b: {  	_ = 	snop  }
0x3c: {  	[tilespmem:s22], [sflag:$0x1] =	stream.linear.gather [hbm4b:s12+s1], $0x4000, $0x38;
	[tilespmem:$0x18080] =	vst v63  }
0x3d: {  	s5 =	rddreg [dreg:$0x5]  }
0x3e: {  	v9 =	vmov s1;
	[tilespmem:s23], [sflag:$0x2] =	stream.linear.gather [hbm4b:s5+s1], $0x4000, $0x38;
	v8 =	vshll.u32 v0, $0x3;
	[tilespmem:$0x18080] =	vst v63  }
0x3f: {  	v10 =	vshll.u32 v9, $0x9;
	s5 =	rddreg [dreg:$0x6];
	v0 =	vand.u32 $0x7F, v0;
	v8 =	vand.u32 $0xFFFFFC00, v8  }
0x40: {  	v9 =	vshll.u32 v9, $0x7;
	[tilespmem:s24], [sflag:$0x2] =	stream.linear.gather [hbm4b:s5+s1], $0x4000, $0x38;
	v0 =	vor.u32 v0, v8;
	v8 =	vand.u32 $0x3000, v10;
	[tilespmem:$0x18080] =	vst v63  }
0x41: {  	v11 =	vand.u32 $0x380, v9;
	_ =	swait.ge [sflag:s25], $0x4000;
	v9 =	vadd.s32 v0, v8  }
0x42: {  	[sflag:s25] =	ssyncset.done $0x0;
	v9 =	vor.u32 v11, v9  }
0x43: {  	[sflag:s25] =	ssyncadd.s32 $0xFFFFC000  }
0x44: {  	v10 =	vshll.u32 v1, $0x3;
	_ =	swait.ge [sflag:s25], $0x4000  }
0x45: {  	v1 =	vand.u32 $0x7F, v1;
	v10 =	vand.u32 $0xFFFFFC00, v10;
	[sflag:s25] =	ssyncset.done $0x0  }
0x46: {  	v1 =	vor.u32 v1, v10;
	[sflag:s25] =	ssyncadd.s32 $0xFFFFC000  }
0x47: {  	v12 =	vadd.s32 v1, v8;
	v10 =	vld.idx.msk [tilespmem:v9+s22+$0x0], $0xffff  }
0x48: {  	v12 =	vor.u32 v11, v12;
	_ =	sdelay $0x1  }
0x49: {  	v13 =	vshll.u32 v2, $0x3  }
0x4a: {  	v2 =	vand.u32 $0x7F, v2;
	v13 =	vand.u32 $0xFFFFFC00, v13  }
0x4b: {  	v2 =	vor.u32 v2, v13;
	[tilespmem:v9+s1+$0x0] =	vst.idx.msk $0xffff, v10  }
0x4c: {  	v10 =	vadd.s32 v2, v8;
	v9 =	vld.idx.msk [tilespmem:v12+s22+$0x0], $0xffff  }
0x4d: {  	v10 =	vor.u32 v11, v10;
	_ =	sdelay $0x1  }
0x4e: {  	v57 =	vshll.u32 v3, $0x3  }
0x4f: {  	v3 =	vand.u32 $0x7F, v3;
	v13 =	vand.u32 $0xFFFFFC00, v57  }
0x50: {  	v3 =	vor.u32 v3, v13;
	[tilespmem:v12+s1+$0x0] =	vst.idx.msk $0xffff, v9  }
0x51: {  	v58 =	vadd.s32 v3, v8;
	v9 =	vld.idx.msk [tilespmem:v10+s22+$0x0], $0xffff  }
0x52: {  	v12 =	vor.u32 v11, v58;
	_ =	sdelay $0x1  }
0x53: {  	v59 =	vshll.u32 v4, $0x3  }
0x54: {  	v4 =	vand.u32 $0x7F, v4;
	v13 =	vand.u32 $0xFFFFFC00, v59  }
0x55: {  	v4 =	vor.u32 v4, v13;
	[tilespmem:v10+s1+$0x0] =	vst.idx.msk $0xffff, v9  }
0x56: {  	v10 =	vadd.s32 v4, v8;
	v9 =	vld.idx.msk [tilespmem:v12+s22+$0x0], $0xffff  }
0x57: {  	v10 =	vor.u32 v11, v10;
	_ =	sdelay $0x1  }
0x58: {  	v60 =	vshll.u32 v5, $0x3  }
0x59: {  	v5 =	vand.u32 $0x7F, v5;
	v13 =	vand.u32 $0xFFFFFC00, v60  }
0x5a: {  	v5 =	vor.u32 v5, v13;
	[tilespmem:v12+s1+$0x0] =	vst.idx.msk $0xffff, v9  }
0x5b: {  	v61 =	vadd.s32 v5, v8;
	v9 =	vld.idx.msk [tilespmem:v10+s22+$0x0], $0xffff  }
0x5c: {  	v12 =	vor.u32 v11, v61;
	_ =	sdelay $0x1  }
0x5d: {  	v62 =	vshll.u32 v6, $0x3  }
0x5e: {  	v6 =	vand.u32 $0x7F, v6;
	v13 =	vand.u32 $0xFFFFFC00, v62  }
0x5f: {  	v6 =	vor.u32 v6, v13;
	[tilespmem:v10+s1+$0x0] =	vst.idx.msk $0xffff, v9  }
0x60: {  	v9 =	vadd.s32 v6, v8;
	v10 =	vld.idx.msk [tilespmem:v12+s22+$0x0], $0xffff  }
0x61: {  	v9 =	vor.u32 v11, v9;
	_ =	sdelay $0x1  }
0x62: {  	v63 =	vshll.u32 v7, $0x3  }
0x63: {  	v7 =	vand.u32 $0x7F, v7;
	v13 =	vand.u32 $0xFFFFFC00, v63  }
0x64: {  	v7 =	vor.u32 v7, v13;
	[tilespmem:v12+s1+$0x0] =	vst.idx.msk $0xffff, v10  }
0x65: {  	v8 =	vadd.s32 v7, v8;
	v10 =	vld.idx.msk [tilespmem:v9+s22+$0x0], $0xffff  }
0x66: {  	v8 =	vor.u32 v11, v8;
	_ =	sdelay $0x1  }
0x67: {  	s5 =	simm.s32 $0x1  }
0x68: {  	s4 =	simm.s32 $0x2;
	v11 =	vmov s5  }
.LBB2_2:
0x69: {  	p0 =	sne.s32 s4, $0x1F;
	v12 =	vshll.u32 v11, $0x9;
	[tilespmem:v9+s1+$0x0] =	vst.idx.msk $0xffff, v10  }
0x6a: {  	v9 =	vshll.u32 v11, $0x7;
	v12 =	vand.u32 $0x3000, v12;
	v10 =	vld.idx.msk [tilespmem:v8+s22+$0x0], $0xffff  }
0x6b: {  	v11 =	vand.u32 $0x380, v9;
	v9 =	vadd.s32 v0, v12  }
0x6c: {  	v9 =	vor.u32 v11, v9;
	_ =	sdelay $0x3  }
0x6d: {  	[tilespmem:v8+s1+$0x0] =	vst.idx.msk $0xffff, v10  }
0x6e: {  	v8 =	vld.idx.msk [tilespmem:v9+s22+$0x0], $0xffff  }
0x6f: {  	v10 =	vadd.s32 v1, v12  }
0x70: {  	v10 =	vor.u32 v11, v10;
	_ =	sdelay $0x3  }
0x71: {  	[tilespmem:v9+s1+$0x0] =	vst.idx.msk $0xffff, v8  }
0x72: {  	v8 =	vld.idx.msk [tilespmem:v10+s22+$0x0], $0xffff  }
0x73: {  	v9 =	vadd.s32 v2, v12  }
0x74: {  	v9 =	vor.u32 v11, v9;
	_ =	sdelay $0x3  }
0x75: {  	[tilespmem:v10+s1+$0x0] =	vst.idx.msk $0xffff, v8  }
0x76: {  	v8 =	vld.idx.msk [tilespmem:v9+s22+$0x0], $0xffff  }
0x77: {  	v10 =	vadd.s32 v3, v12  }
0x78: {  	v10 =	vor.u32 v11, v10;
	_ =	sdelay $0x3  }
0x79: {  	[tilespmem:v9+s1+$0x0] =	vst.idx.msk $0xffff, v8  }
0x7a: {  	v8 =	vld.idx.msk [tilespmem:v10+s22+$0x0], $0xffff  }
0x7b: {  	v9 =	vadd.s32 v4, v12  }
0x7c: {  	v9 =	vor.u32 v11, v9;
	_ =	sdelay $0x3  }
0x7d: {  	[tilespmem:v10+s1+$0x0] =	vst.idx.msk $0xffff, v8  }
0x7e: {  	v8 =	vld.idx.msk [tilespmem:v9+s22+$0x0], $0xffff  }
0x7f: {  	v10 =	vadd.s32 v5, v12  }
0x80: {  	v10 =	vor.u32 v11, v10;
	_ =	sdelay $0x3  }
0x81: {  	[tilespmem:v9+s1+$0x0] =	vst.idx.msk $0xffff, v8  }
0x82: {  	v8 =	vld.idx.msk [tilespmem:v10+s22+$0x0], $0xffff  }
0x83: {  	v9 =	vadd.s32 v6, v12  }
0x84: {  	v9 =	vor.u32 v11, v9;
	_ =	sdelay $0x3  }
0x85: {  	[tilespmem:v10+s1+$0x0] =	vst.idx.msk $0xffff, v8  }
0x86: {  	v10 =	vld.idx.msk [tilespmem:v9+s22+$0x0], $0xffff  }
.Ltmp0:
0x87: {  	v8 =	vadd.s32 v7, v12;
	(pc) =	sbr.rel @p0 .LBB2_2-.Ltmp0, $2  }
0x88: {  	v8 =	vor.u32 v11, v8;
	_ =	sdelay $0x2  }
0x89: {  	v11 =	vmov s4;
	s4 =	sadd.s32 $0x1, s4  }
0x8a: {  	_ =	sdelay $0x2  }
0x8b: {  	v12 =	vshll.u32 v11, $0x9  }
0x8c: {  	[tilespmem:v9+s1+$0x0] =	vst.idx.msk $0xffff, v10;
	v10 =	vshll.u32 v11, $0x7;
	v9 =	vand.u32 $0x3000, v12  }
0x8d: {  	v11 =	vld.idx.msk [tilespmem:v8+s22+$0x0], $0xffff;
	v10 =	vand.u32 $0x380, v10;
	v12 =	vadd.s32 v0, v9  }
0x8e: {  	v12 =	vor.u32 v10, v12;
	_ =	sdelay $0x3  }
0x8f: {  	[tilespmem:v8+s1+$0x0] =	vst.idx.msk $0xffff, v11  }
0x90: {  	v11 =	vadd.s32 v1, v9;
	v8 =	vld.idx.msk [tilespmem:v12+s22+$0x0], $0xffff  }
0x91: {  	v11 =	vor.u32 v10, v11;
	_ =	sdelay $0x3  }
0x92: {  	[tilespmem:v12+s1+$0x0] =	vst.idx.msk $0xffff, v8  }
0x93: {  	v58 =	vadd.s32 v2, v9;
	v8 =	vld.idx.msk [tilespmem:v11+s22+$0x0], $0xffff  }
0x94: {  	v12 =	vor.u32 v10, v58;
	_ =	sdelay $0x3  }
0x95: {  	[tilespmem:v11+s1+$0x0] =	vst.idx.msk $0xffff, v8  }
0x96: {  	v11 =	vadd.s32 v3, v9;
	v8 =	vld.idx.msk [tilespmem:v12+s22+$0x0], $0xffff  }
0x97: {  	v11 =	vor.u32 v10, v11;
	_ =	sdelay $0x3  }
0x98: {  	[tilespmem:v12+s1+$0x0] =	vst.idx.msk $0xffff, v8  }
0x99: {  	v59 =	vadd.s32 v4, v9;
	v8 =	vld.idx.msk [tilespmem:v11+s22+$0x0], $0xffff  }
0x9a: {  	v12 =	vor.u32 v10, v59;
	_ =	sdelay $0x3  }
0x9b: {  	[tilespmem:v11+s1+$0x0] =	vst.idx.msk $0xffff, v8  }
0x9c: {  	v11 =	vadd.s32 v5, v9;
	v8 =	vld.idx.msk [tilespmem:v12+s22+$0x0], $0xffff  }
0x9d: {  	v11 =	vor.u32 v10, v11;
	_ =	sdelay $0x3  }
0x9e: {  	[tilespmem:v12+s1+$0x0] =	vst.idx.msk $0xffff, v8  }
0x9f: {  	v60 =	vadd.s32 v6, v9;
	v8 =	vld.idx.msk [tilespmem:v11+s22+$0x0], $0xffff  }
0xa0: {  	v12 =	vor.u32 v10, v60;
	_ =	sdelay $0x3  }
0xa1: {  	[tilespmem:v11+s1+$0x0] =	vst.idx.msk $0xffff, v8  }
0xa2: {  	v9 =	vadd.s32 v7, v9;
	v8 =	vld.idx.msk [tilespmem:v12+s22+$0x0], $0xffff  }
0xa3: {  	v9 =	vor.u32 v10, v9;
	_ =	sdelay $0x3  }
0xa4: {  	[tilespmem:v12+s1+$0x0] =	vst.idx.msk $0xffff, v8  }
0xa5: {  	v8 =	vld.idx.msk [tilespmem:v9+s22+$0x0], $0xffff;
	_ =	sdelay $0x4  }
0xa6: {  	s4 =	simm.s32 $0x0;
	[tilespmem:v9+s1+$0x0] =	vst.idx.msk $0xffff, v8  }
0xa7: {  	[hbm4b:s13+s4] =	stream.linear.scatter [tilespmem:s4], [sflag:$0x4], $0x4000, $0x38;
	[tilespmem:$0x18080] =	vst v63  }
0xa8: {  	s5 =	rddreg [dreg:$0x7]  }
0xa9: {  	v8 =	vmov s4;
	[tilespmem:s26], [sflag:$0x3] =	stream.linear.gather [hbm4b:s5+s4], $0x4000, $0x38;
	[tilespmem:$0x18080] =	vst v63  }
0xaa: {  	v9 =	vshll.u32 v8, $0x9;
	s5 =	rddreg [dreg:$0x8]  }
0xab: {  	v8 =	vshll.u32 v8, $0x7;
	v10 =	vand.u32 $0x3000, v9;
	[tilespmem:s28], [sflag:$0x3] =	stream.linear.gather [hbm4b:s5+s4], $0x4000, $0x38;
	[tilespmem:$0x18080] =	vst v63  }
0xac: {  	v8 =	vand.u32 $0x380, v8;
	v9 =	vadd.s32 v0, v10;
	_ =	swait.ge [sflag:s29], $0x4000  }
0xad: {  	v9 =	vor.u32 v8, v9;
	[sflag:s29] =	ssyncset.done $0x0  }
0xae: {  	[sflag:s29] =	ssyncadd.s32 $0xFFFFC000  }
0xaf: {  	_ =	swait.ge [sflag:s29], $0x4000  }
0xb0: {  	[sflag:s29] =	ssyncset.done $0x0  }
0xb1: {  	[sflag:s29] =	ssyncadd.s32 $0xFFFFC000  }
0xb2: {  	v61 =	vadd.s32 v1, v10;
	v11 =	vld.idx.msk [tilespmem:v9+s24+$0x0], $0xffff  }
0xb3: {  	v12 =	vor.u32 v8, v61;
	_ =	sdelay $0x3  }
0xb4: {  	[tilespmem:v9+s23+$0x0] =	vst.idx.msk $0xffff, v11  }
0xb5: {  	v11 =	vadd.s32 v2, v10;
	v9 =	vld.idx.msk [tilespmem:v12+s24+$0x0], $0xffff  }
0xb6: {  	v11 =	vor.u32 v8, v11;
	_ =	sdelay $0x3  }
0xb7: {  	[tilespmem:v12+s23+$0x0] =	vst.idx.msk $0xffff, v9  }
0xb8: {  	v62 =	vadd.s32 v3, v10;
	v9 =	vld.idx.msk [tilespmem:v11+s24+$0x0], $0xffff  }
0xb9: {  	v12 =	vor.u32 v8, v62;
	_ =	sdelay $0x3  }
0xba: {  	[tilespmem:v11+s23+$0x0] =	vst.idx.msk $0xffff, v9  }
0xbb: {  	v11 =	vadd.s32 v4, v10;
	v9 =	vld.idx.msk [tilespmem:v12+s24+$0x0], $0xffff  }
0xbc: {  	v11 =	vor.u32 v8, v11;
	_ =	sdelay $0x3  }
0xbd: {  	[tilespmem:v12+s23+$0x0] =	vst.idx.msk $0xffff, v9  }
0xbe: {  	v63 =	vadd.s32 v5, v10;
	v9 =	vld.idx.msk [tilespmem:v11+s24+$0x0], $0xffff  }
0xbf: {  	v12 =	vor.u32 v8, v63;
	_ =	sdelay $0x3  }
0xc0: {  	[tilespmem:v11+s23+$0x0] =	vst.idx.msk $0xffff, v9  }
0xc1: {  	v9 =	vadd.s32 v6, v10;
	v11 =	vld.idx.msk [tilespmem:v12+s24+$0x0], $0xffff  }
0xc2: {  	v9 =	vor.u32 v8, v9;
	_ =	sdelay $0x3  }
0xc3: {  	[tilespmem:v12+s23+$0x0] =	vst.idx.msk $0xffff, v11  }
0xc4: {  	v11 =	vadd.s32 v7, v10;
	v10 =	vld.idx.msk [tilespmem:v9+s24+$0x0], $0xffff  }
0xc5: {  	v8 =	vor.u32 v8, v11;
	_ =	sdelay $0x1  }
0xc6: {  	s5 =	simm.s32 $0x1  }
0xc7: {  	s4 =	simm.s32 $0x2;
	v11 =	vmov s5  }
.LBB2_4:
0xc8: {  	p0 =	sne.s32 s4, $0x1F;
	v12 =	vshll.u32 v11, $0x9;
	[tilespmem:v9+s23+$0x0] =	vst.idx.msk $0xffff, v10  }
0xc9: {  	v9 =	vshll.u32 v11, $0x7;
	v12 =	vand.u32 $0x3000, v12;
	v10 =	vld.idx.msk [tilespmem:v8+s24+$0x0], $0xffff  }
0xca: {  	v11 =	vand.u32 $0x380, v9;
	v9 =	vadd.s32 v0, v12  }
0xcb: {  	v9 =	vor.u32 v11, v9;
	_ =	sdelay $0x3  }
0xcc: {  	[tilespmem:v8+s23+$0x0] =	vst.idx.msk $0xffff, v10  }
0xcd: {  	v8 =	vld.idx.msk [tilespmem:v9+s24+$0x0], $0xffff  }
0xce: {  	v10 =	vadd.s32 v1, v12  }
0xcf: {  	v10 =	vor.u32 v11, v10;
	_ =	sdelay $0x3  }
0xd0: {  	[tilespmem:v9+s23+$0x0] =	vst.idx.msk $0xffff, v8  }
0xd1: {  	v8 =	vld.idx.msk [tilespmem:v10+s24+$0x0], $0xffff  }
0xd2: {  	v9 =	vadd.s32 v2, v12  }
0xd3: {  	v9 =	vor.u32 v11, v9;
	_ =	sdelay $0x3  }
0xd4: {  	[tilespmem:v10+s23+$0x0] =	vst.idx.msk $0xffff, v8  }
0xd5: {  	v8 =	vld.idx.msk [tilespmem:v9+s24+$0x0], $0xffff  }
0xd6: {  	v10 =	vadd.s32 v3, v12  }
0xd7: {  	v10 =	vor.u32 v11, v10;
	_ =	sdelay $0x3  }
0xd8: {  	[tilespmem:v9+s23+$0x0] =	vst.idx.msk $0xffff, v8  }
0xd9: {  	v8 =	vld.idx.msk [tilespmem:v10+s24+$0x0], $0xffff  }
0xda: {  	v9 =	vadd.s32 v4, v12  }
0xdb: {  	v9 =	vor.u32 v11, v9;
	_ =	sdelay $0x3  }
0xdc: {  	[tilespmem:v10+s23+$0x0] =	vst.idx.msk $0xffff, v8  }
0xdd: {  	v8 =	vld.idx.msk [tilespmem:v9+s24+$0x0], $0xffff  }
0xde: {  	v10 =	vadd.s32 v5, v12  }
0xdf: {  	v10 =	vor.u32 v11, v10;
	_ =	sdelay $0x3  }
0xe0: {  	[tilespmem:v9+s23+$0x0] =	vst.idx.msk $0xffff, v8  }
0xe1: {  	v8 =	vld.idx.msk [tilespmem:v10+s24+$0x0], $0xffff  }
0xe2: {  	v9 =	vadd.s32 v6, v12  }
0xe3: {  	v9 =	vor.u32 v11, v9;
	_ =	sdelay $0x3  }
0xe4: {  	[tilespmem:v10+s23+$0x0] =	vst.idx.msk $0xffff, v8  }
0xe5: {  	v10 =	vld.idx.msk [tilespmem:v9+s24+$0x0], $0xffff  }
.Ltmp1:
0xe6: {  	v8 =	vadd.s32 v7, v12;
	(pc) =	sbr.rel @p0 .LBB2_4-.Ltmp1, $2  }
0xe7: {  	v8 =	vor.u32 v11, v8;
	_ =	sdelay $0x2  }
0xe8: {  	v11 =	vmov s4;
	s4 =	sadd.s32 $0x1, s4  }
0xe9: {  	_ =	sdelay $0x2  }
0xea: {  	v12 =	vshll.u32 v11, $0x9  }
0xeb: {  	[tilespmem:v9+s23+$0x0] =	vst.idx.msk $0xffff, v10;
	v10 =	vshll.u32 v11, $0x7;
	v9 =	vand.u32 $0x3000, v12  }
0xec: {  	v11 =	vld.idx.msk [tilespmem:v8+s24+$0x0], $0xffff;
	v10 =	vand.u32 $0x380, v10;
	v12 =	vadd.s32 v0, v9  }
0xed: {  	v12 =	vor.u32 v10, v12;
	_ =	sdelay $0x3  }
0xee: {  	[tilespmem:v8+s23+$0x0] =	vst.idx.msk $0xffff, v11  }
0xef: {  	v11 =	vadd.s32 v1, v9;
	v8 =	vld.idx.msk [tilespmem:v12+s24+$0x0], $0xffff  }
0xf0: {  	v11 =	vor.u32 v10, v11;
	_ =	sdelay $0x3  }
0xf1: {  	[tilespmem:v12+s23+$0x0] =	vst.idx.msk $0xffff, v8  }
0xf2: {  	v58 =	vadd.s32 v2, v9;
	v8 =	vld.idx.msk [tilespmem:v11+s24+$0x0], $0xffff  }
0xf3: {  	v12 =	vor.u32 v10, v58;
	_ =	sdelay $0x3  }
0xf4: {  	[tilespmem:v11+s23+$0x0] =	vst.idx.msk $0xffff, v8  }
0xf5: {  	v11 =	vadd.s32 v3, v9;
	v8 =	vld.idx.msk [tilespmem:v12+s24+$0x0], $0xffff  }
0xf6: {  	v11 =	vor.u32 v10, v11;
	_ =	sdelay $0x3  }
0xf7: {  	[tilespmem:v12+s23+$0x0] =	vst.idx.msk $0xffff, v8  }
0xf8: {  	v59 =	vadd.s32 v4, v9;
	v8 =	vld.idx.msk [tilespmem:v11+s24+$0x0], $0xffff  }
0xf9: {  	v12 =	vor.u32 v10, v59;
	_ =	sdelay $0x3  }
0xfa: {  	[tilespmem:v11+s23+$0x0] =	vst.idx.msk $0xffff, v8  }
0xfb: {  	v11 =	vadd.s32 v5, v9;
	v8 =	vld.idx.msk [tilespmem:v12+s24+$0x0], $0xffff  }
0xfc: {  	v11 =	vor.u32 v10, v11;
	_ =	sdelay $0x3  }
0xfd: {  	[tilespmem:v12+s23+$0x0] =	vst.idx.msk $0xffff, v8  }
0xfe: {  	v60 =	vadd.s32 v6, v9;
	v8 =	vld.idx.msk [tilespmem:v11+s24+$0x0], $0xffff  }
0xff: {  	v12 =	vor.u32 v10, v60;
	_ =	sdelay $0x3  }
0x100: {  	[tilespmem:v11+s23+$0x0] =	vst.idx.msk $0xffff, v8  }
0x101: {  	v9 =	vadd.s32 v7, v9;
	v8 =	vld.idx.msk [tilespmem:v12+s24+$0x0], $0xffff  }
0x102: {  	v9 =	vor.u32 v10, v9;
	_ =	sdelay $0x3  }
0x103: {  	[tilespmem:v12+s23+$0x0] =	vst.idx.msk $0xffff, v8  }
0x104: {  	v8 =	vld.idx.msk [tilespmem:v9+s24+$0x0], $0xffff;
	_ =	sdelay $0x4  }
0x105: {  	s4 =	simm.s32 $0x0;
	s5 =	rddreg [dreg:$0x9];
	[tilespmem:v9+s23+$0x0] =	vst.idx.msk $0xffff, v8  }
0x106: {  	[hbm4b:s5+s4] =	stream.linear.scatter [tilespmem:s23], [sflag:$0x5], $0x4000, $0x38;
	[tilespmem:$0x18080] =	vst v63  }
0x107: {  	_ =	swait.ge [sflag:s30], $0x4000  }
0x108: {  	[sflag:s30] =	ssyncset.done $0x0  }
0x109: {  	s5 =	rddreg [dreg:$0xa];
	[sflag:s30] =	ssyncadd.s32 $0xFFFFC000  }
0x10a: {  	v8 =	vmov s4;
	[tilespmem:s4], [sflag:$0x1] =	stream.linear.gather [hbm4b:s5+s4], $0x4000, $0x38;
	[tilespmem:$0x18080] =	vst v63  }
0x10b: {  	v9 =	vshll.u32 v8, $0x9;
	s5 =	rddreg [dreg:$0xb]  }
0x10c: {  	v8 =	vshll.u32 v8, $0x7;
	v10 =	vand.u32 $0x3000, v9;
	[tilespmem:s22], [sflag:$0x1] =	stream.linear.gather [hbm4b:s5+s4], $0x4000, $0x38;
	[tilespmem:$0x18080] =	vst v63  }
0x10d: {  	v8 =	vand.u32 $0x380, v8;
	v9 =	vadd.s32 v0, v10;
	_ =	swait.ge [sflag:s31], $0x4000  }
0x10e: {  	v9 =	vor.u32 v8, v9;
	[sflag:s31] =	ssyncset.done $0x0  }
0x10f: {  	[sflag:s31] =	ssyncadd.s32 $0xFFFFC000  }
0x110: {  	_ =	swait.ge [sflag:s31], $0x4000  }
0x111: {  	[sflag:s31] =	ssyncset.done $0x0  }
0x112: {  	[sflag:s31] =	ssyncadd.s32 $0xFFFFC000  }
0x113: {  	v61 =	vadd.s32 v1, v10;
	v11 =	vld.idx.msk [tilespmem:v9+s28+$0x0], $0xffff  }
0x114: {  	v12 =	vor.u32 v8, v61;
	_ =	sdelay $0x3  }
0x115: {  	[tilespmem:v9+s26+$0x0] =	vst.idx.msk $0xffff, v11  }
0x116: {  	v11 =	vadd.s32 v2, v10;
	v9 =	vld.idx.msk [tilespmem:v12+s28+$0x0], $0xffff  }
0x117: {  	v11 =	vor.u32 v8, v11;
	_ =	sdelay $0x3  }
0x118: {  	[tilespmem:v12+s26+$0x0] =	vst.idx.msk $0xffff, v9  }
0x119: {  	v62 =	vadd.s32 v3, v10;
	v9 =	vld.idx.msk [tilespmem:v11+s28+$0x0], $0xffff  }
0x11a: {  	v12 =	vor.u32 v8, v62;
	_ =	sdelay $0x3  }
0x11b: {  	[tilespmem:v11+s26+$0x0] =	vst.idx.msk $0xffff, v9  }
0x11c: {  	v11 =	vadd.s32 v4, v10;
	v9 =	vld.idx.msk [tilespmem:v12+s28+$0x0], $0xffff  }
0x11d: {  	v11 =	vor.u32 v8, v11;
	_ =	sdelay $0x3  }
0x11e: {  	[tilespmem:v12+s26+$0x0] =	vst.idx.msk $0xffff, v9  }
0x11f: {  	v63 =	vadd.s32 v5, v10;
	v9 =	vld.idx.msk [tilespmem:v11+s28+$0x0], $0xffff  }
0x120: {  	v12 =	vor.u32 v8, v63;
	_ =	sdelay $0x3  }
0x121: {  	[tilespmem:v11+s26+$0x0] =	vst.idx.msk $0xffff, v9  }
0x122: {  	v9 =	vadd.s32 v6, v10;
	v11 =	vld.idx.msk [tilespmem:v12+s28+$0x0], $0xffff  }
0x123: {  	v9 =	vor.u32 v8, v9;
	_ =	sdelay $0x3  }
0x124: {  	[tilespmem:v12+s26+$0x0] =	vst.idx.msk $0xffff, v11  }
0x125: {  	v11 =	vadd.s32 v7, v10;
	v10 =	vld.idx.msk [tilespmem:v9+s28+$0x0], $0xffff  }
0x126: {  	v8 =	vor.u32 v8, v11;
	_ =	sdelay $0x1  }
0x127: {  	s5 =	simm.s32 $0x1  }
0x128: {  	s4 =	simm.s32 $0x2;
	v11 =	vmov s5  }
.LBB2_6:
0x129: {  	p0 =	sne.s32 s4, $0x1F;
	v12 =	vshll.u32 v11, $0x9;
	[tilespmem:v9+s26+$0x0] =	vst.idx.msk $0xffff, v10  }
0x12a: {  	v9 =	vshll.u32 v11, $0x7;
	v12 =	vand.u32 $0x3000, v12;
	v10 =	vld.idx.msk [tilespmem:v8+s28+$0x0], $0xffff  }
0x12b: {  	v11 =	vand.u32 $0x380, v9;
	v9 =	vadd.s32 v0, v12  }
0x12c: {  	v9 =	vor.u32 v11, v9;
	_ =	sdelay $0x3  }
0x12d: {  	[tilespmem:v8+s26+$0x0] =	vst.idx.msk $0xffff, v10  }
0x12e: {  	v8 =	vld.idx.msk [tilespmem:v9+s28+$0x0], $0xffff  }
0x12f: {  	v10 =	vadd.s32 v1, v12  }
0x130: {  	v10 =	vor.u32 v11, v10;
	_ =	sdelay $0x3  }
0x131: {  	[tilespmem:v9+s26+$0x0] =	vst.idx.msk $0xffff, v8  }
0x132: {  	v8 =	vld.idx.msk [tilespmem:v10+s28+$0x0], $0xffff  }
0x133: {  	v9 =	vadd.s32 v2, v12  }
0x134: {  	v9 =	vor.u32 v11, v9;
	_ =	sdelay $0x3  }
0x135: {  	[tilespmem:v10+s26+$0x0] =	vst.idx.msk $0xffff, v8  }
0x136: {  	v8 =	vld.idx.msk [tilespmem:v9+s28+$0x0], $0xffff  }
0x137: {  	v10 =	vadd.s32 v3, v12  }
0x138: {  	v10 =	vor.u32 v11, v10;
	_ =	sdelay $0x3  }
0x139: {  	[tilespmem:v9+s26+$0x0] =	vst.idx.msk $0xffff, v8  }
0x13a: {  	v8 =	vld.idx.msk [tilespmem:v10+s28+$0x0], $0xffff  }
0x13b: {  	v9 =	vadd.s32 v4, v12  }
0x13c: {  	v9 =	vor.u32 v11, v9;
	_ =	sdelay $0x3  }
0x13d: {  	[tilespmem:v10+s26+$0x0] =	vst.idx.msk $0xffff, v8  }
0x13e: {  	v8 =	vld.idx.msk [tilespmem:v9+s28+$0x0], $0xffff  }
0x13f: {  	v10 =	vadd.s32 v5, v12  }
0x140: {  	v10 =	vor.u32 v11, v10;
	_ =	sdelay $0x3  }
0x141: {  	[tilespmem:v9+s26+$0x0] =	vst.idx.msk $0xffff, v8  }
0x142: {  	v8 =	vld.idx.msk [tilespmem:v10+s28+$0x0], $0xffff  }
0x143: {  	v9 =	vadd.s32 v6, v12  }
0x144: {  	v9 =	vor.u32 v11, v9;
	_ =	sdelay $0x3  }
0x145: {  	[tilespmem:v10+s26+$0x0] =	vst.idx.msk $0xffff, v8  }
0x146: {  	v10 =	vld.idx.msk [tilespmem:v9+s28+$0x0], $0xffff  }
.Ltmp2:
0x147: {  	v8 =	vadd.s32 v7, v12;
	(pc) =	sbr.rel @p0 .LBB2_6-.Ltmp2, $2  }
0x148: {  	v8 =	vor.u32 v11, v8;
	_ =	sdelay $0x2  }
0x149: {  	v11 =	vmov s4;
	s4 =	sadd.s32 $0x1, s4  }
0x14a: {  	_ =	sdelay $0x2  }
0x14b: {  	v12 =	vshll.u32 v11, $0x9  }
0x14c: {  	[tilespmem:v9+s26+$0x0] =	vst.idx.msk $0xffff, v10;
	v10 =	vshll.u32 v11, $0x7;
	v9 =	vand.u32 $0x3000, v12  }
0x14d: {  	v11 =	vld.idx.msk [tilespmem:v8+s28+$0x0], $0xffff;
	v10 =	vand.u32 $0x380, v10;
	v12 =	vadd.s32 v0, v9  }
0x14e: {  	v12 =	vor.u32 v10, v12;
	_ =	sdelay $0x3  }
0x14f: {  	[tilespmem:v8+s26+$0x0] =	vst.idx.msk $0xffff, v11  }
0x150: {  	v11 =	vadd.s32 v1, v9;
	v8 =	vld.idx.msk [tilespmem:v12+s28+$0x0], $0xffff  }
0x151: {  	v11 =	vor.u32 v10, v11;
	_ =	sdelay $0x3  }
0x152: {  	[tilespmem:v12+s26+$0x0] =	vst.idx.msk $0xffff, v8  }
0x153: {  	v58 =	vadd.s32 v2, v9;
	v8 =	vld.idx.msk [tilespmem:v11+s28+$0x0], $0xffff  }
0x154: {  	v12 =	vor.u32 v10, v58;
	_ =	sdelay $0x3  }
0x155: {  	[tilespmem:v11+s26+$0x0] =	vst.idx.msk $0xffff, v8  }
0x156: {  	v11 =	vadd.s32 v3, v9;
	v8 =	vld.idx.msk [tilespmem:v12+s28+$0x0], $0xffff  }
0x157: {  	v11 =	vor.u32 v10, v11;
	_ =	sdelay $0x3  }
0x158: {  	[tilespmem:v12+s26+$0x0] =	vst.idx.msk $0xffff, v8  }
0x159: {  	v59 =	vadd.s32 v4, v9;
	v8 =	vld.idx.msk [tilespmem:v11+s28+$0x0], $0xffff  }
0x15a: {  	v12 =	vor.u32 v10, v59;
	_ =	sdelay $0x3  }
0x15b: {  	[tilespmem:v11+s26+$0x0] =	vst.idx.msk $0xffff, v8  }
0x15c: {  	v11 =	vadd.s32 v5, v9;
	v8 =	vld.idx.msk [tilespmem:v12+s28+$0x0], $0xffff  }
0x15d: {  	v11 =	vor.u32 v10, v11;
	_ =	sdelay $0x3  }
0x15e: {  	[tilespmem:v12+s26+$0x0] =	vst.idx.msk $0xffff, v8  }
0x15f: {  	v60 =	vadd.s32 v6, v9;
	v8 =	vld.idx.msk [tilespmem:v11+s28+$0x0], $0xffff  }
0x160: {  	v12 =	vor.u32 v10, v60;
	_ =	sdelay $0x3  }
0x161: {  	[tilespmem:v11+s26+$0x0] =	vst.idx.msk $0xffff, v8  }
0x162: {  	v9 =	vadd.s32 v7, v9;
	v8 =	vld.idx.msk [tilespmem:v12+s28+$0x0], $0xffff  }
0x163: {  	v9 =	vor.u32 v10, v9;
	_ =	sdelay $0x3  }
0x164: {  	[tilespmem:v12+s26+$0x0] =	vst.idx.msk $0xffff, v8  }
0x165: {  	v8 =	vld.idx.msk [tilespmem:v9+s28+$0x0], $0xffff;
	_ =	sdelay $0x4  }
0x166: {  	s4 =	simm.s32 $0x0;
	s5 =	rddreg [dreg:$0xc];
	[tilespmem:v9+s26+$0x0] =	vst.idx.msk $0xffff, v8  }
0x167: {  	[hbm4b:s5+s4] =	stream.linear.scatter [tilespmem:s26], [sflag:$0x6], $0x4000, $0x38;
	[tilespmem:$0x18080] =	vst v63  }
0x168: {  	_ =	swait.ge [sflag:s0], $0x4000  }
0x169: {  	[sflag:s0] =	ssyncset.done $0x0  }
0x16a: {  	s5 =	rddreg [dreg:$0xd];
	[sflag:s0] =	ssyncadd.s32 $0xFFFFC000  }
0x16b: {  	v8 =	vmov s4;
	[tilespmem:s23], [sflag:$0x2] =	stream.linear.gather [hbm4b:s5+s4], $0x4000, $0x38;
	[tilespmem:$0x18080] =	vst v63  }
0x16c: {  	v9 =	vshll.u32 v8, $0x9;
	s5 =	rddreg [dreg:$0xe]  }
0x16d: {  	v8 =	vshll.u32 v8, $0x7;
	v10 =	vand.u32 $0x3000, v9;
	[tilespmem:s24], [sflag:$0x2] =	stream.linear.gather [hbm4b:s5+s4], $0x4000, $0x38;
	[tilespmem:$0x18080] =	vst v63  }
0x16e: {  	v8 =	vand.u32 $0x380, v8;
	v9 =	vadd.s32 v0, v10;
	_ =	swait.ge [sflag:s25], $0x4000  }
0x16f: {  	v9 =	vor.u32 v8, v9;
	[sflag:s25] =	ssyncset.done $0x0  }
0x170: {  	[sflag:s25] =	ssyncadd.s32 $0xFFFFC000  }
0x171: {  	_ =	swait.ge [sflag:s25], $0x4000  }
0x172: {  	[sflag:s25] =	ssyncset.done $0x0  }
0x173: {  	[sflag:s25] =	ssyncadd.s32 $0xFFFFC000  }
0x174: {  	v61 =	vadd.s32 v1, v10;
	v11 =	vld.idx.msk [tilespmem:v9+s22+$0x0], $0xffff  }
0x175: {  	v12 =	vor.u32 v8, v61;
	_ =	sdelay $0x3  }
0x176: {  	[tilespmem:v9+s1+$0x0] =	vst.idx.msk $0xffff, v11  }
0x177: {  	v11 =	vadd.s32 v2, v10;
	v9 =	vld.idx.msk [tilespmem:v12+s22+$0x0], $0xffff  }
0x178: {  	v11 =	vor.u32 v8, v11;
	_ =	sdelay $0x3  }
0x179: {  	[tilespmem:v12+s1+$0x0] =	vst.idx.msk $0xffff, v9  }
0x17a: {  	v62 =	vadd.s32 v3, v10;
	v9 =	vld.idx.msk [tilespmem:v11+s22+$0x0], $0xffff  }
0x17b: {  	v12 =	vor.u32 v8, v62;
	_ =	sdelay $0x3  }
0x17c: {  	[tilespmem:v11+s1+$0x0] =	vst.idx.msk $0xffff, v9  }
0x17d: {  	v11 =	vadd.s32 v4, v10;
	v9 =	vld.idx.msk [tilespmem:v12+s22+$0x0], $0xffff  }
0x17e: {  	v11 =	vor.u32 v8, v11;
	_ =	sdelay $0x3  }
0x17f: {  	[tilespmem:v12+s1+$0x0] =	vst.idx.msk $0xffff, v9  }
0x180: {  	v63 =	vadd.s32 v5, v10;
	v9 =	vld.idx.msk [tilespmem:v11+s22+$0x0], $0xffff  }
0x181: {  	v12 =	vor.u32 v8, v63;
	_ =	sdelay $0x3  }
0x182: {  	[tilespmem:v11+s1+$0x0] =	vst.idx.msk $0xffff, v9  }
0x183: {  	v9 =	vadd.s32 v6, v10;
	v11 =	vld.idx.msk [tilespmem:v12+s22+$0x0], $0xffff  }
0x184: {  	v9 =	vor.u32 v8, v9;
	_ =	sdelay $0x3  }
0x185: {  	[tilespmem:v12+s1+$0x0] =	vst.idx.msk $0xffff, v11  }
0x186: {  	v11 =	vadd.s32 v7, v10;
	v10 =	vld.idx.msk [tilespmem:v9+s22+$0x0], $0xffff  }
0x187: {  	v8 =	vor.u32 v8, v11;
	_ =	sdelay $0x1  }
0x188: {  	s5 =	simm.s32 $0x1  }
0x189: {  	s4 =	simm.s32 $0x2;
	v11 =	vmov s5  }
.LBB2_8:
0x18a: {  	p0 =	sne.s32 s4, $0x1F;
	v12 =	vshll.u32 v11, $0x9;
	[tilespmem:v9+s1+$0x0] =	vst.idx.msk $0xffff, v10  }
0x18b: {  	v9 =	vshll.u32 v11, $0x7;
	v12 =	vand.u32 $0x3000, v12;
	v10 =	vld.idx.msk [tilespmem:v8+s22+$0x0], $0xffff  }
0x18c: {  	v11 =	vand.u32 $0x380, v9;
	v9 =	vadd.s32 v0, v12  }
0x18d: {  	v9 =	vor.u32 v11, v9;
	_ =	sdelay $0x3  }
0x18e: {  	[tilespmem:v8+s1+$0x0] =	vst.idx.msk $0xffff, v10  }
0x18f: {  	v8 =	vld.idx.msk [tilespmem:v9+s22+$0x0], $0xffff  }
0x190: {  	v10 =	vadd.s32 v1, v12  }
0x191: {  	v10 =	vor.u32 v11, v10;
	_ =	sdelay $0x3  }
0x192: {  	[tilespmem:v9+s1+$0x0] =	vst.idx.msk $0xffff, v8  }
0x193: {  	v8 =	vld.idx.msk [tilespmem:v10+s22+$0x0], $0xffff  }
0x194: {  	v9 =	vadd.s32 v2, v12  }
0x195: {  	v9 =	vor.u32 v11, v9;
	_ =	sdelay $0x3  }
0x196: {  	[tilespmem:v10+s1+$0x0] =	vst.idx.msk $0xffff, v8  }
0x197: {  	v8 =	vld.idx.msk [tilespmem:v9+s22+$0x0], $0xffff  }
0x198: {  	v10 =	vadd.s32 v3, v12  }
0x199: {  	v10 =	vor.u32 v11, v10;
	_ =	sdelay $0x3  }
0x19a: {  	[tilespmem:v9+s1+$0x0] =	vst.idx.msk $0xffff, v8  }
0x19b: {  	v8 =	vld.idx.msk [tilespmem:v10+s22+$0x0], $0xffff  }
0x19c: {  	v9 =	vadd.s32 v4, v12  }
0x19d: {  	v9 =	vor.u32 v11, v9;
	_ =	sdelay $0x3  }
0x19e: {  	[tilespmem:v10+s1+$0x0] =	vst.idx.msk $0xffff, v8  }
0x19f: {  	v8 =	vld.idx.msk [tilespmem:v9+s22+$0x0], $0xffff  }
0x1a0: {  	v10 =	vadd.s32 v5, v12  }
0x1a1: {  	v10 =	vor.u32 v11, v10;
	_ =	sdelay $0x3  }
0x1a2: {  	[tilespmem:v9+s1+$0x0] =	vst.idx.msk $0xffff, v8  }
0x1a3: {  	v8 =	vld.idx.msk [tilespmem:v10+s22+$0x0], $0xffff  }
0x1a4: {  	v9 =	vadd.s32 v6, v12  }
0x1a5: {  	v9 =	vor.u32 v11, v9;
	_ =	sdelay $0x3  }
0x1a6: {  	[tilespmem:v10+s1+$0x0] =	vst.idx.msk $0xffff, v8  }
0x1a7: {  	v10 =	vld.idx.msk [tilespmem:v9+s22+$0x0], $0xffff  }
.Ltmp3:
0x1a8: {  	v8 =	vadd.s32 v7, v12;
	(pc) =	sbr.rel @p0 .LBB2_8-.Ltmp3, $2  }
0x1a9: {  	v8 =	vor.u32 v11, v8;
	_ =	sdelay $0x2  }
0x1aa: {  	v11 =	vmov s4;
	s4 =	sadd.s32 $0x1, s4  }
0x1ab: {  	_ =	sdelay $0x2  }
0x1ac: {  	v12 =	vshll.u32 v11, $0x9  }
0x1ad: {  	[tilespmem:v9+s1+$0x0] =	vst.idx.msk $0xffff, v10;
	v10 =	vshll.u32 v11, $0x7;
	v9 =	vand.u32 $0x3000, v12  }
0x1ae: {  	v11 =	vld.idx.msk [tilespmem:v8+s22+$0x0], $0xffff;
	v10 =	vand.u32 $0x380, v10;
	v12 =	vadd.s32 v0, v9  }
0x1af: {  	v12 =	vor.u32 v10, v12;
	_ =	sdelay $0x3  }
0x1b0: {  	[tilespmem:v8+s1+$0x0] =	vst.idx.msk $0xffff, v11  }
0x1b1: {  	v11 =	vadd.s32 v1, v9;
	v8 =	vld.idx.msk [tilespmem:v12+s22+$0x0], $0xffff  }
0x1b2: {  	v11 =	vor.u32 v10, v11;
	_ =	sdelay $0x3  }
0x1b3: {  	[tilespmem:v12+s1+$0x0] =	vst.idx.msk $0xffff, v8  }
0x1b4: {  	v58 =	vadd.s32 v2, v9;
	v8 =	vld.idx.msk [tilespmem:v11+s22+$0x0], $0xffff  }
0x1b5: {  	v12 =	vor.u32 v10, v58;
	_ =	sdelay $0x3  }
0x1b6: {  	[tilespmem:v11+s1+$0x0] =	vst.idx.msk $0xffff, v8  }
0x1b7: {  	v11 =	vadd.s32 v3, v9;
	v8 =	vld.idx.msk [tilespmem:v12+s22+$0x0], $0xffff  }
0x1b8: {  	v11 =	vor.u32 v10, v11;
	_ =	sdelay $0x3  }
0x1b9: {  	[tilespmem:v12+s1+$0x0] =	vst.idx.msk $0xffff, v8  }
0x1ba: {  	v59 =	vadd.s32 v4, v9;
	v8 =	vld.idx.msk [tilespmem:v11+s22+$0x0], $0xffff  }
0x1bb: {  	v12 =	vor.u32 v10, v59;
	_ =	sdelay $0x3  }
0x1bc: {  	[tilespmem:v11+s1+$0x0] =	vst.idx.msk $0xffff, v8  }
0x1bd: {  	v11 =	vadd.s32 v5, v9;
	v8 =	vld.idx.msk [tilespmem:v12+s22+$0x0], $0xffff  }
0x1be: {  	v11 =	vor.u32 v10, v11;
	_ =	sdelay $0x3  }
0x1bf: {  	[tilespmem:v12+s1+$0x0] =	vst.idx.msk $0xffff, v8  }
0x1c0: {  	v60 =	vadd.s32 v6, v9;
	v8 =	vld.idx.msk [tilespmem:v11+s22+$0x0], $0xffff  }
0x1c1: {  	v12 =	vor.u32 v10, v60;
	_ =	sdelay $0x3  }
0x1c2: {  	[tilespmem:v11+s1+$0x0] =	vst.idx.msk $0xffff, v8  }
0x1c3: {  	v9 =	vadd.s32 v7, v9;
	v8 =	vld.idx.msk [tilespmem:v12+s22+$0x0], $0xffff  }
0x1c4: {  	v9 =	vor.u32 v10, v9;
	_ =	sdelay $0x3  }
0x1c5: {  	[tilespmem:v12+s1+$0x0] =	vst.idx.msk $0xffff, v8  }
0x1c6: {  	v8 =	vld.idx.msk [tilespmem:v9+s22+$0x0], $0xffff;
	_ =	sdelay $0x4  }
0x1c7: {  	s4 =	simm.s32 $0x0;
	s5 =	rddreg [dreg:$0xf];
	[tilespmem:v9+s1+$0x0] =	vst.idx.msk $0xffff, v8  }
0x1c8: {  	[hbm4b:s5+s4] =	stream.linear.scatter [tilespmem:s4], [sflag:$0x4], $0x4000, $0x38;
	[tilespmem:$0x18080] =	vst v63  }
0x1c9: {  	_ =	swait.ge [sflag:s2], $0x4000  }
0x1ca: {  	[sflag:s2] =	ssyncset.done $0x0  }
0x1cb: {  	s5 =	rddreg [dreg:$0x10];
	[sflag:s2] =	ssyncadd.s32 $0xFFFFC000  }
0x1cc: {  	v8 =	vmov s4;
	[tilespmem:s26], [sflag:$0x3] =	stream.linear.gather [hbm4b:s5+s4], $0x4000, $0x38;
	[tilespmem:$0x18080] =	vst v63  }
0x1cd: {  	v9 =	vshll.u32 v8, $0x9;
	s5 =	rddreg [dreg:$0x11]  }
0x1ce: {  	v8 =	vshll.u32 v8, $0x7;
	v10 =	vand.u32 $0x3000, v9;
	[tilespmem:s28], [sflag:$0x3] =	stream.linear.gather [hbm4b:s5+s4], $0x4000, $0x38;
	[tilespmem:$0x18080] =	vst v63  }
0x1cf: {  	v8 =	vand.u32 $0x380, v8;
	v9 =	vadd.s32 v0, v10;
	_ =	swait.ge [sflag:s29], $0x4000  }
0x1d0: {  	v9 =	vor.u32 v8, v9;
	[sflag:s29] =	ssyncset.done $0x0  }
0x1d1: {  	[sflag:s29] =	ssyncadd.s32 $0xFFFFC000  }
0x1d2: {  	_ =	swait.ge [sflag:s29], $0x4000  }
0x1d3: {  	[sflag:s29] =	ssyncset.done $0x0  }
0x1d4: {  	[sflag:s29] =	ssyncadd.s32 $0xFFFFC000  }
0x1d5: {  	v61 =	vadd.s32 v1, v10;
	v11 =	vld.idx.msk [tilespmem:v9+s24+$0x0], $0xffff  }
0x1d6: {  	v12 =	vor.u32 v8, v61;
	_ =	sdelay $0x3  }
0x1d7: {  	[tilespmem:v9+s23+$0x0] =	vst.idx.msk $0xffff, v11  }
0x1d8: {  	v11 =	vadd.s32 v2, v10;
	v9 =	vld.idx.msk [tilespmem:v12+s24+$0x0], $0xffff  }
0x1d9: {  	v11 =	vor.u32 v8, v11;
	_ =	sdelay $0x3  }
0x1da: {  	[tilespmem:v12+s23+$0x0] =	vst.idx.msk $0xffff, v9  }
0x1db: {  	v62 =	vadd.s32 v3, v10;
	v9 =	vld.idx.msk [tilespmem:v11+s24+$0x0], $0xffff  }
0x1dc: {  	v12 =	vor.u32 v8, v62;
	_ =	sdelay $0x3  }
0x1dd: {  	[tilespmem:v11+s23+$0x0] =	vst.idx.msk $0xffff, v9  }
0x1de: {  	v11 =	vadd.s32 v4, v10;
	v9 =	vld.idx.msk [tilespmem:v12+s24+$0x0], $0xffff  }
0x1df: {  	v11 =	vor.u32 v8, v11;
	_ =	sdelay $0x3  }
0x1e0: {  	[tilespmem:v12+s23+$0x0] =	vst.idx.msk $0xffff, v9  }
0x1e1: {  	v63 =	vadd.s32 v5, v10;
	v9 =	vld.idx.msk [tilespmem:v11+s24+$0x0], $0xffff  }
0x1e2: {  	v12 =	vor.u32 v8, v63;
	_ =	sdelay $0x3  }
0x1e3: {  	[tilespmem:v11+s23+$0x0] =	vst.idx.msk $0xffff, v9  }
0x1e4: {  	v9 =	vadd.s32 v6, v10;
	v11 =	vld.idx.msk [tilespmem:v12+s24+$0x0], $0xffff  }
0x1e5: {  	v9 =	vor.u32 v8, v9;
	_ =	sdelay $0x3  }
0x1e6: {  	[tilespmem:v12+s23+$0x0] =	vst.idx.msk $0xffff, v11  }
0x1e7: {  	v11 =	vadd.s32 v7, v10;
	v10 =	vld.idx.msk [tilespmem:v9+s24+$0x0], $0xffff  }
0x1e8: {  	v8 =	vor.u32 v8, v11;
	_ =	sdelay $0x1  }
0x1e9: {  	s5 =	simm.s32 $0x1  }
0x1ea: {  	s4 =	simm.s32 $0x2;
	v11 =	vmov s5  }
.LBB2_10:
0x1eb: {  	p0 =	sne.s32 s4, $0x1F;
	v12 =	vshll.u32 v11, $0x9;
	[tilespmem:v9+s23+$0x0] =	vst.idx.msk $0xffff, v10  }
0x1ec: {  	v9 =	vshll.u32 v11, $0x7;
	v12 =	vand.u32 $0x3000, v12;
	v10 =	vld.idx.msk [tilespmem:v8+s24+$0x0], $0xffff  }
0x1ed: {  	v11 =	vand.u32 $0x380, v9;
	v9 =	vadd.s32 v0, v12  }
0x1ee: {  	v9 =	vor.u32 v11, v9;
	_ =	sdelay $0x3  }
0x1ef: {  	[tilespmem:v8+s23+$0x0] =	vst.idx.msk $0xffff, v10  }
0x1f0: {  	v8 =	vld.idx.msk [tilespmem:v9+s24+$0x0], $0xffff  }
0x1f1: {  	v10 =	vadd.s32 v1, v12  }
0x1f2: {  	v10 =	vor.u32 v11, v10;
	_ =	sdelay $0x3  }
0x1f3: {  	[tilespmem:v9+s23+$0x0] =	vst.idx.msk $0xffff, v8  }
0x1f4: {  	v8 =	vld.idx.msk [tilespmem:v10+s24+$0x0], $0xffff  }
0x1f5: {  	v9 =	vadd.s32 v2, v12  }
0x1f6: {  	v9 =	vor.u32 v11, v9;
	_ =	sdelay $0x3  }
0x1f7: {  	[tilespmem:v10+s23+$0x0] =	vst.idx.msk $0xffff, v8  }
0x1f8: {  	v8 =	vld.idx.msk [tilespmem:v9+s24+$0x0], $0xffff  }
0x1f9: {  	v10 =	vadd.s32 v3, v12  }
0x1fa: {  	v10 =	vor.u32 v11, v10;
	_ =	sdelay $0x3  }
0x1fb: {  	[tilespmem:v9+s23+$0x0] =	vst.idx.msk $0xffff, v8  }
0x1fc: {  	v8 =	vld.idx.msk [tilespmem:v10+s24+$0x0], $0xffff  }
0x1fd: {  	v9 =	vadd.s32 v4, v12  }
0x1fe: {  	v9 =	vor.u32 v11, v9;
	_ =	sdelay $0x3  }
0x1ff: {  	[tilespmem:v10+s23+$0x0] =	vst.idx.msk $0xffff, v8  }
0x200: {  	v8 =	vld.idx.msk [tilespmem:v9+s24+$0x0], $0xffff  }
0x201: {  	v10 =	vadd.s32 v5, v12  }
0x202: {  	v10 =	vor.u32 v11, v10;
	_ =	sdelay $0x3  }
0x203: {  	[tilespmem:v9+s23+$0x0] =	vst.idx.msk $0xffff, v8  }
0x204: {  	v8 =	vld.idx.msk [tilespmem:v10+s24+$0x0], $0xffff  }
0x205: {  	v9 =	vadd.s32 v6, v12  }
0x206: {  	v9 =	vor.u32 v11, v9;
	_ =	sdelay $0x3  }
0x207: {  	[tilespmem:v10+s23+$0x0] =	vst.idx.msk $0xffff, v8  }
0x208: {  	v10 =	vld.idx.msk [tilespmem:v9+s24+$0x0], $0xffff  }
.Ltmp4:
0x209: {  	v8 =	vadd.s32 v7, v12;
	(pc) =	sbr.rel @p0 .LBB2_10-.Ltmp4, $2  }
0x20a: {  	v8 =	vor.u32 v11, v8;
	_ =	sdelay $0x2  }
0x20b: {  	v11 =	vmov s4;
	s4 =	sadd.s32 $0x1, s4  }
0x20c: {  	_ =	sdelay $0x2  }
0x20d: {  	v12 =	vshll.u32 v11, $0x9  }
0x20e: {  	[tilespmem:v9+s23+$0x0] =	vst.idx.msk $0xffff, v10;
	v10 =	vshll.u32 v11, $0x7;
	v9 =	vand.u32 $0x3000, v12  }
0x20f: {  	v11 =	vld.idx.msk [tilespmem:v8+s24+$0x0], $0xffff;
	v10 =	vand.u32 $0x380, v10;
	v12 =	vadd.s32 v0, v9  }
0x210: {  	v12 =	vor.u32 v10, v12;
	_ =	sdelay $0x3  }
0x211: {  	[tilespmem:v8+s23+$0x0] =	vst.idx.msk $0xffff, v11  }
0x212: {  	v11 =	vadd.s32 v1, v9;
	v8 =	vld.idx.msk [tilespmem:v12+s24+$0x0], $0xffff  }
0x213: {  	v11 =	vor.u32 v10, v11;
	_ =	sdelay $0x3  }
0x214: {  	[tilespmem:v12+s23+$0x0] =	vst.idx.msk $0xffff, v8  }
0x215: {  	v58 =	vadd.s32 v2, v9;
	v8 =	vld.idx.msk [tilespmem:v11+s24+$0x0], $0xffff  }
0x216: {  	v12 =	vor.u32 v10, v58;
	_ =	sdelay $0x3  }
0x217: {  	[tilespmem:v11+s23+$0x0] =	vst.idx.msk $0xffff, v8  }
0x218: {  	v11 =	vadd.s32 v3, v9;
	v8 =	vld.idx.msk [tilespmem:v12+s24+$0x0], $0xffff  }
0x219: {  	v11 =	vor.u32 v10, v11;
	_ =	sdelay $0x3  }
0x21a: {  	[tilespmem:v12+s23+$0x0] =	vst.idx.msk $0xffff, v8  }
0x21b: {  	v59 =	vadd.s32 v4, v9;
	v8 =	vld.idx.msk [tilespmem:v11+s24+$0x0], $0xffff  }
0x21c: {  	v12 =	vor.u32 v10, v59;
	_ =	sdelay $0x3  }
0x21d: {  	[tilespmem:v11+s23+$0x0] =	vst.idx.msk $0xffff, v8  }
0x21e: {  	v11 =	vadd.s32 v5, v9;
	v8 =	vld.idx.msk [tilespmem:v12+s24+$0x0], $0xffff  }
0x21f: {  	v11 =	vor.u32 v10, v11;
	_ =	sdelay $0x3  }
0x220: {  	[tilespmem:v12+s23+$0x0] =	vst.idx.msk $0xffff, v8  }
0x221: {  	v60 =	vadd.s32 v6, v9;
	v8 =	vld.idx.msk [tilespmem:v11+s24+$0x0], $0xffff  }
0x222: {  	v12 =	vor.u32 v10, v60;
	_ =	sdelay $0x3  }
0x223: {  	[tilespmem:v11+s23+$0x0] =	vst.idx.msk $0xffff, v8  }
0x224: {  	v9 =	vadd.s32 v7, v9;
	v8 =	vld.idx.msk [tilespmem:v12+s24+$0x0], $0xffff  }
0x225: {  	v9 =	vor.u32 v10, v9;
	_ =	sdelay $0x3  }
0x226: {  	[tilespmem:v12+s23+$0x0] =	vst.idx.msk $0xffff, v8  }
0x227: {  	v8 =	vld.idx.msk [tilespmem:v9+s24+$0x0], $0xffff;
	_ =	sdelay $0x4  }
0x228: {  	s4 =	simm.s32 $0x0;
	s5 =	rddreg [dreg:$0x12];
	[tilespmem:v9+s23+$0x0] =	vst.idx.msk $0xffff, v8  }
0x229: {  	[hbm4b:s5+s4] =	stream.linear.scatter [tilespmem:s23], [sflag:$0x5], $0x4000, $0x38;
	[tilespmem:$0x18080] =	vst v63  }
0x22a: {  	_ =	swait.ge [sflag:s30], $0x4000  }
0x22b: {  	[sflag:s30] =	ssyncset.done $0x0  }
0x22c: {  	s5 =	rddreg [dreg:$0x13];
	[sflag:s30] =	ssyncadd.s32 $0xFFFFC000  }
0x22d: {  	v8 =	vmov s4;
	[tilespmem:s4], [sflag:$0x1] =	stream.linear.gather [hbm4b:s5+s4], $0x4000, $0x38;
	[tilespmem:$0x18080] =	vst v63  }
0x22e: {  	v9 =	vshll.u32 v8, $0x9;
	s5 =	rddreg [dreg:$0x14]  }
0x22f: {  	v8 =	vshll.u32 v8, $0x7;
	v10 =	vand.u32 $0x3000, v9;
	[tilespmem:s22], [sflag:$0x1] =	stream.linear.gather [hbm4b:s5+s4], $0x4000, $0x38;
	[tilespmem:$0x18080] =	vst v63  }
0x230: {  	v8 =	vand.u32 $0x380, v8;
	v9 =	vadd.s32 v0, v10;
	_ =	swait.ge [sflag:s31], $0x4000  }
0x231: {  	v9 =	vor.u32 v8, v9;
	[sflag:s31] =	ssyncset.done $0x0  }
0x232: {  	[sflag:s31] =	ssyncadd.s32 $0xFFFFC000  }
0x233: {  	_ =	swait.ge [sflag:s31], $0x4000  }
0x234: {  	[sflag:s31] =	ssyncset.done $0x0  }
0x235: {  	[sflag:s31] =	ssyncadd.s32 $0xFFFFC000  }
0x236: {  	v61 =	vadd.s32 v1, v10;
	v11 =	vld.idx.msk [tilespmem:v9+s28+$0x0], $0xffff  }
0x237: {  	v12 =	vor.u32 v8, v61;
	_ =	sdelay $0x3  }
0x238: {  	[tilespmem:v9+s26+$0x0] =	vst.idx.msk $0xffff, v11  }
0x239: {  	v11 =	vadd.s32 v2, v10;
	v9 =	vld.idx.msk [tilespmem:v12+s28+$0x0], $0xffff  }
0x23a: {  	v11 =	vor.u32 v8, v11;
	_ =	sdelay $0x3  }
0x23b: {  	[tilespmem:v12+s26+$0x0] =	vst.idx.msk $0xffff, v9  }
0x23c: {  	v62 =	vadd.s32 v3, v10;
	v9 =	vld.idx.msk [tilespmem:v11+s28+$0x0], $0xffff  }
0x23d: {  	v12 =	vor.u32 v8, v62;
	_ =	sdelay $0x3  }
0x23e: {  	[tilespmem:v11+s26+$0x0] =	vst.idx.msk $0xffff, v9  }
0x23f: {  	v11 =	vadd.s32 v4, v10;
	v9 =	vld.idx.msk [tilespmem:v12+s28+$0x0], $0xffff  }
0x240: {  	v11 =	vor.u32 v8, v11;
	_ =	sdelay $0x3  }
0x241: {  	[tilespmem:v12+s26+$0x0] =	vst.idx.msk $0xffff, v9  }
0x242: {  	v63 =	vadd.s32 v5, v10;
	v9 =	vld.idx.msk [tilespmem:v11+s28+$0x0], $0xffff  }
0x243: {  	v12 =	vor.u32 v8, v63;
	_ =	sdelay $0x3  }
0x244: {  	[tilespmem:v11+s26+$0x0] =	vst.idx.msk $0xffff, v9  }
0x245: {  	v9 =	vadd.s32 v6, v10;
	v11 =	vld.idx.msk [tilespmem:v12+s28+$0x0], $0xffff  }
0x246: {  	v9 =	vor.u32 v8, v9;
	_ =	sdelay $0x3  }
0x247: {  	[tilespmem:v12+s26+$0x0] =	vst.idx.msk $0xffff, v11  }
0x248: {  	v11 =	vadd.s32 v7, v10;
	v10 =	vld.idx.msk [tilespmem:v9+s28+$0x0], $0xffff  }
0x249: {  	v8 =	vor.u32 v8, v11;
	_ =	sdelay $0x1  }
0x24a: {  	s5 =	simm.s32 $0x1  }
0x24b: {  	s4 =	simm.s32 $0x2;
	v11 =	vmov s5  }
.LBB2_12:
0x24c: {  	p0 =	sne.s32 s4, $0x1F;
	v12 =	vshll.u32 v11, $0x9;
	[tilespmem:v9+s26+$0x0] =	vst.idx.msk $0xffff, v10  }
0x24d: {  	v9 =	vshll.u32 v11, $0x7;
	v12 =	vand.u32 $0x3000, v12;
	v10 =	vld.idx.msk [tilespmem:v8+s28+$0x0], $0xffff  }
0x24e: {  	v11 =	vand.u32 $0x380, v9;
	v9 =	vadd.s32 v0, v12  }
0x24f: {  	v9 =	vor.u32 v11, v9;
	_ =	sdelay $0x3  }
0x250: {  	[tilespmem:v8+s26+$0x0] =	vst.idx.msk $0xffff, v10  }
0x251: {  	v8 =	vld.idx.msk [tilespmem:v9+s28+$0x0], $0xffff  }
0x252: {  	v10 =	vadd.s32 v1, v12  }
0x253: {  	v10 =	vor.u32 v11, v10;
	_ =	sdelay $0x3  }
0x254: {  	[tilespmem:v9+s26+$0x0] =	vst.idx.msk $0xffff, v8  }
0x255: {  	v8 =	vld.idx.msk [tilespmem:v10+s28+$0x0], $0xffff  }
0x256: {  	v9 =	vadd.s32 v2, v12  }
0x257: {  	v9 =	vor.u32 v11, v9;
	_ =	sdelay $0x3  }
0x258: {  	[tilespmem:v10+s26+$0x0] =	vst.idx.msk $0xffff, v8  }
0x259: {  	v8 =	vld.idx.msk [tilespmem:v9+s28+$0x0], $0xffff  }
0x25a: {  	v10 =	vadd.s32 v3, v12  }
0x25b: {  	v10 =	vor.u32 v11, v10;
	_ =	sdelay $0x3  }
0x25c: {  	[tilespmem:v9+s26+$0x0] =	vst.idx.msk $0xffff, v8  }
0x25d: {  	v8 =	vld.idx.msk [tilespmem:v10+s28+$0x0], $0xffff  }
0x25e: {  	v9 =	vadd.s32 v4, v12  }
0x25f: {  	v9 =	vor.u32 v11, v9;
	_ =	sdelay $0x3  }
0x260: {  	[tilespmem:v10+s26+$0x0] =	vst.idx.msk $0xffff, v8  }
0x261: {  	v8 =	vld.idx.msk [tilespmem:v9+s28+$0x0], $0xffff  }
0x262: {  	v10 =	vadd.s32 v5, v12  }
0x263: {  	v10 =	vor.u32 v11, v10;
	_ =	sdelay $0x3  }
0x264: {  	[tilespmem:v9+s26+$0x0] =	vst.idx.msk $0xffff, v8  }
0x265: {  	v8 =	vld.idx.msk [tilespmem:v10+s28+$0x0], $0xffff  }
0x266: {  	v9 =	vadd.s32 v6, v12  }
0x267: {  	v9 =	vor.u32 v11, v9;
	_ =	sdelay $0x3  }
0x268: {  	[tilespmem:v10+s26+$0x0] =	vst.idx.msk $0xffff, v8  }
0x269: {  	v10 =	vld.idx.msk [tilespmem:v9+s28+$0x0], $0xffff  }
.Ltmp5:
0x26a: {  	v8 =	vadd.s32 v7, v12;
	(pc) =	sbr.rel @p0 .LBB2_12-.Ltmp5, $2  }
0x26b: {  	v8 =	vor.u32 v11, v8;
	_ =	sdelay $0x2  }
0x26c: {  	v11 =	vmov s4;
	s4 =	sadd.s32 $0x1, s4  }
0x26d: {  	_ =	sdelay $0x2  }
0x26e: {  	v12 =	vshll.u32 v11, $0x9  }
0x26f: {  	[tilespmem:v9+s26+$0x0] =	vst.idx.msk $0xffff, v10;
	v10 =	vshll.u32 v11, $0x7;
	v9 =	vand.u32 $0x3000, v12  }
0x270: {  	v11 =	vld.idx.msk [tilespmem:v8+s28+$0x0], $0xffff;
	v10 =	vand.u32 $0x380, v10;
	v12 =	vadd.s32 v0, v9  }
0x271: {  	v12 =	vor.u32 v10, v12;
	_ =	sdelay $0x3  }
0x272: {  	[tilespmem:v8+s26+$0x0] =	vst.idx.msk $0xffff, v11  }
0x273: {  	v11 =	vadd.s32 v1, v9;
	v8 =	vld.idx.msk [tilespmem:v12+s28+$0x0], $0xffff  }
0x274: {  	v11 =	vor.u32 v10, v11;
	_ =	sdelay $0x3  }
0x275: {  	[tilespmem:v12+s26+$0x0] =	vst.idx.msk $0xffff, v8  }
0x276: {  	v58 =	vadd.s32 v2, v9;
	v8 =	vld.idx.msk [tilespmem:v11+s28+$0x0], $0xffff  }
0x277: {  	v12 =	vor.u32 v10, v58;
	_ =	sdelay $0x3  }
0x278: {  	[tilespmem:v11+s26+$0x0] =	vst.idx.msk $0xffff, v8  }
0x279: {  	v11 =	vadd.s32 v3, v9;
	v8 =	vld.idx.msk [tilespmem:v12+s28+$0x0], $0xffff  }
0x27a: {  	v11 =	vor.u32 v10, v11;
	_ =	sdelay $0x3  }
0x27b: {  	[tilespmem:v12+s26+$0x0] =	vst.idx.msk $0xffff, v8  }
0x27c: {  	v59 =	vadd.s32 v4, v9;
	v8 =	vld.idx.msk [tilespmem:v11+s28+$0x0], $0xffff  }
0x27d: {  	v12 =	vor.u32 v10, v59;
	_ =	sdelay $0x3  }
0x27e: {  	[tilespmem:v11+s26+$0x0] =	vst.idx.msk $0xffff, v8  }
0x27f: {  	v11 =	vadd.s32 v5, v9;
	v8 =	vld.idx.msk [tilespmem:v12+s28+$0x0], $0xffff  }
0x280: {  	v11 =	vor.u32 v10, v11;
	_ =	sdelay $0x3  }
0x281: {  	[tilespmem:v12+s26+$0x0] =	vst.idx.msk $0xffff, v8  }
0x282: {  	v60 =	vadd.s32 v6, v9;
	v8 =	vld.idx.msk [tilespmem:v11+s28+$0x0], $0xffff  }
0x283: {  	v12 =	vor.u32 v10, v60;
	_ =	sdelay $0x3  }
0x284: {  	[tilespmem:v11+s26+$0x0] =	vst.idx.msk $0xffff, v8  }
0x285: {  	v9 =	vadd.s32 v7, v9;
	v8 =	vld.idx.msk [tilespmem:v12+s28+$0x0], $0xffff  }
0x286: {  	v9 =	vor.u32 v10, v9;
	_ =	sdelay $0x3  }
0x287: {  	[tilespmem:v12+s26+$0x0] =	vst.idx.msk $0xffff, v8  }
0x288: {  	v8 =	vld.idx.msk [tilespmem:v9+s28+$0x0], $0xffff;
	_ =	sdelay $0x4  }
0x289: {  	s4 =	simm.s32 $0x0;
	s5 =	rddreg [dreg:$0x15];
	[tilespmem:v9+s26+$0x0] =	vst.idx.msk $0xffff, v8  }
0x28a: {  	[hbm4b:s5+s4] =	stream.linear.scatter [tilespmem:s26], [sflag:$0x6], $0x4000, $0x38;
	[tilespmem:$0x18080] =	vst v63  }
0x28b: {  	_ =	swait.ge [sflag:s0], $0x4000  }
0x28c: {  	[sflag:s0] =	ssyncset.done $0x0  }
0x28d: {  	s5 =	rddreg [dreg:$0x17];
	[sflag:s0] =	ssyncadd.s32 $0xFFFFC000  }
0x28e: {  	v8 =	vmov s4;
	[tilespmem:s23], [sflag:$0x2] =	stream.linear.gather [hbm4b:s5+s4], $0x4000, $0x38;
	[tilespmem:$0x18080] =	vst v63  }
0x28f: {  	v9 =	vshll.u32 v8, $0x9;
	s5 =	rddreg [dreg:$0x18]  }
0x290: {  	v8 =	vshll.u32 v8, $0x7;
	v10 =	vand.u32 $0x3000, v9;
	[tilespmem:s24], [sflag:$0x2] =	stream.linear.gather [hbm4b:s5+s4], $0x4000, $0x38;
	[tilespmem:$0x18080] =	vst v63  }
0x291: {  	v8 =	vand.u32 $0x380, v8;
	v9 =	vadd.s32 v0, v10;
	_ =	swait.ge [sflag:s25], $0x4000  }
0x292: {  	v9 =	vor.u32 v8, v9;
	[sflag:s25] =	ssyncset.done $0x0  }
0x293: {  	[sflag:s25] =	ssyncadd.s32 $0xFFFFC000  }
0x294: {  	_ =	swait.ge [sflag:s25], $0x4000  }
0x295: {  	[sflag:s25] =	ssyncset.done $0x0  }
0x296: {  	[sflag:s25] =	ssyncadd.s32 $0xFFFFC000  }
0x297: {  	v61 =	vadd.s32 v1, v10;
	v11 =	vld.idx.msk [tilespmem:v9+s22+$0x0], $0xffff  }
0x298: {  	v12 =	vor.u32 v8, v61;
	_ =	sdelay $0x3  }
0x299: {  	[tilespmem:v9+s1+$0x0] =	vst.idx.msk $0xffff, v11  }
0x29a: {  	v11 =	vadd.s32 v2, v10;
	v9 =	vld.idx.msk [tilespmem:v12+s22+$0x0], $0xffff  }
0x29b: {  	v11 =	vor.u32 v8, v11;
	_ =	sdelay $0x3  }
0x29c: {  	[tilespmem:v12+s1+$0x0] =	vst.idx.msk $0xffff, v9  }
0x29d: {  	v62 =	vadd.s32 v3, v10;
	v9 =	vld.idx.msk [tilespmem:v11+s22+$0x0], $0xffff  }
0x29e: {  	v12 =	vor.u32 v8, v62;
	_ =	sdelay $0x3  }
0x29f: {  	[tilespmem:v11+s1+$0x0] =	vst.idx.msk $0xffff, v9  }
0x2a0: {  	v11 =	vadd.s32 v4, v10;
	v9 =	vld.idx.msk [tilespmem:v12+s22+$0x0], $0xffff  }
0x2a1: {  	v11 =	vor.u32 v8, v11;
	_ =	sdelay $0x3  }
0x2a2: {  	[tilespmem:v12+s1+$0x0] =	vst.idx.msk $0xffff, v9  }
0x2a3: {  	v63 =	vadd.s32 v5, v10;
	v9 =	vld.idx.msk [tilespmem:v11+s22+$0x0], $0xffff  }
0x2a4: {  	v12 =	vor.u32 v8, v63;
	_ =	sdelay $0x3  }
0x2a5: {  	[tilespmem:v11+s1+$0x0] =	vst.idx.msk $0xffff, v9  }
0x2a6: {  	v9 =	vadd.s32 v6, v10;
	v11 =	vld.idx.msk [tilespmem:v12+s22+$0x0], $0xffff  }
0x2a7: {  	v9 =	vor.u32 v8, v9;
	_ =	sdelay $0x3  }
0x2a8: {  	[tilespmem:v12+s1+$0x0] =	vst.idx.msk $0xffff, v11  }
0x2a9: {  	v11 =	vadd.s32 v7, v10;
	v10 =	vld.idx.msk [tilespmem:v9+s22+$0x0], $0xffff  }
0x2aa: {  	v8 =	vor.u32 v8, v11;
	_ =	sdelay $0x1  }
0x2ab: {  	s5 =	simm.s32 $0x1  }
0x2ac: {  	s4 =	simm.s32 $0x2;
	v11 =	vmov s5  }
.LBB2_14:
0x2ad: {  	p0 =	sne.s32 s4, $0x1F;
	v12 =	vshll.u32 v11, $0x9;
	[tilespmem:v9+s1+$0x0] =	vst.idx.msk $0xffff, v10  }
0x2ae: {  	v9 =	vshll.u32 v11, $0x7;
	v12 =	vand.u32 $0x3000, v12;
	v10 =	vld.idx.msk [tilespmem:v8+s22+$0x0], $0xffff  }
0x2af: {  	v11 =	vand.u32 $0x380, v9;
	v9 =	vadd.s32 v0, v12  }
0x2b0: {  	v9 =	vor.u32 v11, v9;
	_ =	sdelay $0x3  }
0x2b1: {  	[tilespmem:v8+s1+$0x0] =	vst.idx.msk $0xffff, v10  }
0x2b2: {  	v8 =	vld.idx.msk [tilespmem:v9+s22+$0x0], $0xffff  }
0x2b3: {  	v10 =	vadd.s32 v1, v12  }
0x2b4: {  	v10 =	vor.u32 v11, v10;
	_ =	sdelay $0x3  }
0x2b5: {  	[tilespmem:v9+s1+$0x0] =	vst.idx.msk $0xffff, v8  }
0x2b6: {  	v8 =	vld.idx.msk [tilespmem:v10+s22+$0x0], $0xffff  }
0x2b7: {  	v9 =	vadd.s32 v2, v12  }
0x2b8: {  	v9 =	vor.u32 v11, v9;
	_ =	sdelay $0x3  }
0x2b9: {  	[tilespmem:v10+s1+$0x0] =	vst.idx.msk $0xffff, v8  }
0x2ba: {  	v8 =	vld.idx.msk [tilespmem:v9+s22+$0x0], $0xffff  }
0x2bb: {  	v10 =	vadd.s32 v3, v12  }
0x2bc: {  	v10 =	vor.u32 v11, v10;
	_ =	sdelay $0x3  }
0x2bd: {  	[tilespmem:v9+s1+$0x0] =	vst.idx.msk $0xffff, v8  }
0x2be: {  	v8 =	vld.idx.msk [tilespmem:v10+s22+$0x0], $0xffff  }
0x2bf: {  	v9 =	vadd.s32 v4, v12  }
0x2c0: {  	v9 =	vor.u32 v11, v9;
	_ =	sdelay $0x3  }
0x2c1: {  	[tilespmem:v10+s1+$0x0] =	vst.idx.msk $0xffff, v8  }
0x2c2: {  	v8 =	vld.idx.msk [tilespmem:v9+s22+$0x0], $0xffff  }
0x2c3: {  	v10 =	vadd.s32 v5, v12  }
0x2c4: {  	v10 =	vor.u32 v11, v10;
	_ =	sdelay $0x3  }
0x2c5: {  	[tilespmem:v9+s1+$0x0] =	vst.idx.msk $0xffff, v8  }
0x2c6: {  	v8 =	vld.idx.msk [tilespmem:v10+s22+$0x0], $0xffff  }
0x2c7: {  	v9 =	vadd.s32 v6, v12  }
0x2c8: {  	v9 =	vor.u32 v11, v9;
	_ =	sdelay $0x3  }
0x2c9: {  	[tilespmem:v10+s1+$0x0] =	vst.idx.msk $0xffff, v8  }
0x2ca: {  	v10 =	vld.idx.msk [tilespmem:v9+s22+$0x0], $0xffff  }
.Ltmp6:
0x2cb: {  	v8 =	vadd.s32 v7, v12;
	(pc) =	sbr.rel @p0 .LBB2_14-.Ltmp6, $2  }
0x2cc: {  	v8 =	vor.u32 v11, v8;
	_ =	sdelay $0x2  }
0x2cd: {  	v11 =	vmov s4;
	s4 =	sadd.s32 $0x1, s4  }
0x2ce: {  	_ =	sdelay $0x2  }
0x2cf: {  	v12 =	vshll.u32 v11, $0x9  }
0x2d0: {  	[tilespmem:v9+s1+$0x0] =	vst.idx.msk $0xffff, v10;
	v10 =	vshll.u32 v11, $0x7;
	v9 =	vand.u32 $0x3000, v12  }
0x2d1: {  	v11 =	vld.idx.msk [tilespmem:v8+s22+$0x0], $0xffff;
	v10 =	vand.u32 $0x380, v10;
	v12 =	vadd.s32 v0, v9  }
0x2d2: {  	v12 =	vor.u32 v10, v12;
	_ =	sdelay $0x3  }
0x2d3: {  	[tilespmem:v8+s1+$0x0] =	vst.idx.msk $0xffff, v11  }
0x2d4: {  	v11 =	vadd.s32 v1, v9;
	v8 =	vld.idx.msk [tilespmem:v12+s22+$0x0], $0xffff  }
0x2d5: {  	v11 =	vor.u32 v10, v11;
	_ =	sdelay $0x3  }
0x2d6: {  	[tilespmem:v12+s1+$0x0] =	vst.idx.msk $0xffff, v8  }
0x2d7: {  	v58 =	vadd.s32 v2, v9;
	v8 =	vld.idx.msk [tilespmem:v11+s22+$0x0], $0xffff  }
0x2d8: {  	v12 =	vor.u32 v10, v58;
	_ =	sdelay $0x3  }
0x2d9: {  	[tilespmem:v11+s1+$0x0] =	vst.idx.msk $0xffff, v8  }
0x2da: {  	v11 =	vadd.s32 v3, v9;
	v8 =	vld.idx.msk [tilespmem:v12+s22+$0x0], $0xffff  }
0x2db: {  	v11 =	vor.u32 v10, v11;
	_ =	sdelay $0x3  }
0x2dc: {  	[tilespmem:v12+s1+$0x0] =	vst.idx.msk $0xffff, v8  }
0x2dd: {  	v59 =	vadd.s32 v4, v9;
	v8 =	vld.idx.msk [tilespmem:v11+s22+$0x0], $0xffff  }
0x2de: {  	v12 =	vor.u32 v10, v59;
	_ =	sdelay $0x3  }
0x2df: {  	[tilespmem:v11+s1+$0x0] =	vst.idx.msk $0xffff, v8  }
0x2e0: {  	v11 =	vadd.s32 v5, v9;
	v8 =	vld.idx.msk [tilespmem:v12+s22+$0x0], $0xffff  }
0x2e1: {  	v11 =	vor.u32 v10, v11;
	_ =	sdelay $0x3  }
0x2e2: {  	[tilespmem:v12+s1+$0x0] =	vst.idx.msk $0xffff, v8  }
0x2e3: {  	v60 =	vadd.s32 v6, v9;
	v8 =	vld.idx.msk [tilespmem:v11+s22+$0x0], $0xffff  }
0x2e4: {  	v12 =	vor.u32 v10, v60;
	_ =	sdelay $0x3  }
0x2e5: {  	[tilespmem:v11+s1+$0x0] =	vst.idx.msk $0xffff, v8  }
0x2e6: {  	v9 =	vadd.s32 v7, v9;
	v8 =	vld.idx.msk [tilespmem:v12+s22+$0x0], $0xffff  }
0x2e7: {  	v9 =	vor.u32 v10, v9;
	_ =	sdelay $0x3  }
0x2e8: {  	[tilespmem:v12+s1+$0x0] =	vst.idx.msk $0xffff, v8  }
0x2e9: {  	v8 =	vld.idx.msk [tilespmem:v9+s22+$0x0], $0xffff;
	_ =	sdelay $0x4  }
0x2ea: {  	s4 =	simm.s32 $0x0;
	s5 =	rddreg [dreg:$0x16];
	[tilespmem:v9+s1+$0x0] =	vst.idx.msk $0xffff, v8  }
0x2eb: {  	[hbm4b:s5+s4] =	stream.linear.scatter [tilespmem:s4], [sflag:$0x4], $0x4000, $0x38;
	[tilespmem:$0x18080] =	vst v63  }
0x2ec: {  	_ =	swait.ge [sflag:s2], $0x4000  }
0x2ed: {  	[sflag:s2] =	ssyncset.done $0x0  }
0x2ee: {  	s5 =	rddreg [dreg:$0x1a];
	[sflag:s2] =	ssyncadd.s32 $0xFFFFC000  }
0x2ef: {  	v8 =	vmov s4;
	[tilespmem:s26], [sflag:$0x3] =	stream.linear.gather [hbm4b:s5+s4], $0x4000, $0x38;
	[tilespmem:$0x18080] =	vst v63  }
0x2f0: {  	v9 =	vshll.u32 v8, $0x9;
	s5 =	rddreg [dreg:$0x1b]  }
0x2f1: {  	v8 =	vshll.u32 v8, $0x7;
	v10 =	vand.u32 $0x3000, v9;
	[tilespmem:s28], [sflag:$0x3] =	stream.linear.gather [hbm4b:s5+s4], $0x4000, $0x38;
	[tilespmem:$0x18080] =	vst v63  }
0x2f2: {  	v8 =	vand.u32 $0x380, v8;
	v9 =	vadd.s32 v0, v10;
	_ =	swait.ge [sflag:s29], $0x4000  }
0x2f3: {  	v9 =	vor.u32 v8, v9;
	[sflag:s29] =	ssyncset.done $0x0  }
0x2f4: {  	[sflag:s29] =	ssyncadd.s32 $0xFFFFC000  }
0x2f5: {  	_ =	swait.ge [sflag:s29], $0x4000  }
0x2f6: {  	[sflag:s29] =	ssyncset.done $0x0  }
0x2f7: {  	[sflag:s29] =	ssyncadd.s32 $0xFFFFC000  }
0x2f8: {  	v61 =	vadd.s32 v1, v10;
	v11 =	vld.idx.msk [tilespmem:v9+s24+$0x0], $0xffff  }
0x2f9: {  	v12 =	vor.u32 v8, v61;
	_ =	sdelay $0x3  }
0x2fa: {  	[tilespmem:v9+s23+$0x0] =	vst.idx.msk $0xffff, v11  }
0x2fb: {  	v11 =	vadd.s32 v2, v10;
	v9 =	vld.idx.msk [tilespmem:v12+s24+$0x0], $0xffff  }
0x2fc: {  	v11 =	vor.u32 v8, v11;
	_ =	sdelay $0x3  }
0x2fd: {  	[tilespmem:v12+s23+$0x0] =	vst.idx.msk $0xffff, v9  }
0x2fe: {  	v62 =	vadd.s32 v3, v10;
	v9 =	vld.idx.msk [tilespmem:v11+s24+$0x0], $0xffff  }
0x2ff: {  	v12 =	vor.u32 v8, v62;
	_ =	sdelay $0x3  }
0x300: {  	[tilespmem:v11+s23+$0x0] =	vst.idx.msk $0xffff, v9  }
0x301: {  	v11 =	vadd.s32 v4, v10;
	v9 =	vld.idx.msk [tilespmem:v12+s24+$0x0], $0xffff  }
0x302: {  	v11 =	vor.u32 v8, v11;
	_ =	sdelay $0x3  }
0x303: {  	[tilespmem:v12+s23+$0x0] =	vst.idx.msk $0xffff, v9  }
0x304: {  	v63 =	vadd.s32 v5, v10;
	v9 =	vld.idx.msk [tilespmem:v11+s24+$0x0], $0xffff  }
0x305: {  	v12 =	vor.u32 v8, v63;
	_ =	sdelay $0x3  }
0x306: {  	[tilespmem:v11+s23+$0x0] =	vst.idx.msk $0xffff, v9  }
0x307: {  	v9 =	vadd.s32 v6, v10;
	v11 =	vld.idx.msk [tilespmem:v12+s24+$0x0], $0xffff  }
0x308: {  	v9 =	vor.u32 v8, v9;
	_ =	sdelay $0x3  }
0x309: {  	[tilespmem:v12+s23+$0x0] =	vst.idx.msk $0xffff, v11  }
0x30a: {  	v11 =	vadd.s32 v7, v10;
	v10 =	vld.idx.msk [tilespmem:v9+s24+$0x0], $0xffff  }
0x30b: {  	v8 =	vor.u32 v8, v11;
	_ =	sdelay $0x1  }
0x30c: {  	s5 =	simm.s32 $0x1  }
0x30d: {  	s4 =	simm.s32 $0x2;
	v11 =	vmov s5  }
.LBB2_16:
0x30e: {  	p0 =	sne.s32 s4, $0x1F;
	v12 =	vshll.u32 v11, $0x9;
	[tilespmem:v9+s23+$0x0] =	vst.idx.msk $0xffff, v10  }
0x30f: {  	v9 =	vshll.u32 v11, $0x7;
	v12 =	vand.u32 $0x3000, v12;
	v10 =	vld.idx.msk [tilespmem:v8+s24+$0x0], $0xffff  }
0x310: {  	v11 =	vand.u32 $0x380, v9;
	v9 =	vadd.s32 v0, v12  }
0x311: {  	v9 =	vor.u32 v11, v9;
	_ =	sdelay $0x3  }
0x312: {  	[tilespmem:v8+s23+$0x0] =	vst.idx.msk $0xffff, v10  }
0x313: {  	v8 =	vld.idx.msk [tilespmem:v9+s24+$0x0], $0xffff  }
0x314: {  	v10 =	vadd.s32 v1, v12  }
0x315: {  	v10 =	vor.u32 v11, v10;
	_ =	sdelay $0x3  }
0x316: {  	[tilespmem:v9+s23+$0x0] =	vst.idx.msk $0xffff, v8  }
0x317: {  	v8 =	vld.idx.msk [tilespmem:v10+s24+$0x0], $0xffff  }
0x318: {  	v9 =	vadd.s32 v2, v12  }
0x319: {  	v9 =	vor.u32 v11, v9;
	_ =	sdelay $0x3  }
0x31a: {  	[tilespmem:v10+s23+$0x0] =	vst.idx.msk $0xffff, v8  }
0x31b: {  	v8 =	vld.idx.msk [tilespmem:v9+s24+$0x0], $0xffff  }
0x31c: {  	v10 =	vadd.s32 v3, v12  }
0x31d: {  	v10 =	vor.u32 v11, v10;
	_ =	sdelay $0x3  }
0x31e: {  	[tilespmem:v9+s23+$0x0] =	vst.idx.msk $0xffff, v8  }
0x31f: {  	v8 =	vld.idx.msk [tilespmem:v10+s24+$0x0], $0xffff  }
0x320: {  	v9 =	vadd.s32 v4, v12  }
0x321: {  	v9 =	vor.u32 v11, v9;
	_ =	sdelay $0x3  }
0x322: {  	[tilespmem:v10+s23+$0x0] =	vst.idx.msk $0xffff, v8  }
0x323: {  	v8 =	vld.idx.msk [tilespmem:v9+s24+$0x0], $0xffff  }
0x324: {  	v10 =	vadd.s32 v5, v12  }
0x325: {  	v10 =	vor.u32 v11, v10;
	_ =	sdelay $0x3  }
0x326: {  	[tilespmem:v9+s23+$0x0] =	vst.idx.msk $0xffff, v8  }
0x327: {  	v8 =	vld.idx.msk [tilespmem:v10+s24+$0x0], $0xffff  }
0x328: {  	v9 =	vadd.s32 v6, v12  }
0x329: {  	v9 =	vor.u32 v11, v9;
	_ =	sdelay $0x3  }
0x32a: {  	[tilespmem:v10+s23+$0x0] =	vst.idx.msk $0xffff, v8  }
0x32b: {  	v10 =	vld.idx.msk [tilespmem:v9+s24+$0x0], $0xffff  }
.Ltmp7:
0x32c: {  	v8 =	vadd.s32 v7, v12;
	(pc) =	sbr.rel @p0 .LBB2_16-.Ltmp7, $2  }
0x32d: {  	v8 =	vor.u32 v11, v8;
	_ =	sdelay $0x2  }
0x32e: {  	v11 =	vmov s4;
	s4 =	sadd.s32 $0x1, s4  }
0x32f: {  	_ =	sdelay $0x2  }
0x330: {  	v12 =	vshll.u32 v11, $0x9  }
0x331: {  	[tilespmem:v9+s23+$0x0] =	vst.idx.msk $0xffff, v10;
	v10 =	vshll.u32 v11, $0x7;
	v9 =	vand.u32 $0x3000, v12  }
0x332: {  	v11 =	vld.idx.msk [tilespmem:v8+s24+$0x0], $0xffff;
	v10 =	vand.u32 $0x380, v10;
	v12 =	vadd.s32 v0, v9  }
0x333: {  	v12 =	vor.u32 v10, v12;
	_ =	sdelay $0x3  }
0x334: {  	[tilespmem:v8+s23+$0x0] =	vst.idx.msk $0xffff, v11  }
0x335: {  	v11 =	vadd.s32 v1, v9;
	v8 =	vld.idx.msk [tilespmem:v12+s24+$0x0], $0xffff  }
0x336: {  	v11 =	vor.u32 v10, v11;
	_ =	sdelay $0x3  }
0x337: {  	[tilespmem:v12+s23+$0x0] =	vst.idx.msk $0xffff, v8  }
0x338: {  	v58 =	vadd.s32 v2, v9;
	v8 =	vld.idx.msk [tilespmem:v11+s24+$0x0], $0xffff  }
0x339: {  	v12 =	vor.u32 v10, v58;
	_ =	sdelay $0x3  }
0x33a: {  	[tilespmem:v11+s23+$0x0] =	vst.idx.msk $0xffff, v8  }
0x33b: {  	v11 =	vadd.s32 v3, v9;
	v8 =	vld.idx.msk [tilespmem:v12+s24+$0x0], $0xffff  }
0x33c: {  	v11 =	vor.u32 v10, v11;
	_ =	sdelay $0x3  }
0x33d: {  	[tilespmem:v12+s23+$0x0] =	vst.idx.msk $0xffff, v8  }
0x33e: {  	v59 =	vadd.s32 v4, v9;
	v8 =	vld.idx.msk [tilespmem:v11+s24+$0x0], $0xffff  }
0x33f: {  	v12 =	vor.u32 v10, v59;
	_ =	sdelay $0x3  }
0x340: {  	[tilespmem:v11+s23+$0x0] =	vst.idx.msk $0xffff, v8  }
0x341: {  	v11 =	vadd.s32 v5, v9;
	v8 =	vld.idx.msk [tilespmem:v12+s24+$0x0], $0xffff  }
0x342: {  	v11 =	vor.u32 v10, v11;
	_ =	sdelay $0x3  }
0x343: {  	[tilespmem:v12+s23+$0x0] =	vst.idx.msk $0xffff, v8  }
0x344: {  	v60 =	vadd.s32 v6, v9;
	v8 =	vld.idx.msk [tilespmem:v11+s24+$0x0], $0xffff  }
0x345: {  	v12 =	vor.u32 v10, v60;
	_ =	sdelay $0x3  }
0x346: {  	[tilespmem:v11+s23+$0x0] =	vst.idx.msk $0xffff, v8  }
0x347: {  	v9 =	vadd.s32 v7, v9;
	v8 =	vld.idx.msk [tilespmem:v12+s24+$0x0], $0xffff  }
0x348: {  	v9 =	vor.u32 v10, v9;
	_ =	sdelay $0x3  }
0x349: {  	[tilespmem:v12+s23+$0x0] =	vst.idx.msk $0xffff, v8  }
0x34a: {  	v8 =	vld.idx.msk [tilespmem:v9+s24+$0x0], $0xffff;
	_ =	sdelay $0x4  }
0x34b: {  	s4 =	simm.s32 $0x0;
	s5 =	rddreg [dreg:$0x19];
	[tilespmem:v9+s23+$0x0] =	vst.idx.msk $0xffff, v8  }
0x34c: {  	[hbm4b:s5+s4] =	stream.linear.scatter [tilespmem:s23], [sflag:$0x5], $0x4000, $0x38;
	[tilespmem:$0x18080] =	vst v63  }
0x34d: {  	_ =	swait.ge [sflag:s30], $0x4000  }
0x34e: {  	[sflag:s30] =	ssyncset.done $0x0  }
0x34f: {  	s5 =	rddreg [dreg:$0x1d];
	[sflag:s30] =	ssyncadd.s32 $0xFFFFC000  }
0x350: {  	v8 =	vmov s4;
	[tilespmem:s4], [sflag:$0x1] =	stream.linear.gather [hbm4b:s5+s4], $0x4000, $0x38;
	[tilespmem:$0x18080] =	vst v63  }
0x351: {  	v9 =	vshll.u32 v8, $0x9;
	s5 =	rddreg [dreg:$0x1e]  }
0x352: {  	v8 =	vshll.u32 v8, $0x7;
	v10 =	vand.u32 $0x3000, v9;
	[tilespmem:s22], [sflag:$0x1] =	stream.linear.gather [hbm4b:s5+s4], $0x4000, $0x38;
	[tilespmem:$0x18080] =	vst v63  }
0x353: {  	v8 =	vand.u32 $0x380, v8;
	v9 =	vadd.s32 v0, v10;
	_ =	swait.ge [sflag:s31], $0x4000  }
0x354: {  	v9 =	vor.u32 v8, v9;
	[sflag:s31] =	ssyncset.done $0x0  }
0x355: {  	[sflag:s31] =	ssyncadd.s32 $0xFFFFC000  }
0x356: {  	_ =	swait.ge [sflag:s31], $0x4000  }
0x357: {  	[sflag:s31] =	ssyncset.done $0x0  }
0x358: {  	[sflag:s31] =	ssyncadd.s32 $0xFFFFC000  }
0x359: {  	v61 =	vadd.s32 v1, v10;
	v11 =	vld.idx.msk [tilespmem:v9+s28+$0x0], $0xffff  }
0x35a: {  	v12 =	vor.u32 v8, v61;
	_ =	sdelay $0x3  }
0x35b: {  	[tilespmem:v9+s26+$0x0] =	vst.idx.msk $0xffff, v11  }
0x35c: {  	v11 =	vadd.s32 v2, v10;
	v9 =	vld.idx.msk [tilespmem:v12+s28+$0x0], $0xffff  }
0x35d: {  	v11 =	vor.u32 v8, v11;
	_ =	sdelay $0x3  }
0x35e: {  	[tilespmem:v12+s26+$0x0] =	vst.idx.msk $0xffff, v9  }
0x35f: {  	v62 =	vadd.s32 v3, v10;
	v9 =	vld.idx.msk [tilespmem:v11+s28+$0x0], $0xffff  }
0x360: {  	v12 =	vor.u32 v8, v62;
	_ =	sdelay $0x3  }
0x361: {  	[tilespmem:v11+s26+$0x0] =	vst.idx.msk $0xffff, v9  }
0x362: {  	v11 =	vadd.s32 v4, v10;
	v9 =	vld.idx.msk [tilespmem:v12+s28+$0x0], $0xffff  }
0x363: {  	v11 =	vor.u32 v8, v11;
	_ =	sdelay $0x3  }
0x364: {  	[tilespmem:v12+s26+$0x0] =	vst.idx.msk $0xffff, v9  }
0x365: {  	v63 =	vadd.s32 v5, v10;
	v9 =	vld.idx.msk [tilespmem:v11+s28+$0x0], $0xffff  }
0x366: {  	v12 =	vor.u32 v8, v63;
	_ =	sdelay $0x3  }
0x367: {  	[tilespmem:v11+s26+$0x0] =	vst.idx.msk $0xffff, v9  }
0x368: {  	v9 =	vadd.s32 v6, v10;
	v11 =	vld.idx.msk [tilespmem:v12+s28+$0x0], $0xffff  }
0x369: {  	v9 =	vor.u32 v8, v9;
	_ =	sdelay $0x3  }
0x36a: {  	[tilespmem:v12+s26+$0x0] =	vst.idx.msk $0xffff, v11  }
0x36b: {  	v11 =	vadd.s32 v7, v10;
	v10 =	vld.idx.msk [tilespmem:v9+s28+$0x0], $0xffff  }
0x36c: {  	v8 =	vor.u32 v8, v11;
	_ =	sdelay $0x1  }
0x36d: {  	s5 =	simm.s32 $0x1  }
0x36e: {  	s4 =	simm.s32 $0x2;
	v11 =	vmov s5  }
.LBB2_18:
0x36f: {  	p0 =	sne.s32 s4, $0x1F;
	v12 =	vshll.u32 v11, $0x9;
	[tilespmem:v9+s26+$0x0] =	vst.idx.msk $0xffff, v10  }
0x370: {  	v9 =	vshll.u32 v11, $0x7;
	v12 =	vand.u32 $0x3000, v12;
	v10 =	vld.idx.msk [tilespmem:v8+s28+$0x0], $0xffff  }
0x371: {  	v11 =	vand.u32 $0x380, v9;
	v9 =	vadd.s32 v0, v12  }
0x372: {  	v9 =	vor.u32 v11, v9;
	_ =	sdelay $0x3  }
0x373: {  	[tilespmem:v8+s26+$0x0] =	vst.idx.msk $0xffff, v10  }
0x374: {  	v8 =	vld.idx.msk [tilespmem:v9+s28+$0x0], $0xffff  }
0x375: {  	v10 =	vadd.s32 v1, v12  }
0x376: {  	v10 =	vor.u32 v11, v10;
	_ =	sdelay $0x3  }
0x377: {  	[tilespmem:v9+s26+$0x0] =	vst.idx.msk $0xffff, v8  }
0x378: {  	v8 =	vld.idx.msk [tilespmem:v10+s28+$0x0], $0xffff  }
0x379: {  	v9 =	vadd.s32 v2, v12  }
0x37a: {  	v9 =	vor.u32 v11, v9;
	_ =	sdelay $0x3  }
0x37b: {  	[tilespmem:v10+s26+$0x0] =	vst.idx.msk $0xffff, v8  }
0x37c: {  	v8 =	vld.idx.msk [tilespmem:v9+s28+$0x0], $0xffff  }
0x37d: {  	v10 =	vadd.s32 v3, v12  }
0x37e: {  	v10 =	vor.u32 v11, v10;
	_ =	sdelay $0x3  }
0x37f: {  	[tilespmem:v9+s26+$0x0] =	vst.idx.msk $0xffff, v8  }
0x380: {  	v8 =	vld.idx.msk [tilespmem:v10+s28+$0x0], $0xffff  }
0x381: {  	v9 =	vadd.s32 v4, v12  }
0x382: {  	v9 =	vor.u32 v11, v9;
	_ =	sdelay $0x3  }
0x383: {  	[tilespmem:v10+s26+$0x0] =	vst.idx.msk $0xffff, v8  }
0x384: {  	v8 =	vld.idx.msk [tilespmem:v9+s28+$0x0], $0xffff  }
0x385: {  	v10 =	vadd.s32 v5, v12  }
0x386: {  	v10 =	vor.u32 v11, v10;
	_ =	sdelay $0x3  }
0x387: {  	[tilespmem:v9+s26+$0x0] =	vst.idx.msk $0xffff, v8  }
0x388: {  	v8 =	vld.idx.msk [tilespmem:v10+s28+$0x0], $0xffff  }
0x389: {  	v9 =	vadd.s32 v6, v12  }
0x38a: {  	v9 =	vor.u32 v11, v9;
	_ =	sdelay $0x3  }
0x38b: {  	[tilespmem:v10+s26+$0x0] =	vst.idx.msk $0xffff, v8  }
0x38c: {  	v10 =	vld.idx.msk [tilespmem:v9+s28+$0x0], $0xffff  }
.Ltmp8:
0x38d: {  	v8 =	vadd.s32 v7, v12;
	(pc) =	sbr.rel @p0 .LBB2_18-.Ltmp8, $2  }
0x38e: {  	v8 =	vor.u32 v11, v8;
	_ =	sdelay $0x2  }
0x38f: {  	v11 =	vmov s4;
	s4 =	sadd.s32 $0x1, s4  }
0x390: {  	_ =	sdelay $0x2  }
0x391: {  	v12 =	vshll.u32 v11, $0x9  }
0x392: {  	[tilespmem:v9+s26+$0x0] =	vst.idx.msk $0xffff, v10;
	v10 =	vshll.u32 v11, $0x7;
	v9 =	vand.u32 $0x3000, v12  }
0x393: {  	v11 =	vld.idx.msk [tilespmem:v8+s28+$0x0], $0xffff;
	v10 =	vand.u32 $0x380, v10;
	v12 =	vadd.s32 v0, v9  }
0x394: {  	v12 =	vor.u32 v10, v12;
	_ =	sdelay $0x3  }
0x395: {  	[tilespmem:v8+s26+$0x0] =	vst.idx.msk $0xffff, v11  }
0x396: {  	v11 =	vadd.s32 v1, v9;
	v8 =	vld.idx.msk [tilespmem:v12+s28+$0x0], $0xffff  }
0x397: {  	v11 =	vor.u32 v10, v11;
	_ =	sdelay $0x3  }
0x398: {  	[tilespmem:v12+s26+$0x0] =	vst.idx.msk $0xffff, v8  }
0x399: {  	v58 =	vadd.s32 v2, v9;
	v8 =	vld.idx.msk [tilespmem:v11+s28+$0x0], $0xffff  }
0x39a: {  	v12 =	vor.u32 v10, v58;
	_ =	sdelay $0x3  }
0x39b: {  	[tilespmem:v11+s26+$0x0] =	vst.idx.msk $0xffff, v8  }
0x39c: {  	v11 =	vadd.s32 v3, v9;
	v8 =	vld.idx.msk [tilespmem:v12+s28+$0x0], $0xffff  }
0x39d: {  	v11 =	vor.u32 v10, v11;
	_ =	sdelay $0x3  }
0x39e: {  	[tilespmem:v12+s26+$0x0] =	vst.idx.msk $0xffff, v8  }
0x39f: {  	v59 =	vadd.s32 v4, v9;
	v8 =	vld.idx.msk [tilespmem:v11+s28+$0x0], $0xffff  }
0x3a0: {  	v12 =	vor.u32 v10, v59;
	_ =	sdelay $0x3  }
0x3a1: {  	[tilespmem:v11+s26+$0x0] =	vst.idx.msk $0xffff, v8  }
0x3a2: {  	v11 =	vadd.s32 v5, v9;
	v8 =	vld.idx.msk [tilespmem:v12+s28+$0x0], $0xffff  }
0x3a3: {  	v11 =	vor.u32 v10, v11;
	_ =	sdelay $0x3  }
0x3a4: {  	[tilespmem:v12+s26+$0x0] =	vst.idx.msk $0xffff, v8  }
0x3a5: {  	v60 =	vadd.s32 v6, v9;
	v8 =	vld.idx.msk [tilespmem:v11+s28+$0x0], $0xffff  }
0x3a6: {  	v12 =	vor.u32 v10, v60;
	_ =	sdelay $0x3  }
0x3a7: {  	[tilespmem:v11+s26+$0x0] =	vst.idx.msk $0xffff, v8  }
0x3a8: {  	v9 =	vadd.s32 v7, v9;
	v8 =	vld.idx.msk [tilespmem:v12+s28+$0x0], $0xffff  }
0x3a9: {  	v9 =	vor.u32 v10, v9;
	_ =	sdelay $0x3  }
0x3aa: {  	[tilespmem:v12+s26+$0x0] =	vst.idx.msk $0xffff, v8  }
0x3ab: {  	v8 =	vld.idx.msk [tilespmem:v9+s28+$0x0], $0xffff;
	_ =	sdelay $0x4  }
0x3ac: {  	s4 =	simm.s32 $0x0;
	s5 =	rddreg [dreg:$0x1c];
	[tilespmem:v9+s26+$0x0] =	vst.idx.msk $0xffff, v8  }
0x3ad: {  	[hbm4b:s5+s4] =	stream.linear.scatter [tilespmem:s26], [sflag:$0x6], $0x4000, $0x38;
	[tilespmem:$0x18080] =	vst v63  }
0x3ae: {  	_ =	swait.ge [sflag:s0], $0x4000  }
0x3af: {  	s5 =	sld [smem:$0x7F7]  }
0x3b0: {  	[sflag:s0] =	ssyncset.done $0x0  }
0x3b1: {  	[sflag:s0] =	ssyncadd.s32 $0xFFFFC000  }
0x3b2: {  	[tilespmem:s23], [sflag:$0x2] =	stream.linear.gather [hbm4b:s5+s4], $0x4000, $0x38;
	[tilespmem:$0x18080] =	vst v63  }
0x3b3: {  	s5 =	sld [smem:$0x7F8]  }
0x3b4: {  	v8 =	vmov s4  }
0x3b5: {  	v9 =	vshll.u32 v8, $0x9  }
0x3b6: {  	v8 =	vshll.u32 v8, $0x7;
	v10 =	vand.u32 $0x3000, v9;
	[tilespmem:s24], [sflag:$0x2] =	stream.linear.gather [hbm4b:s5+s4], $0x4000, $0x38;
	[tilespmem:$0x18080] =	vst v63  }
0x3b7: {  	v8 =	vand.u32 $0x380, v8;
	v9 =	vadd.s32 v0, v10;
	_ =	swait.ge [sflag:s25], $0x4000  }
0x3b8: {  	v9 =	vor.u32 v8, v9;
	[sflag:s25] =	ssyncset.done $0x0  }
0x3b9: {  	[sflag:s25] =	ssyncadd.s32 $0xFFFFC000  }
0x3ba: {  	_ =	swait.ge [sflag:s25], $0x4000  }
0x3bb: {  	[sflag:s25] =	ssyncset.done $0x0  }
0x3bc: {  	[sflag:s25] =	ssyncadd.s32 $0xFFFFC000  }
0x3bd: {  	v61 =	vadd.s32 v1, v10;
	v11 =	vld.idx.msk [tilespmem:v9+s22+$0x0], $0xffff  }
0x3be: {  	v12 =	vor.u32 v8, v61;
	_ =	sdelay $0x3  }
0x3bf: {  	[tilespmem:v9+s1+$0x0] =	vst.idx.msk $0xffff, v11  }
0x3c0: {  	v11 =	vadd.s32 v2, v10;
	v9 =	vld.idx.msk [tilespmem:v12+s22+$0x0], $0xffff  }
0x3c1: {  	v11 =	vor.u32 v8, v11;
	_ =	sdelay $0x3  }
0x3c2: {  	[tilespmem:v12+s1+$0x0] =	vst.idx.msk $0xffff, v9  }
0x3c3: {  	v62 =	vadd.s32 v3, v10;
	v9 =	vld.idx.msk [tilespmem:v11+s22+$0x0], $0xffff  }
0x3c4: {  	v12 =	vor.u32 v8, v62;
	_ =	sdelay $0x3  }
0x3c5: {  	[tilespmem:v11+s1+$0x0] =	vst.idx.msk $0xffff, v9  }
0x3c6: {  	v11 =	vadd.s32 v4, v10;
	v9 =	vld.idx.msk [tilespmem:v12+s22+$0x0], $0xffff  }
0x3c7: {  	v11 =	vor.u32 v8, v11;
	_ =	sdelay $0x3  }
0x3c8: {  	[tilespmem:v12+s1+$0x0] =	vst.idx.msk $0xffff, v9  }
0x3c9: {  	v63 =	vadd.s32 v5, v10;
	v9 =	vld.idx.msk [tilespmem:v11+s22+$0x0], $0xffff  }
0x3ca: {  	v12 =	vor.u32 v8, v63;
	_ =	sdelay $0x3  }
0x3cb: {  	[tilespmem:v11+s1+$0x0] =	vst.idx.msk $0xffff, v9  }
0x3cc: {  	v9 =	vadd.s32 v6, v10;
	v11 =	vld.idx.msk [tilespmem:v12+s22+$0x0], $0xffff  }
0x3cd: {  	v9 =	vor.u32 v8, v9;
	_ =	sdelay $0x3  }
0x3ce: {  	[tilespmem:v12+s1+$0x0] =	vst.idx.msk $0xffff, v11  }
0x3cf: {  	v11 =	vadd.s32 v7, v10;
	v10 =	vld.idx.msk [tilespmem:v9+s22+$0x0], $0xffff  }
0x3d0: {  	v8 =	vor.u32 v8, v11;
	_ =	sdelay $0x1  }
0x3d1: {  	s5 =	simm.s32 $0x1  }
0x3d2: {  	s4 =	simm.s32 $0x2;
	v11 =	vmov s5  }
.LBB2_20:
0x3d3: {  	p0 =	sne.s32 s4, $0x1F;
	v12 =	vshll.u32 v11, $0x9;
	[tilespmem:v9+s1+$0x0] =	vst.idx.msk $0xffff, v10  }
0x3d4: {  	v9 =	vshll.u32 v11, $0x7;
	v12 =	vand.u32 $0x3000, v12;
	v10 =	vld.idx.msk [tilespmem:v8+s22+$0x0], $0xffff  }
0x3d5: {  	v11 =	vand.u32 $0x380, v9;
	v9 =	vadd.s32 v0, v12  }
0x3d6: {  	v9 =	vor.u32 v11, v9;
	_ =	sdelay $0x3  }
0x3d7: {  	[tilespmem:v8+s1+$0x0] =	vst.idx.msk $0xffff, v10  }
0x3d8: {  	v8 =	vld.idx.msk [tilespmem:v9+s22+$0x0], $0xffff  }
0x3d9: {  	v10 =	vadd.s32 v1, v12  }
0x3da: {  	v10 =	vor.u32 v11, v10;
	_ =	sdelay $0x3  }
0x3db: {  	[tilespmem:v9+s1+$0x0] =	vst.idx.msk $0xffff, v8  }
0x3dc: {  	v8 =	vld.idx.msk [tilespmem:v10+s22+$0x0], $0xffff  }
0x3dd: {  	v9 =	vadd.s32 v2, v12  }
0x3de: {  	v9 =	vor.u32 v11, v9;
	_ =	sdelay $0x3  }
0x3df: {  	[tilespmem:v10+s1+$0x0] =	vst.idx.msk $0xffff, v8  }
0x3e0: {  	v8 =	vld.idx.msk [tilespmem:v9+s22+$0x0], $0xffff  }
0x3e1: {  	v10 =	vadd.s32 v3, v12  }
0x3e2: {  	v10 =	vor.u32 v11, v10;
	_ =	sdelay $0x3  }
0x3e3: {  	[tilespmem:v9+s1+$0x0] =	vst.idx.msk $0xffff, v8  }
0x3e4: {  	v8 =	vld.idx.msk [tilespmem:v10+s22+$0x0], $0xffff  }
0x3e5: {  	v9 =	vadd.s32 v4, v12  }
0x3e6: {  	v9 =	vor.u32 v11, v9;
	_ =	sdelay $0x3  }
0x3e7: {  	[tilespmem:v10+s1+$0x0] =	vst.idx.msk $0xffff, v8  }
0x3e8: {  	v8 =	vld.idx.msk [tilespmem:v9+s22+$0x0], $0xffff  }
0x3e9: {  	v10 =	vadd.s32 v5, v12  }
0x3ea: {  	v10 =	vor.u32 v11, v10;
	_ =	sdelay $0x3  }
0x3eb: {  	[tilespmem:v9+s1+$0x0] =	vst.idx.msk $0xffff, v8  }
0x3ec: {  	v8 =	vld.idx.msk [tilespmem:v10+s22+$0x0], $0xffff  }
0x3ed: {  	v9 =	vadd.s32 v6, v12  }
0x3ee: {  	v9 =	vor.u32 v11, v9;
	_ =	sdelay $0x3  }
0x3ef: {  	[tilespmem:v10+s1+$0x0] =	vst.idx.msk $0xffff, v8  }
0x3f0: {  	v10 =	vld.idx.msk [tilespmem:v9+s22+$0x0], $0xffff  }
.Ltmp9:
0x3f1: {  	v8 =	vadd.s32 v7, v12;
	(pc) =	sbr.rel @p0 .LBB2_20-.Ltmp9, $2  }
0x3f2: {  	v8 =	vor.u32 v11, v8;
	_ =	sdelay $0x2  }
0x3f3: {  	v11 =	vmov s4;
	s4 =	sadd.s32 $0x1, s4  }
0x3f4: {  	_ =	sdelay $0x2  }
0x3f5: {  	v12 =	vshll.u32 v11, $0x9  }
0x3f6: {  	[tilespmem:v9+s1+$0x0] =	vst.idx.msk $0xffff, v10;
	v10 =	vshll.u32 v11, $0x7;
	v9 =	vand.u32 $0x3000, v12  }
0x3f7: {  	v11 =	vld.idx.msk [tilespmem:v8+s22+$0x0], $0xffff;
	v10 =	vand.u32 $0x380, v10;
	v12 =	vadd.s32 v0, v9  }
0x3f8: {  	v12 =	vor.u32 v10, v12;
	_ =	sdelay $0x3  }
0x3f9: {  	[tilespmem:v8+s1+$0x0] =	vst.idx.msk $0xffff, v11  }
0x3fa: {  	v11 =	vadd.s32 v1, v9;
	v8 =	vld.idx.msk [tilespmem:v12+s22+$0x0], $0xffff  }
0x3fb: {  	v11 =	vor.u32 v10, v11;
	_ =	sdelay $0x3  }
0x3fc: {  	[tilespmem:v12+s1+$0x0] =	vst.idx.msk $0xffff, v8  }
0x3fd: {  	v58 =	vadd.s32 v2, v9;
	v8 =	vld.idx.msk [tilespmem:v11+s22+$0x0], $0xffff  }
0x3fe: {  	v12 =	vor.u32 v10, v58;
	_ =	sdelay $0x3  }
0x3ff: {  	[tilespmem:v11+s1+$0x0] =	vst.idx.msk $0xffff, v8  }
0x400: {  	v11 =	vadd.s32 v3, v9;
	v8 =	vld.idx.msk [tilespmem:v12+s22+$0x0], $0xffff  }
0x401: {  	v11 =	vor.u32 v10, v11;
	_ =	sdelay $0x3  }
0x402: {  	[tilespmem:v12+s1+$0x0] =	vst.idx.msk $0xffff, v8  }
0x403: {  	v59 =	vadd.s32 v4, v9;
	v8 =	vld.idx.msk [tilespmem:v11+s22+$0x0], $0xffff  }
0x404: {  	v12 =	vor.u32 v10, v59;
	_ =	sdelay $0x3  }
0x405: {  	[tilespmem:v11+s1+$0x0] =	vst.idx.msk $0xffff, v8  }
0x406: {  	v11 =	vadd.s32 v5, v9;
	v8 =	vld.idx.msk [tilespmem:v12+s22+$0x0], $0xffff  }
0x407: {  	v11 =	vor.u32 v10, v11;
	_ =	sdelay $0x3  }
0x408: {  	[tilespmem:v12+s1+$0x0] =	vst.idx.msk $0xffff, v8  }
0x409: {  	v60 =	vadd.s32 v6, v9;
	v8 =	vld.idx.msk [tilespmem:v11+s22+$0x0], $0xffff  }
0x40a: {  	v12 =	vor.u32 v10, v60;
	_ =	sdelay $0x3  }
0x40b: {  	[tilespmem:v11+s1+$0x0] =	vst.idx.msk $0xffff, v8  }
0x40c: {  	v9 =	vadd.s32 v7, v9;
	v8 =	vld.idx.msk [tilespmem:v12+s22+$0x0], $0xffff  }
0x40d: {  	v9 =	vor.u32 v10, v9;
	_ =	sdelay $0x3  }
0x40e: {  	[tilespmem:v12+s1+$0x0] =	vst.idx.msk $0xffff, v8  }
0x40f: {  	v8 =	vld.idx.msk [tilespmem:v9+s22+$0x0], $0xffff;
	_ =	sdelay $0x4  }
0x410: {  	s4 =	simm.s32 $0x0;
	s5 =	rddreg [dreg:$0x1f];
	[tilespmem:v9+s1+$0x0] =	vst.idx.msk $0xffff, v8  }
0x411: {  	[hbm4b:s5+s4] =	stream.linear.scatter [tilespmem:s4], [sflag:$0x4], $0x4000, $0x38;
	[tilespmem:$0x18080] =	vst v63  }
0x412: {  	_ =	swait.ge [sflag:s2], $0x4000  }
0x413: {  	s5 =	sld [smem:$0x7FA]  }
0x414: {  	[sflag:s2] =	ssyncset.done $0x0  }
0x415: {  	[sflag:s2] =	ssyncadd.s32 $0xFFFFC000  }
0x416: {  	[tilespmem:s26], [sflag:$0x3] =	stream.linear.gather [hbm4b:s5+s4], $0x4000, $0x38;
	[tilespmem:$0x18080] =	vst v63  }
0x417: {  	s5 =	sld [smem:$0x7FB]  }
0x418: {  	v8 =	vmov s4  }
0x419: {  	v9 =	vshll.u32 v8, $0x9  }
0x41a: {  	v8 =	vshll.u32 v8, $0x7;
	v10 =	vand.u32 $0x3000, v9;
	[tilespmem:s28], [sflag:$0x3] =	stream.linear.gather [hbm4b:s5+s4], $0x4000, $0x38;
	[tilespmem:$0x18080] =	vst v63  }
0x41b: {  	v8 =	vand.u32 $0x380, v8;
	v9 =	vadd.s32 v0, v10;
	_ =	swait.ge [sflag:s29], $0x4000  }
0x41c: {  	v9 =	vor.u32 v8, v9;
	[sflag:s29] =	ssyncset.done $0x0  }
0x41d: {  	[sflag:s29] =	ssyncadd.s32 $0xFFFFC000  }
0x41e: {  	_ =	swait.ge [sflag:s29], $0x4000  }
0x41f: {  	[sflag:s29] =	ssyncset.done $0x0  }
0x420: {  	[sflag:s29] =	ssyncadd.s32 $0xFFFFC000  }
0x421: {  	v61 =	vadd.s32 v1, v10;
	v11 =	vld.idx.msk [tilespmem:v9+s24+$0x0], $0xffff  }
0x422: {  	v12 =	vor.u32 v8, v61;
	_ =	sdelay $0x3  }
0x423: {  	[tilespmem:v9+s23+$0x0] =	vst.idx.msk $0xffff, v11  }
0x424: {  	v11 =	vadd.s32 v2, v10;
	v9 =	vld.idx.msk [tilespmem:v12+s24+$0x0], $0xffff  }
0x425: {  	v11 =	vor.u32 v8, v11;
	_ =	sdelay $0x3  }
0x426: {  	[tilespmem:v12+s23+$0x0] =	vst.idx.msk $0xffff, v9  }
0x427: {  	v62 =	vadd.s32 v3, v10;
	v9 =	vld.idx.msk [tilespmem:v11+s24+$0x0], $0xffff  }
0x428: {  	v12 =	vor.u32 v8, v62;
	_ =	sdelay $0x3  }
0x429: {  	[tilespmem:v11+s23+$0x0] =	vst.idx.msk $0xffff, v9  }
0x42a: {  	v11 =	vadd.s32 v4, v10;
	v9 =	vld.idx.msk [tilespmem:v12+s24+$0x0], $0xffff  }
0x42b: {  	v11 =	vor.u32 v8, v11;
	_ =	sdelay $0x3  }
0x42c: {  	[tilespmem:v12+s23+$0x0] =	vst.idx.msk $0xffff, v9  }
0x42d: {  	v63 =	vadd.s32 v5, v10;
	v9 =	vld.idx.msk [tilespmem:v11+s24+$0x0], $0xffff  }
0x42e: {  	v12 =	vor.u32 v8, v63;
	_ =	sdelay $0x3  }
0x42f: {  	[tilespmem:v11+s23+$0x0] =	vst.idx.msk $0xffff, v9  }
0x430: {  	v9 =	vadd.s32 v6, v10;
	v11 =	vld.idx.msk [tilespmem:v12+s24+$0x0], $0xffff  }
0x431: {  	v9 =	vor.u32 v8, v9;
	_ =	sdelay $0x3  }
0x432: {  	[tilespmem:v12+s23+$0x0] =	vst.idx.msk $0xffff, v11  }
0x433: {  	v11 =	vadd.s32 v7, v10;
	v10 =	vld.idx.msk [tilespmem:v9+s24+$0x0], $0xffff  }
0x434: {  	v8 =	vor.u32 v8, v11;
	_ =	sdelay $0x1  }
0x435: {  	s5 =	simm.s32 $0x1  }
0x436: {  	s4 =	simm.s32 $0x2;
	v11 =	vmov s5  }
.LBB2_22:
0x437: {  	p0 =	sne.s32 s4, $0x1F;
	v12 =	vshll.u32 v11, $0x9;
	[tilespmem:v9+s23+$0x0] =	vst.idx.msk $0xffff, v10  }
0x438: {  	v9 =	vshll.u32 v11, $0x7;
	v12 =	vand.u32 $0x3000, v12;
	v10 =	vld.idx.msk [tilespmem:v8+s24+$0x0], $0xffff  }
0x439: {  	v11 =	vand.u32 $0x380, v9;
	v9 =	vadd.s32 v0, v12  }
0x43a: {  	v9 =	vor.u32 v11, v9;
	_ =	sdelay $0x3  }
0x43b: {  	[tilespmem:v8+s23+$0x0] =	vst.idx.msk $0xffff, v10  }
0x43c: {  	v8 =	vld.idx.msk [tilespmem:v9+s24+$0x0], $0xffff  }
0x43d: {  	v10 =	vadd.s32 v1, v12  }
0x43e: {  	v10 =	vor.u32 v11, v10;
	_ =	sdelay $0x3  }
0x43f: {  	[tilespmem:v9+s23+$0x0] =	vst.idx.msk $0xffff, v8  }
0x440: {  	v8 =	vld.idx.msk [tilespmem:v10+s24+$0x0], $0xffff  }
0x441: {  	v9 =	vadd.s32 v2, v12  }
0x442: {  	v9 =	vor.u32 v11, v9;
	_ =	sdelay $0x3  }
0x443: {  	[tilespmem:v10+s23+$0x0] =	vst.idx.msk $0xffff, v8  }
0x444: {  	v8 =	vld.idx.msk [tilespmem:v9+s24+$0x0], $0xffff  }
0x445: {  	v10 =	vadd.s32 v3, v12  }
0x446: {  	v10 =	vor.u32 v11, v10;
	_ =	sdelay $0x3  }
0x447: {  	[tilespmem:v9+s23+$0x0] =	vst.idx.msk $0xffff, v8  }
0x448: {  	v8 =	vld.idx.msk [tilespmem:v10+s24+$0x0], $0xffff  }
0x449: {  	v9 =	vadd.s32 v4, v12  }
0x44a: {  	v9 =	vor.u32 v11, v9;
	_ =	sdelay $0x3  }
0x44b: {  	[tilespmem:v10+s23+$0x0] =	vst.idx.msk $0xffff, v8  }
0x44c: {  	v8 =	vld.idx.msk [tilespmem:v9+s24+$0x0], $0xffff  }
0x44d: {  	v10 =	vadd.s32 v5, v12  }
0x44e: {  	v10 =	vor.u32 v11, v10;
	_ =	sdelay $0x3  }
0x44f: {  	[tilespmem:v9+s23+$0x0] =	vst.idx.msk $0xffff, v8  }
0x450: {  	v8 =	vld.idx.msk [tilespmem:v10+s24+$0x0], $0xffff  }
0x451: {  	v9 =	vadd.s32 v6, v12  }
0x452: {  	v9 =	vor.u32 v11, v9;
	_ =	sdelay $0x3  }
0x453: {  	[tilespmem:v10+s23+$0x0] =	vst.idx.msk $0xffff, v8  }
0x454: {  	v10 =	vld.idx.msk [tilespmem:v9+s24+$0x0], $0xffff  }
.Ltmp10:
0x455: {  	v8 =	vadd.s32 v7, v12;
	(pc) =	sbr.rel @p0 .LBB2_22-.Ltmp10, $2  }
0x456: {  	v8 =	vor.u32 v11, v8;
	_ =	sdelay $0x2  }
0x457: {  	v11 =	vmov s4;
	s4 =	sadd.s32 $0x1, s4  }
0x458: {  	_ =	sdelay $0x2  }
0x459: {  	v12 =	vshll.u32 v11, $0x9  }
0x45a: {  	[tilespmem:v9+s23+$0x0] =	vst.idx.msk $0xffff, v10;
	v10 =	vshll.u32 v11, $0x7;
	v9 =	vand.u32 $0x3000, v12  }
0x45b: {  	v11 =	vld.idx.msk [tilespmem:v8+s24+$0x0], $0xffff;
	v10 =	vand.u32 $0x380, v10;
	v12 =	vadd.s32 v0, v9  }
0x45c: {  	v12 =	vor.u32 v10, v12;
	_ =	sdelay $0x3  }
0x45d: {  	[tilespmem:v8+s23+$0x0] =	vst.idx.msk $0xffff, v11  }
0x45e: {  	v11 =	vadd.s32 v1, v9;
	v8 =	vld.idx.msk [tilespmem:v12+s24+$0x0], $0xffff  }
0x45f: {  	v11 =	vor.u32 v10, v11;
	_ =	sdelay $0x3  }
0x460: {  	[tilespmem:v12+s23+$0x0] =	vst.idx.msk $0xffff, v8  }
0x461: {  	v58 =	vadd.s32 v2, v9;
	v8 =	vld.idx.msk [tilespmem:v11+s24+$0x0], $0xffff  }
0x462: {  	v12 =	vor.u32 v10, v58;
	_ =	sdelay $0x3  }
0x463: {  	[tilespmem:v11+s23+$0x0] =	vst.idx.msk $0xffff, v8  }
0x464: {  	v11 =	vadd.s32 v3, v9;
	v8 =	vld.idx.msk [tilespmem:v12+s24+$0x0], $0xffff  }
0x465: {  	v11 =	vor.u32 v10, v11;
	_ =	sdelay $0x3  }
0x466: {  	[tilespmem:v12+s23+$0x0] =	vst.idx.msk $0xffff, v8  }
0x467: {  	v59 =	vadd.s32 v4, v9;
	v8 =	vld.idx.msk [tilespmem:v11+s24+$0x0], $0xffff  }
0x468: {  	v12 =	vor.u32 v10, v59;
	_ =	sdelay $0x3  }
0x469: {  	[tilespmem:v11+s23+$0x0] =	vst.idx.msk $0xffff, v8  }
0x46a: {  	v11 =	vadd.s32 v5, v9;
	v8 =	vld.idx.msk [tilespmem:v12+s24+$0x0], $0xffff  }
0x46b: {  	v11 =	vor.u32 v10, v11;
	_ =	sdelay $0x3  }
0x46c: {  	[tilespmem:v12+s23+$0x0] =	vst.idx.msk $0xffff, v8  }
0x46d: {  	v60 =	vadd.s32 v6, v9;
	v8 =	vld.idx.msk [tilespmem:v11+s24+$0x0], $0xffff  }
0x46e: {  	v12 =	vor.u32 v10, v60;
	_ =	sdelay $0x3  }
0x46f: {  	[tilespmem:v11+s23+$0x0] =	vst.idx.msk $0xffff, v8  }
0x470: {  	v9 =	vadd.s32 v7, v9;
	v8 =	vld.idx.msk [tilespmem:v12+s24+$0x0], $0xffff  }
0x471: {  	v9 =	vor.u32 v10, v9;
	_ =	sdelay $0x3  }
0x472: {  	[tilespmem:v12+s23+$0x0] =	vst.idx.msk $0xffff, v8  }
0x473: {  	v8 =	vld.idx.msk [tilespmem:v9+s24+$0x0], $0xffff;
	_ =	sdelay $0x2  }
0x474: {  	s5 =	sld [smem:$0x7F9];
	_ =	sdelay $0x1  }
0x475: {  	s4 =	simm.s32 $0x0;
	[tilespmem:v9+s23+$0x0] =	vst.idx.msk $0xffff, v8  }
0x476: {  	[hbm4b:s5+s4] =	stream.linear.scatter [tilespmem:s23], [sflag:$0x5], $0x4000, $0x38;
	[tilespmem:$0x18080] =	vst v63  }
0x477: {  	_ =	swait.ge [sflag:s30], $0x4000  }
0x478: {  	s5 =	sld [smem:$0x7FD]  }
0x479: {  	[sflag:s30] =	ssyncset.done $0x0  }
0x47a: {  	[sflag:s30] =	ssyncadd.s32 $0xFFFFC000  }
0x47b: {  	v8 =	vmov s4;
	[tilespmem:s4], [sflag:$0x1] =	stream.linear.gather [hbm4b:s5+s4], $0x4000, $0x38;
	[tilespmem:$0x18080] =	vst v63  }
0x47c: {  	v9 =	vshll.u32 v8, $0x9  }
0x47d: {  	v8 =	vshll.u32 v8, $0x7;
	v10 =	vand.u32 $0x3000, v9;
	[tilespmem:s22], [sflag:$0x1] =	stream.linear.gather [hbm4b:s6+s4], $0x4000, $0x38;
	[tilespmem:$0x18080] =	vst v63  }
0x47e: {  	v8 =	vand.u32 $0x380, v8;
	v9 =	vadd.s32 v0, v10;
	_ =	swait.ge [sflag:s31], $0x4000  }
0x47f: {  	v9 =	vor.u32 v8, v9;
	[sflag:s31] =	ssyncset.done $0x0  }
0x480: {  	[sflag:s31] =	ssyncadd.s32 $0xFFFFC000  }
0x481: {  	_ =	swait.ge [sflag:s31], $0x4000  }
0x482: {  	[sflag:s31] =	ssyncset.done $0x0  }
0x483: {  	[sflag:s31] =	ssyncadd.s32 $0xFFFFC000  }
0x484: {  	v61 =	vadd.s32 v1, v10;
	v11 =	vld.idx.msk [tilespmem:v9+s28+$0x0], $0xffff  }
0x485: {  	v12 =	vor.u32 v8, v61;
	_ =	sdelay $0x3  }
0x486: {  	[tilespmem:v9+s26+$0x0] =	vst.idx.msk $0xffff, v11  }
0x487: {  	v11 =	vadd.s32 v2, v10;
	v9 =	vld.idx.msk [tilespmem:v12+s28+$0x0], $0xffff  }
0x488: {  	v11 =	vor.u32 v8, v11;
	_ =	sdelay $0x3  }
0x489: {  	[tilespmem:v12+s26+$0x0] =	vst.idx.msk $0xffff, v9  }
0x48a: {  	v62 =	vadd.s32 v3, v10;
	v9 =	vld.idx.msk [tilespmem:v11+s28+$0x0], $0xffff  }
0x48b: {  	v12 =	vor.u32 v8, v62;
	_ =	sdelay $0x3  }
0x48c: {  	[tilespmem:v11+s26+$0x0] =	vst.idx.msk $0xffff, v9  }
0x48d: {  	v11 =	vadd.s32 v4, v10;
	v9 =	vld.idx.msk [tilespmem:v12+s28+$0x0], $0xffff  }
0x48e: {  	v11 =	vor.u32 v8, v11;
	_ =	sdelay $0x3  }
0x48f: {  	[tilespmem:v12+s26+$0x0] =	vst.idx.msk $0xffff, v9  }
0x490: {  	v63 =	vadd.s32 v5, v10;
	v9 =	vld.idx.msk [tilespmem:v11+s28+$0x0], $0xffff  }
0x491: {  	v12 =	vor.u32 v8, v63;
	_ =	sdelay $0x3  }
0x492: {  	[tilespmem:v11+s26+$0x0] =	vst.idx.msk $0xffff, v9  }
0x493: {  	v9 =	vadd.s32 v6, v10;
	v11 =	vld.idx.msk [tilespmem:v12+s28+$0x0], $0xffff  }
0x494: {  	v9 =	vor.u32 v8, v9;
	_ =	sdelay $0x3  }
0x495: {  	[tilespmem:v12+s26+$0x0] =	vst.idx.msk $0xffff, v11  }
0x496: {  	v11 =	vadd.s32 v7, v10;
	v10 =	vld.idx.msk [tilespmem:v9+s28+$0x0], $0xffff  }
0x497: {  	v8 =	vor.u32 v8, v11;
	_ =	sdelay $0x1  }
0x498: {  	s5 =	simm.s32 $0x1  }
0x499: {  	s4 =	simm.s32 $0x2;
	v11 =	vmov s5  }
.LBB2_24:
0x49a: {  	p0 =	sne.s32 s4, $0x1F;
	v12 =	vshll.u32 v11, $0x9;
	[tilespmem:v9+s26+$0x0] =	vst.idx.msk $0xffff, v10  }
0x49b: {  	v9 =	vshll.u32 v11, $0x7;
	v12 =	vand.u32 $0x3000, v12;
	v10 =	vld.idx.msk [tilespmem:v8+s28+$0x0], $0xffff  }
0x49c: {  	v11 =	vand.u32 $0x380, v9;
	v9 =	vadd.s32 v0, v12  }
0x49d: {  	v9 =	vor.u32 v11, v9;
	_ =	sdelay $0x3  }
0x49e: {  	[tilespmem:v8+s26+$0x0] =	vst.idx.msk $0xffff, v10  }
0x49f: {  	v8 =	vld.idx.msk [tilespmem:v9+s28+$0x0], $0xffff  }
0x4a0: {  	v10 =	vadd.s32 v1, v12  }
0x4a1: {  	v10 =	vor.u32 v11, v10;
	_ =	sdelay $0x3  }
0x4a2: {  	[tilespmem:v9+s26+$0x0] =	vst.idx.msk $0xffff, v8  }
0x4a3: {  	v8 =	vld.idx.msk [tilespmem:v10+s28+$0x0], $0xffff  }
0x4a4: {  	v9 =	vadd.s32 v2, v12  }
0x4a5: {  	v9 =	vor.u32 v11, v9;
	_ =	sdelay $0x3  }
0x4a6: {  	[tilespmem:v10+s26+$0x0] =	vst.idx.msk $0xffff, v8  }
0x4a7: {  	v8 =	vld.idx.msk [tilespmem:v9+s28+$0x0], $0xffff  }
0x4a8: {  	v10 =	vadd.s32 v3, v12  }
0x4a9: {  	v10 =	vor.u32 v11, v10;
	_ =	sdelay $0x3  }
0x4aa: {  	[tilespmem:v9+s26+$0x0] =	vst.idx.msk $0xffff, v8  }
0x4ab: {  	v8 =	vld.idx.msk [tilespmem:v10+s28+$0x0], $0xffff  }
0x4ac: {  	v9 =	vadd.s32 v4, v12  }
0x4ad: {  	v9 =	vor.u32 v11, v9;
	_ =	sdelay $0x3  }
0x4ae: {  	[tilespmem:v10+s26+$0x0] =	vst.idx.msk $0xffff, v8  }
0x4af: {  	v8 =	vld.idx.msk [tilespmem:v9+s28+$0x0], $0xffff  }
0x4b0: {  	v10 =	vadd.s32 v5, v12  }
0x4b1: {  	v10 =	vor.u32 v11, v10;
	_ =	sdelay $0x3  }
0x4b2: {  	[tilespmem:v9+s26+$0x0] =	vst.idx.msk $0xffff, v8  }
0x4b3: {  	v8 =	vld.idx.msk [tilespmem:v10+s28+$0x0], $0xffff  }
0x4b4: {  	v9 =	vadd.s32 v6, v12  }
0x4b5: {  	v9 =	vor.u32 v11, v9;
	_ =	sdelay $0x3  }
0x4b6: {  	[tilespmem:v10+s26+$0x0] =	vst.idx.msk $0xffff, v8  }
0x4b7: {  	v10 =	vld.idx.msk [tilespmem:v9+s28+$0x0], $0xffff  }
.Ltmp11:
0x4b8: {  	v8 =	vadd.s32 v7, v12;
	(pc) =	sbr.rel @p0 .LBB2_24-.Ltmp11, $2  }
0x4b9: {  	v8 =	vor.u32 v11, v8;
	_ =	sdelay $0x2  }
0x4ba: {  	v11 =	vmov s4;
	s4 =	sadd.s32 $0x1, s4  }
0x4bb: {  	_ =	sdelay $0x2  }
0x4bc: {  	v12 =	vshll.u32 v11, $0x9  }
0x4bd: {  	[tilespmem:v9+s26+$0x0] =	vst.idx.msk $0xffff, v10;
	v10 =	vshll.u32 v11, $0x7;
	v9 =	vand.u32 $0x3000, v12  }
0x4be: {  	v11 =	vld.idx.msk [tilespmem:v8+s28+$0x0], $0xffff;
	v10 =	vand.u32 $0x380, v10;
	v12 =	vadd.s32 v0, v9  }
0x4bf: {  	v12 =	vor.u32 v10, v12;
	_ =	sdelay $0x3  }
0x4c0: {  	[tilespmem:v8+s26+$0x0] =	vst.idx.msk $0xffff, v11  }
0x4c1: {  	v11 =	vadd.s32 v1, v9;
	v8 =	vld.idx.msk [tilespmem:v12+s28+$0x0], $0xffff  }
0x4c2: {  	v11 =	vor.u32 v10, v11;
	_ =	sdelay $0x3  }
0x4c3: {  	[tilespmem:v12+s26+$0x0] =	vst.idx.msk $0xffff, v8  }
0x4c4: {  	v58 =	vadd.s32 v2, v9;
	v8 =	vld.idx.msk [tilespmem:v11+s28+$0x0], $0xffff  }
0x4c5: {  	v12 =	vor.u32 v10, v58;
	_ =	sdelay $0x3  }
0x4c6: {  	[tilespmem:v11+s26+$0x0] =	vst.idx.msk $0xffff, v8  }
0x4c7: {  	v11 =	vadd.s32 v3, v9;
	v8 =	vld.idx.msk [tilespmem:v12+s28+$0x0], $0xffff  }
0x4c8: {  	v11 =	vor.u32 v10, v11;
	_ =	sdelay $0x3  }
0x4c9: {  	[tilespmem:v12+s26+$0x0] =	vst.idx.msk $0xffff, v8  }
0x4ca: {  	v59 =	vadd.s32 v4, v9;
	v8 =	vld.idx.msk [tilespmem:v11+s28+$0x0], $0xffff  }
0x4cb: {  	v12 =	vor.u32 v10, v59;
	_ =	sdelay $0x3  }
0x4cc: {  	[tilespmem:v11+s26+$0x0] =	vst.idx.msk $0xffff, v8  }
0x4cd: {  	v11 =	vadd.s32 v5, v9;
	v8 =	vld.idx.msk [tilespmem:v12+s28+$0x0], $0xffff  }
0x4ce: {  	v11 =	vor.u32 v10, v11;
	_ =	sdelay $0x3  }
0x4cf: {  	[tilespmem:v12+s26+$0x0] =	vst.idx.msk $0xffff, v8  }
0x4d0: {  	v60 =	vadd.s32 v6, v9;
	v8 =	vld.idx.msk [tilespmem:v11+s28+$0x0], $0xffff  }
0x4d1: {  	v12 =	vor.u32 v10, v60;
	_ =	sdelay $0x3  }
0x4d2: {  	[tilespmem:v11+s26+$0x0] =	vst.idx.msk $0xffff, v8  }
0x4d3: {  	v9 =	vadd.s32 v7, v9;
	v8 =	vld.idx.msk [tilespmem:v12+s28+$0x0], $0xffff  }
0x4d4: {  	v9 =	vor.u32 v10, v9;
	_ =	sdelay $0x3  }
0x4d5: {  	[tilespmem:v12+s26+$0x0] =	vst.idx.msk $0xffff, v8  }
0x4d6: {  	v8 =	vld.idx.msk [tilespmem:v9+s28+$0x0], $0xffff;
	_ =	sdelay $0x2  }
0x4d7: {  	s5 =	sld [smem:$0x7FC];
	_ =	sdelay $0x1  }
0x4d8: {  	s4 =	simm.s32 $0x0;
	[tilespmem:v9+s26+$0x0] =	vst.idx.msk $0xffff, v8  }
0x4d9: {  	[hbm4b:s5+s4] =	stream.linear.scatter [tilespmem:s26], [sflag:$0x6], $0x4000, $0x38;
	[tilespmem:$0x18080] =	vst v63  }
0x4da: {  	_ =	swait.ge [sflag:s0], $0x4000  }
0x4db: {  	[sflag:s0] =	ssyncset.done $0x0  }
0x4dc: {  	[sflag:s0] =	ssyncadd.s32 $0xFFFFC000  }
0x4dd: {  	v8 =	vmov s4;
	[tilespmem:s23], [sflag:$0x2] =	stream.linear.gather [hbm4b:s8+s4], $0x4000, $0x38;
	[tilespmem:$0x18080] =	vst v63  }
0x4de: {  	v9 =	vshll.u32 v8, $0x9  }
0x4df: {  	v8 =	vshll.u32 v8, $0x7;
	v10 =	vand.u32 $0x3000, v9;
	[tilespmem:s24], [sflag:$0x2] =	stream.linear.gather [hbm4b:s9+s4], $0x4000, $0x38;
	[tilespmem:$0x18080] =	vst v63  }
0x4e0: {  	v8 =	vand.u32 $0x380, v8;
	v9 =	vadd.s32 v0, v10;
	_ =	swait.ge [sflag:s25], $0x4000  }
0x4e1: {  	v9 =	vor.u32 v8, v9;
	[sflag:s25] =	ssyncset.done $0x0  }
0x4e2: {  	[sflag:s25] =	ssyncadd.s32 $0xFFFFC000  }
0x4e3: {  	_ =	swait.ge [sflag:s25], $0x4000  }
0x4e4: {  	[sflag:s25] =	ssyncset.done $0x0  }
0x4e5: {  	[sflag:s25] =	ssyncadd.s32 $0xFFFFC000  }
0x4e6: {  	v61 =	vadd.s32 v1, v10;
	v11 =	vld.idx.msk [tilespmem:v9+s22+$0x0], $0xffff  }
0x4e7: {  	v12 =	vor.u32 v8, v61;
	_ =	sdelay $0x3  }
0x4e8: {  	[tilespmem:v9+s1+$0x0] =	vst.idx.msk $0xffff, v11  }
0x4e9: {  	v11 =	vadd.s32 v2, v10;
	v9 =	vld.idx.msk [tilespmem:v12+s22+$0x0], $0xffff  }
0x4ea: {  	v11 =	vor.u32 v8, v11;
	_ =	sdelay $0x3  }
0x4eb: {  	[tilespmem:v12+s1+$0x0] =	vst.idx.msk $0xffff, v9  }
0x4ec: {  	v62 =	vadd.s32 v3, v10;
	v9 =	vld.idx.msk [tilespmem:v11+s22+$0x0], $0xffff  }
0x4ed: {  	v12 =	vor.u32 v8, v62;
	_ =	sdelay $0x3  }
0x4ee: {  	[tilespmem:v11+s1+$0x0] =	vst.idx.msk $0xffff, v9  }
0x4ef: {  	v11 =	vadd.s32 v4, v10;
	v9 =	vld.idx.msk [tilespmem:v12+s22+$0x0], $0xffff  }
0x4f0: {  	v11 =	vor.u32 v8, v11;
	_ =	sdelay $0x3  }
0x4f1: {  	[tilespmem:v12+s1+$0x0] =	vst.idx.msk $0xffff, v9  }
0x4f2: {  	v63 =	vadd.s32 v5, v10;
	v9 =	vld.idx.msk [tilespmem:v11+s22+$0x0], $0xffff  }
0x4f3: {  	v12 =	vor.u32 v8, v63;
	_ =	sdelay $0x3  }
0x4f4: {  	[tilespmem:v11+s1+$0x0] =	vst.idx.msk $0xffff, v9  }
0x4f5: {  	v9 =	vadd.s32 v6, v10;
	v11 =	vld.idx.msk [tilespmem:v12+s22+$0x0], $0xffff  }
0x4f6: {  	v9 =	vor.u32 v8, v9;
	_ =	sdelay $0x3  }
0x4f7: {  	[tilespmem:v12+s1+$0x0] =	vst.idx.msk $0xffff, v11  }
0x4f8: {  	v11 =	vadd.s32 v7, v10;
	v10 =	vld.idx.msk [tilespmem:v9+s22+$0x0], $0xffff  }
0x4f9: {  	v8 =	vor.u32 v8, v11;
	_ =	sdelay $0x1  }
0x4fa: {  	s5 =	simm.s32 $0x1  }
0x4fb: {  	s4 =	simm.s32 $0x2;
	v11 =	vmov s5  }
.LBB2_26:
0x4fc: {  	p0 =	sne.s32 s4, $0x1F;
	v12 =	vshll.u32 v11, $0x9;
	[tilespmem:v9+s1+$0x0] =	vst.idx.msk $0xffff, v10  }
0x4fd: {  	v9 =	vshll.u32 v11, $0x7;
	v12 =	vand.u32 $0x3000, v12;
	v10 =	vld.idx.msk [tilespmem:v8+s22+$0x0], $0xffff  }
0x4fe: {  	v11 =	vand.u32 $0x380, v9;
	v9 =	vadd.s32 v0, v12  }
0x4ff: {  	v9 =	vor.u32 v11, v9;
	_ =	sdelay $0x3  }
0x500: {  	[tilespmem:v8+s1+$0x0] =	vst.idx.msk $0xffff, v10  }
0x501: {  	v8 =	vld.idx.msk [tilespmem:v9+s22+$0x0], $0xffff  }
0x502: {  	v10 =	vadd.s32 v1, v12  }
0x503: {  	v10 =	vor.u32 v11, v10;
	_ =	sdelay $0x3  }
0x504: {  	[tilespmem:v9+s1+$0x0] =	vst.idx.msk $0xffff, v8  }
0x505: {  	v8 =	vld.idx.msk [tilespmem:v10+s22+$0x0], $0xffff  }
0x506: {  	v9 =	vadd.s32 v2, v12  }
0x507: {  	v9 =	vor.u32 v11, v9;
	_ =	sdelay $0x3  }
0x508: {  	[tilespmem:v10+s1+$0x0] =	vst.idx.msk $0xffff, v8  }
0x509: {  	v8 =	vld.idx.msk [tilespmem:v9+s22+$0x0], $0xffff  }
0x50a: {  	v10 =	vadd.s32 v3, v12  }
0x50b: {  	v10 =	vor.u32 v11, v10;
	_ =	sdelay $0x3  }
0x50c: {  	[tilespmem:v9+s1+$0x0] =	vst.idx.msk $0xffff, v8  }
0x50d: {  	v8 =	vld.idx.msk [tilespmem:v10+s22+$0x0], $0xffff  }
0x50e: {  	v9 =	vadd.s32 v4, v12  }
0x50f: {  	v9 =	vor.u32 v11, v9;
	_ =	sdelay $0x3  }
0x510: {  	[tilespmem:v10+s1+$0x0] =	vst.idx.msk $0xffff, v8  }
0x511: {  	v8 =	vld.idx.msk [tilespmem:v9+s22+$0x0], $0xffff  }
0x512: {  	v10 =	vadd.s32 v5, v12  }
0x513: {  	v10 =	vor.u32 v11, v10;
	_ =	sdelay $0x3  }
0x514: {  	[tilespmem:v9+s1+$0x0] =	vst.idx.msk $0xffff, v8  }
0x515: {  	v8 =	vld.idx.msk [tilespmem:v10+s22+$0x0], $0xffff  }
0x516: {  	v9 =	vadd.s32 v6, v12  }
0x517: {  	v9 =	vor.u32 v11, v9;
	_ =	sdelay $0x3  }
0x518: {  	[tilespmem:v10+s1+$0x0] =	vst.idx.msk $0xffff, v8  }
0x519: {  	v10 =	vld.idx.msk [tilespmem:v9+s22+$0x0], $0xffff  }
.Ltmp12:
0x51a: {  	v8 =	vadd.s32 v7, v12;
	(pc) =	sbr.rel @p0 .LBB2_26-.Ltmp12, $2  }
0x51b: {  	v8 =	vor.u32 v11, v8;
	_ =	sdelay $0x2  }
0x51c: {  	v11 =	vmov s4;
	s4 =	sadd.s32 $0x1, s4  }
0x51d: {  	_ =	sdelay $0x2  }
0x51e: {  	v12 =	vshll.u32 v11, $0x9  }
0x51f: {  	[tilespmem:v9+s1+$0x0] =	vst.idx.msk $0xffff, v10;
	v10 =	vshll.u32 v11, $0x7;
	v9 =	vand.u32 $0x3000, v12  }
0x520: {  	v11 =	vld.idx.msk [tilespmem:v8+s22+$0x0], $0xffff;
	v10 =	vand.u32 $0x380, v10;
	v12 =	vadd.s32 v0, v9  }
0x521: {  	v12 =	vor.u32 v10, v12;
	_ =	sdelay $0x3  }
0x522: {  	[tilespmem:v8+s1+$0x0] =	vst.idx.msk $0xffff, v11  }
0x523: {  	v11 =	vadd.s32 v1, v9;
	v8 =	vld.idx.msk [tilespmem:v12+s22+$0x0], $0xffff  }
0x524: {  	v11 =	vor.u32 v10, v11;
	_ =	sdelay $0x3  }
0x525: {  	[tilespmem:v12+s1+$0x0] =	vst.idx.msk $0xffff, v8  }
0x526: {  	v58 =	vadd.s32 v2, v9;
	v8 =	vld.idx.msk [tilespmem:v11+s22+$0x0], $0xffff  }
0x527: {  	v12 =	vor.u32 v10, v58;
	_ =	sdelay $0x3  }
0x528: {  	[tilespmem:v11+s1+$0x0] =	vst.idx.msk $0xffff, v8  }
0x529: {  	v11 =	vadd.s32 v3, v9;
	v8 =	vld.idx.msk [tilespmem:v12+s22+$0x0], $0xffff  }
0x52a: {  	v11 =	vor.u32 v10, v11;
	_ =	sdelay $0x3  }
0x52b: {  	[tilespmem:v12+s1+$0x0] =	vst.idx.msk $0xffff, v8  }
0x52c: {  	v59 =	vadd.s32 v4, v9;
	v8 =	vld.idx.msk [tilespmem:v11+s22+$0x0], $0xffff  }
0x52d: {  	v12 =	vor.u32 v10, v59;
	_ =	sdelay $0x3  }
0x52e: {  	[tilespmem:v11+s1+$0x0] =	vst.idx.msk $0xffff, v8  }
0x52f: {  	v11 =	vadd.s32 v5, v9;
	v8 =	vld.idx.msk [tilespmem:v12+s22+$0x0], $0xffff  }
0x530: {  	v11 =	vor.u32 v10, v11;
	_ =	sdelay $0x3  }
0x531: {  	[tilespmem:v12+s1+$0x0] =	vst.idx.msk $0xffff, v8  }
0x532: {  	v60 =	vadd.s32 v6, v9;
	v8 =	vld.idx.msk [tilespmem:v11+s22+$0x0], $0xffff  }
0x533: {  	v12 =	vor.u32 v10, v60;
	_ =	sdelay $0x3  }
0x534: {  	[tilespmem:v11+s1+$0x0] =	vst.idx.msk $0xffff, v8  }
0x535: {  	v9 =	vadd.s32 v7, v9;
	v8 =	vld.idx.msk [tilespmem:v12+s22+$0x0], $0xffff  }
0x536: {  	v9 =	vor.u32 v10, v9;
	_ =	sdelay $0x3  }
0x537: {  	[tilespmem:v12+s1+$0x0] =	vst.idx.msk $0xffff, v8  }
0x538: {  	v8 =	vld.idx.msk [tilespmem:v9+s22+$0x0], $0xffff;
	_ =	sdelay $0x4  }
0x539: {  	s4 =	simm.s32 $0x0;
	[tilespmem:v9+s1+$0x0] =	vst.idx.msk $0xffff, v8  }
0x53a: {  	[hbm4b:s7+s4] =	stream.linear.scatter [tilespmem:s4], [sflag:$0x4], $0x4000, $0x38;
	[tilespmem:$0x18080] =	vst v63  }
0x53b: {  	_ =	swait.ge [sflag:s2], $0x4000  }
0x53c: {  	[sflag:s2] =	ssyncset.done $0x0  }
0x53d: {  	[sflag:s2] =	ssyncadd.s32 $0xFFFFC000  }
0x53e: {  	v8 =	vmov s4;
	[tilespmem:s26], [sflag:$0x3] =	stream.linear.gather [hbm4b:s14+s4], $0x4000, $0x38;
	[tilespmem:$0x18080] =	vst v63  }
0x53f: {  	v9 =	vshll.u32 v8, $0x9  }
0x540: {  	v8 =	vshll.u32 v8, $0x7;
	v10 =	vand.u32 $0x3000, v9;
	[tilespmem:s28], [sflag:$0x3] =	stream.linear.gather [hbm4b:s16+s4], $0x4000, $0x38;
	[tilespmem:$0x18080] =	vst v63  }
0x541: {  	v8 =	vand.u32 $0x380, v8;
	v9 =	vadd.s32 v0, v10;
	_ =	swait.ge [sflag:s29], $0x4000  }
0x542: {  	v9 =	vor.u32 v8, v9;
	[sflag:s29] =	ssyncset.done $0x0  }
0x543: {  	[sflag:s29] =	ssyncadd.s32 $0xFFFFC000  }
0x544: {  	_ =	swait.ge [sflag:s29], $0x4000  }
0x545: {  	[sflag:s29] =	ssyncset.done $0x0  }
0x546: {  	[sflag:s29] =	ssyncadd.s32 $0xFFFFC000  }
0x547: {  	v61 =	vadd.s32 v1, v10;
	v11 =	vld.idx.msk [tilespmem:v9+s24+$0x0], $0xffff  }
0x548: {  	v12 =	vor.u32 v8, v61;
	_ =	sdelay $0x3  }
0x549: {  	[tilespmem:v9+s23+$0x0] =	vst.idx.msk $0xffff, v11  }
0x54a: {  	v11 =	vadd.s32 v2, v10;
	v9 =	vld.idx.msk [tilespmem:v12+s24+$0x0], $0xffff  }
0x54b: {  	v11 =	vor.u32 v8, v11;
	_ =	sdelay $0x3  }
0x54c: {  	[tilespmem:v12+s23+$0x0] =	vst.idx.msk $0xffff, v9  }
0x54d: {  	v62 =	vadd.s32 v3, v10;
	v9 =	vld.idx.msk [tilespmem:v11+s24+$0x0], $0xffff  }
0x54e: {  	v12 =	vor.u32 v8, v62;
	_ =	sdelay $0x3  }
0x54f: {  	[tilespmem:v11+s23+$0x0] =	vst.idx.msk $0xffff, v9  }
0x550: {  	v11 =	vadd.s32 v4, v10;
	v9 =	vld.idx.msk [tilespmem:v12+s24+$0x0], $0xffff  }
0x551: {  	v11 =	vor.u32 v8, v11;
	_ =	sdelay $0x3  }
0x552: {  	[tilespmem:v12+s23+$0x0] =	vst.idx.msk $0xffff, v9  }
0x553: {  	v63 =	vadd.s32 v5, v10;
	v9 =	vld.idx.msk [tilespmem:v11+s24+$0x0], $0xffff  }
0x554: {  	v12 =	vor.u32 v8, v63;
	_ =	sdelay $0x3  }
0x555: {  	[tilespmem:v11+s23+$0x0] =	vst.idx.msk $0xffff, v9  }
0x556: {  	v9 =	vadd.s32 v6, v10;
	v11 =	vld.idx.msk [tilespmem:v12+s24+$0x0], $0xffff  }
0x557: {  	v9 =	vor.u32 v8, v9;
	_ =	sdelay $0x3  }
0x558: {  	[tilespmem:v12+s23+$0x0] =	vst.idx.msk $0xffff, v11  }
0x559: {  	v11 =	vadd.s32 v7, v10;
	v10 =	vld.idx.msk [tilespmem:v9+s24+$0x0], $0xffff  }
0x55a: {  	v8 =	vor.u32 v8, v11;
	_ =	sdelay $0x1  }
0x55b: {  	s5 =	simm.s32 $0x1  }
0x55c: {  	s4 =	simm.s32 $0x2;
	v11 =	vmov s5  }
.LBB2_28:
0x55d: {  	p0 =	sne.s32 s4, $0x1F;
	v12 =	vshll.u32 v11, $0x9;
	[tilespmem:v9+s23+$0x0] =	vst.idx.msk $0xffff, v10  }
0x55e: {  	v9 =	vshll.u32 v11, $0x7;
	v12 =	vand.u32 $0x3000, v12;
	v10 =	vld.idx.msk [tilespmem:v8+s24+$0x0], $0xffff  }
0x55f: {  	v11 =	vand.u32 $0x380, v9;
	v9 =	vadd.s32 v0, v12  }
0x560: {  	v9 =	vor.u32 v11, v9;
	_ =	sdelay $0x3  }
0x561: {  	[tilespmem:v8+s23+$0x0] =	vst.idx.msk $0xffff, v10  }
0x562: {  	v8 =	vld.idx.msk [tilespmem:v9+s24+$0x0], $0xffff  }
0x563: {  	v10 =	vadd.s32 v1, v12  }
0x564: {  	v10 =	vor.u32 v11, v10;
	_ =	sdelay $0x3  }
0x565: {  	[tilespmem:v9+s23+$0x0] =	vst.idx.msk $0xffff, v8  }
0x566: {  	v8 =	vld.idx.msk [tilespmem:v10+s24+$0x0], $0xffff  }
0x567: {  	v9 =	vadd.s32 v2, v12  }
0x568: {  	v9 =	vor.u32 v11, v9;
	_ =	sdelay $0x3  }
0x569: {  	[tilespmem:v10+s23+$0x0] =	vst.idx.msk $0xffff, v8  }
0x56a: {  	v8 =	vld.idx.msk [tilespmem:v9+s24+$0x0], $0xffff  }
0x56b: {  	v10 =	vadd.s32 v3, v12  }
0x56c: {  	v10 =	vor.u32 v11, v10;
	_ =	sdelay $0x3  }
0x56d: {  	[tilespmem:v9+s23+$0x0] =	vst.idx.msk $0xffff, v8  }
0x56e: {  	v8 =	vld.idx.msk [tilespmem:v10+s24+$0x0], $0xffff  }
0x56f: {  	v9 =	vadd.s32 v4, v12  }
0x570: {  	v9 =	vor.u32 v11, v9;
	_ =	sdelay $0x3  }
0x571: {  	[tilespmem:v10+s23+$0x0] =	vst.idx.msk $0xffff, v8  }
0x572: {  	v8 =	vld.idx.msk [tilespmem:v9+s24+$0x0], $0xffff  }
0x573: {  	v10 =	vadd.s32 v5, v12  }
0x574: {  	v10 =	vor.u32 v11, v10;
	_ =	sdelay $0x3  }
0x575: {  	[tilespmem:v9+s23+$0x0] =	vst.idx.msk $0xffff, v8  }
0x576: {  	v8 =	vld.idx.msk [tilespmem:v10+s24+$0x0], $0xffff  }
0x577: {  	v9 =	vadd.s32 v6, v12  }
0x578: {  	v9 =	vor.u32 v11, v9;
	_ =	sdelay $0x3  }
0x579: {  	[tilespmem:v10+s23+$0x0] =	vst.idx.msk $0xffff, v8  }
0x57a: {  	v10 =	vld.idx.msk [tilespmem:v9+s24+$0x0], $0xffff  }
.Ltmp13:
0x57b: {  	v8 =	vadd.s32 v7, v12;
	(pc) =	sbr.rel @p0 .LBB2_28-.Ltmp13, $2  }
0x57c: {  	v8 =	vor.u32 v11, v8;
	_ =	sdelay $0x2  }
0x57d: {  	v11 =	vmov s4;
	s4 =	sadd.s32 $0x1, s4  }
0x57e: {  	_ =	sdelay $0x2  }
0x57f: {  	v12 =	vshll.u32 v11, $0x9  }
0x580: {  	[tilespmem:v9+s23+$0x0] =	vst.idx.msk $0xffff, v10;
	v10 =	vshll.u32 v11, $0x7;
	v9 =	vand.u32 $0x3000, v12  }
0x581: {  	v11 =	vld.idx.msk [tilespmem:v8+s24+$0x0], $0xffff;
	v10 =	vand.u32 $0x380, v10;
	v12 =	vadd.s32 v0, v9  }
0x582: {  	v12 =	vor.u32 v10, v12;
	_ =	sdelay $0x3  }
0x583: {  	[tilespmem:v8+s23+$0x0] =	vst.idx.msk $0xffff, v11  }
0x584: {  	v11 =	vadd.s32 v1, v9;
	v8 =	vld.idx.msk [tilespmem:v12+s24+$0x0], $0xffff  }
0x585: {  	v11 =	vor.u32 v10, v11;
	_ =	sdelay $0x3  }
0x586: {  	[tilespmem:v12+s23+$0x0] =	vst.idx.msk $0xffff, v8  }
0x587: {  	v58 =	vadd.s32 v2, v9;
	v8 =	vld.idx.msk [tilespmem:v11+s24+$0x0], $0xffff  }
0x588: {  	v12 =	vor.u32 v10, v58;
	_ =	sdelay $0x3  }
0x589: {  	[tilespmem:v11+s23+$0x0] =	vst.idx.msk $0xffff, v8  }
0x58a: {  	v11 =	vadd.s32 v3, v9;
	v8 =	vld.idx.msk [tilespmem:v12+s24+$0x0], $0xffff  }
0x58b: {  	v11 =	vor.u32 v10, v11;
	_ =	sdelay $0x3  }
0x58c: {  	[tilespmem:v12+s23+$0x0] =	vst.idx.msk $0xffff, v8  }
0x58d: {  	v59 =	vadd.s32 v4, v9;
	v8 =	vld.idx.msk [tilespmem:v11+s24+$0x0], $0xffff  }
0x58e: {  	v12 =	vor.u32 v10, v59;
	_ =	sdelay $0x3  }
0x58f: {  	[tilespmem:v11+s23+$0x0] =	vst.idx.msk $0xffff, v8  }
0x590: {  	v11 =	vadd.s32 v5, v9;
	v8 =	vld.idx.msk [tilespmem:v12+s24+$0x0], $0xffff  }
0x591: {  	v11 =	vor.u32 v10, v11;
	_ =	sdelay $0x3  }
0x592: {  	[tilespmem:v12+s23+$0x0] =	vst.idx.msk $0xffff, v8  }
0x593: {  	v60 =	vadd.s32 v6, v9;
	v8 =	vld.idx.msk [tilespmem:v11+s24+$0x0], $0xffff  }
0x594: {  	v12 =	vor.u32 v10, v60;
	_ =	sdelay $0x3  }
0x595: {  	[tilespmem:v11+s23+$0x0] =	vst.idx.msk $0xffff, v8  }
0x596: {  	v9 =	vadd.s32 v7, v9;
	v8 =	vld.idx.msk [tilespmem:v12+s24+$0x0], $0xffff  }
0x597: {  	v9 =	vor.u32 v10, v9;
	_ =	sdelay $0x3  }
0x598: {  	[tilespmem:v12+s23+$0x0] =	vst.idx.msk $0xffff, v8  }
0x599: {  	v8 =	vld.idx.msk [tilespmem:v9+s24+$0x0], $0xffff;
	_ =	sdelay $0x4  }
0x59a: {  	s4 =	simm.s32 $0x0;
	[tilespmem:v9+s23+$0x0] =	vst.idx.msk $0xffff, v8  }
0x59b: {  	[hbm4b:s10+s4] =	stream.linear.scatter [tilespmem:s23], [sflag:$0x5], $0x4000, $0x38;
	[tilespmem:$0x18080] =	vst v63  }
0x59c: {  	_ =	swait.ge [sflag:s30], $0x4000  }
0x59d: {  	[sflag:s30] =	ssyncset.done $0x0  }
0x59e: {  	[sflag:s30] =	ssyncadd.s32 $0xFFFFC000  }
0x59f: {  	v8 =	vmov s4;
	[tilespmem:s4], [sflag:$0x1] =	stream.linear.gather [hbm4b:s15+s4], $0x4000, $0x38;
	[tilespmem:$0x18080] =	vst v63  }
0x5a0: {  	v9 =	vshll.u32 v8, $0x9  }
0x5a1: {  	v8 =	vshll.u32 v8, $0x7;
	v10 =	vand.u32 $0x3000, v9;
	[tilespmem:s22], [sflag:$0x1] =	stream.linear.gather [hbm4b:s17+s4], $0x4000, $0x38;
	[tilespmem:$0x18080] =	vst v63  }
0x5a2: {  	v8 =	vand.u32 $0x380, v8;
	v9 =	vadd.s32 v0, v10;
	_ =	swait.ge [sflag:s31], $0x4000  }
0x5a3: {  	v9 =	vor.u32 v8, v9;
	[sflag:s31] =	ssyncset.done $0x0  }
0x5a4: {  	[sflag:s31] =	ssyncadd.s32 $0xFFFFC000  }
0x5a5: {  	_ =	swait.ge [sflag:s31], $0x4000  }
0x5a6: {  	[sflag:s31] =	ssyncset.done $0x0  }
0x5a7: {  	[sflag:s31] =	ssyncadd.s32 $0xFFFFC000  }
0x5a8: {  	v61 =	vadd.s32 v1, v10;
	v11 =	vld.idx.msk [tilespmem:v9+s28+$0x0], $0xffff  }
0x5a9: {  	v12 =	vor.u32 v8, v61;
	_ =	sdelay $0x3  }
0x5aa: {  	[tilespmem:v9+s26+$0x0] =	vst.idx.msk $0xffff, v11  }
0x5ab: {  	v11 =	vadd.s32 v2, v10;
	v9 =	vld.idx.msk [tilespmem:v12+s28+$0x0], $0xffff  }
0x5ac: {  	v11 =	vor.u32 v8, v11;
	_ =	sdelay $0x3  }
0x5ad: {  	[tilespmem:v12+s26+$0x0] =	vst.idx.msk $0xffff, v9  }
0x5ae: {  	v62 =	vadd.s32 v3, v10;
	v9 =	vld.idx.msk [tilespmem:v11+s28+$0x0], $0xffff  }
0x5af: {  	v12 =	vor.u32 v8, v62;
	_ =	sdelay $0x3  }
0x5b0: {  	[tilespmem:v11+s26+$0x0] =	vst.idx.msk $0xffff, v9  }
0x5b1: {  	v11 =	vadd.s32 v4, v10;
	v9 =	vld.idx.msk [tilespmem:v12+s28+$0x0], $0xffff  }
0x5b2: {  	v11 =	vor.u32 v8, v11;
	_ =	sdelay $0x3  }
0x5b3: {  	[tilespmem:v12+s26+$0x0] =	vst.idx.msk $0xffff, v9  }
0x5b4: {  	v63 =	vadd.s32 v5, v10;
	v9 =	vld.idx.msk [tilespmem:v11+s28+$0x0], $0xffff  }
0x5b5: {  	v12 =	vor.u32 v8, v63;
	_ =	sdelay $0x3  }
0x5b6: {  	[tilespmem:v11+s26+$0x0] =	vst.idx.msk $0xffff, v9  }
0x5b7: {  	v9 =	vadd.s32 v6, v10;
	v11 =	vld.idx.msk [tilespmem:v12+s28+$0x0], $0xffff  }
0x5b8: {  	v9 =	vor.u32 v8, v9;
	_ =	sdelay $0x3  }
0x5b9: {  	[tilespmem:v12+s26+$0x0] =	vst.idx.msk $0xffff, v11  }
0x5ba: {  	v11 =	vadd.s32 v7, v10;
	v10 =	vld.idx.msk [tilespmem:v9+s28+$0x0], $0xffff  }
0x5bb: {  	v8 =	vor.u32 v8, v11;
	_ =	sdelay $0x1  }
0x5bc: {  	s5 =	simm.s32 $0x1  }
0x5bd: {  	s4 =	simm.s32 $0x2;
	v11 =	vmov s5  }
.LBB2_30:
0x5be: {  	p0 =	sne.s32 s4, $0x1F;
	v12 =	vshll.u32 v11, $0x9;
	[tilespmem:v9+s26+$0x0] =	vst.idx.msk $0xffff, v10  }
0x5bf: {  	v9 =	vshll.u32 v11, $0x7;
	v12 =	vand.u32 $0x3000, v12;
	v10 =	vld.idx.msk [tilespmem:v8+s28+$0x0], $0xffff  }
0x5c0: {  	v11 =	vand.u32 $0x380, v9;
	v9 =	vadd.s32 v0, v12  }
0x5c1: {  	v9 =	vor.u32 v11, v9;
	_ =	sdelay $0x3  }
0x5c2: {  	[tilespmem:v8+s26+$0x0] =	vst.idx.msk $0xffff, v10  }
0x5c3: {  	v8 =	vld.idx.msk [tilespmem:v9+s28+$0x0], $0xffff  }
0x5c4: {  	v10 =	vadd.s32 v1, v12  }
0x5c5: {  	v10 =	vor.u32 v11, v10;
	_ =	sdelay $0x3  }
0x5c6: {  	[tilespmem:v9+s26+$0x0] =	vst.idx.msk $0xffff, v8  }
0x5c7: {  	v8 =	vld.idx.msk [tilespmem:v10+s28+$0x0], $0xffff  }
0x5c8: {  	v9 =	vadd.s32 v2, v12  }
0x5c9: {  	v9 =	vor.u32 v11, v9;
	_ =	sdelay $0x3  }
0x5ca: {  	[tilespmem:v10+s26+$0x0] =	vst.idx.msk $0xffff, v8  }
0x5cb: {  	v8 =	vld.idx.msk [tilespmem:v9+s28+$0x0], $0xffff  }
0x5cc: {  	v10 =	vadd.s32 v3, v12  }
0x5cd: {  	v10 =	vor.u32 v11, v10;
	_ =	sdelay $0x3  }
0x5ce: {  	[tilespmem:v9+s26+$0x0] =	vst.idx.msk $0xffff, v8  }
0x5cf: {  	v8 =	vld.idx.msk [tilespmem:v10+s28+$0x0], $0xffff  }
0x5d0: {  	v9 =	vadd.s32 v4, v12  }
0x5d1: {  	v9 =	vor.u32 v11, v9;
	_ =	sdelay $0x3  }
0x5d2: {  	[tilespmem:v10+s26+$0x0] =	vst.idx.msk $0xffff, v8  }
0x5d3: {  	v8 =	vld.idx.msk [tilespmem:v9+s28+$0x0], $0xffff  }
0x5d4: {  	v10 =	vadd.s32 v5, v12  }
0x5d5: {  	v10 =	vor.u32 v11, v10;
	_ =	sdelay $0x3  }
0x5d6: {  	[tilespmem:v9+s26+$0x0] =	vst.idx.msk $0xffff, v8  }
0x5d7: {  	v8 =	vld.idx.msk [tilespmem:v10+s28+$0x0], $0xffff  }
0x5d8: {  	v9 =	vadd.s32 v6, v12  }
0x5d9: {  	v9 =	vor.u32 v11, v9;
	_ =	sdelay $0x3  }
0x5da: {  	[tilespmem:v10+s26+$0x0] =	vst.idx.msk $0xffff, v8  }
0x5db: {  	v10 =	vld.idx.msk [tilespmem:v9+s28+$0x0], $0xffff  }
.Ltmp14:
0x5dc: {  	v8 =	vadd.s32 v7, v12;
	(pc) =	sbr.rel @p0 .LBB2_30-.Ltmp14, $2  }
0x5dd: {  	v8 =	vor.u32 v11, v8;
	_ =	sdelay $0x2  }
0x5de: {  	v11 =	vmov s4;
	s4 =	sadd.s32 $0x1, s4  }
0x5df: {  	_ =	sdelay $0x2  }
0x5e0: {  	v12 =	vshll.u32 v11, $0x9  }
0x5e1: {  	[tilespmem:v9+s26+$0x0] =	vst.idx.msk $0xffff, v10;
	v10 =	vshll.u32 v11, $0x7;
	v9 =	vand.u32 $0x3000, v12  }
0x5e2: {  	v11 =	vld.idx.msk [tilespmem:v8+s28+$0x0], $0xffff;
	v10 =	vand.u32 $0x380, v10;
	v12 =	vadd.s32 v0, v9  }
0x5e3: {  	v12 =	vor.u32 v10, v12;
	_ =	sdelay $0x3  }
0x5e4: {  	[tilespmem:v8+s26+$0x0] =	vst.idx.msk $0xffff, v11  }
0x5e5: {  	v11 =	vadd.s32 v1, v9;
	v8 =	vld.idx.msk [tilespmem:v12+s28+$0x0], $0xffff  }
0x5e6: {  	v11 =	vor.u32 v10, v11;
	_ =	sdelay $0x3  }
0x5e7: {  	[tilespmem:v12+s26+$0x0] =	vst.idx.msk $0xffff, v8  }
0x5e8: {  	v58 =	vadd.s32 v2, v9;
	v8 =	vld.idx.msk [tilespmem:v11+s28+$0x0], $0xffff  }
0x5e9: {  	v12 =	vor.u32 v10, v58;
	_ =	sdelay $0x3  }
0x5ea: {  	[tilespmem:v11+s26+$0x0] =	vst.idx.msk $0xffff, v8  }
0x5eb: {  	v11 =	vadd.s32 v3, v9;
	v8 =	vld.idx.msk [tilespmem:v12+s28+$0x0], $0xffff  }
0x5ec: {  	v11 =	vor.u32 v10, v11;
	_ =	sdelay $0x3  }
0x5ed: {  	[tilespmem:v12+s26+$0x0] =	vst.idx.msk $0xffff, v8  }
0x5ee: {  	v59 =	vadd.s32 v4, v9;
	v8 =	vld.idx.msk [tilespmem:v11+s28+$0x0], $0xffff  }
0x5ef: {  	v12 =	vor.u32 v10, v59;
	_ =	sdelay $0x3  }
0x5f0: {  	[tilespmem:v11+s26+$0x0] =	vst.idx.msk $0xffff, v8  }
0x5f1: {  	v11 =	vadd.s32 v5, v9;
	v8 =	vld.idx.msk [tilespmem:v12+s28+$0x0], $0xffff  }
0x5f2: {  	v11 =	vor.u32 v10, v11;
	_ =	sdelay $0x3  }
0x5f3: {  	[tilespmem:v12+s26+$0x0] =	vst.idx.msk $0xffff, v8  }
0x5f4: {  	v60 =	vadd.s32 v6, v9;
	v8 =	vld.idx.msk [tilespmem:v11+s28+$0x0], $0xffff  }
0x5f5: {  	v12 =	vor.u32 v10, v60;
	_ =	sdelay $0x3  }
0x5f6: {  	[tilespmem:v11+s26+$0x0] =	vst.idx.msk $0xffff, v8  }
0x5f7: {  	v9 =	vadd.s32 v7, v9;
	v8 =	vld.idx.msk [tilespmem:v12+s28+$0x0], $0xffff  }
0x5f8: {  	v9 =	vor.u32 v10, v9;
	_ =	sdelay $0x3  }
0x5f9: {  	[tilespmem:v12+s26+$0x0] =	vst.idx.msk $0xffff, v8  }
0x5fa: {  	v8 =	vld.idx.msk [tilespmem:v9+s28+$0x0], $0xffff;
	_ =	sdelay $0x2  }
0x5fb: {  	s4 =	simm.s32 $0x0  }
0x5fc: {  	v10 =	vmov s4  }
0x5fd: {  	[tilespmem:v9+s26+$0x0] =	vst.idx.msk $0xffff, v8;
	v8 =	vshll.u32 v10, $0x9  }
0x5fe: {  	v9 =	vshll.u32 v10, $0x7;
	[hbm4b:s18+s4] =	stream.linear.scatter [tilespmem:s26], [sflag:$0x6], $0x4000, $0x38;
	v8 =	vand.u32 $0x3000, v8;
	[tilespmem:$0x18080] =	vst v63  }
0x5ff: {  	v11 =	vand.u32 $0x380, v9;
	_ =	swait.ge [sflag:s25], $0x4000;
	v9 =	vadd.s32 v0, v8  }
0x600: {  	[sflag:s25] =	ssyncset.done $0x0;
	v9 =	vor.u32 v11, v9  }
0x601: {  	[sflag:s25] =	ssyncadd.s32 $0xFFFFC000  }
0x602: {  	_ =	swait.ge [sflag:s25], $0x4000  }
0x603: {  	[sflag:s25] =	ssyncset.done $0x0  }
0x604: {  	[sflag:s25] =	ssyncadd.s32 $0xFFFFC000  }
0x605: {  	v61 =	vadd.s32 v1, v8;
	v10 =	vld.idx.msk [tilespmem:v9+s22+$0x0], $0xffff  }
0x606: {  	v12 =	vor.u32 v11, v61;
	_ =	sdelay $0x3  }
0x607: {  	[tilespmem:v9+s1+$0x0] =	vst.idx.msk $0xffff, v10  }
0x608: {  	v10 =	vadd.s32 v2, v8;
	v9 =	vld.idx.msk [tilespmem:v12+s22+$0x0], $0xffff  }
0x609: {  	v10 =	vor.u32 v11, v10;
	_ =	sdelay $0x3  }
0x60a: {  	[tilespmem:v12+s1+$0x0] =	vst.idx.msk $0xffff, v9  }
0x60b: {  	v62 =	vadd.s32 v3, v8;
	v9 =	vld.idx.msk [tilespmem:v10+s22+$0x0], $0xffff  }
0x60c: {  	v12 =	vor.u32 v11, v62;
	_ =	sdelay $0x3  }
0x60d: {  	[tilespmem:v10+s1+$0x0] =	vst.idx.msk $0xffff, v9  }
0x60e: {  	v10 =	vadd.s32 v4, v8;
	v9 =	vld.idx.msk [tilespmem:v12+s22+$0x0], $0xffff  }
0x60f: {  	v10 =	vor.u32 v11, v10;
	_ =	sdelay $0x3  }
0x610: {  	[tilespmem:v12+s1+$0x0] =	vst.idx.msk $0xffff, v9  }
0x611: {  	v63 =	vadd.s32 v5, v8;
	v9 =	vld.idx.msk [tilespmem:v10+s22+$0x0], $0xffff  }
0x612: {  	v12 =	vor.u32 v11, v63;
	_ =	sdelay $0x3  }
0x613: {  	[tilespmem:v10+s1+$0x0] =	vst.idx.msk $0xffff, v9  }
0x614: {  	v9 =	vadd.s32 v6, v8;
	v10 =	vld.idx.msk [tilespmem:v12+s22+$0x0], $0xffff  }
0x615: {  	v9 =	vor.u32 v11, v9;
	_ =	sdelay $0x3  }
0x616: {  	[tilespmem:v12+s1+$0x0] =	vst.idx.msk $0xffff, v10  }
0x617: {  	v8 =	vadd.s32 v7, v8;
	v10 =	vld.idx.msk [tilespmem:v9+s22+$0x0], $0xffff  }
0x618: {  	v8 =	vor.u32 v11, v8;
	_ =	sdelay $0x1  }
0x619: {  	s5 =	simm.s32 $0x1  }
0x61a: {  	s4 =	simm.s32 $0x2;
	v11 =	vmov s5  }
.LBB2_32:
0x61b: {  	p0 =	sne.s32 s4, $0x1F;
	v12 =	vshll.u32 v11, $0x9;
	[tilespmem:v9+s1+$0x0] =	vst.idx.msk $0xffff, v10  }
0x61c: {  	v9 =	vshll.u32 v11, $0x7;
	v12 =	vand.u32 $0x3000, v12;
	v10 =	vld.idx.msk [tilespmem:v8+s22+$0x0], $0xffff  }
0x61d: {  	v11 =	vand.u32 $0x380, v9;
	v9 =	vadd.s32 v0, v12  }
0x61e: {  	v9 =	vor.u32 v11, v9;
	_ =	sdelay $0x3  }
0x61f: {  	[tilespmem:v8+s1+$0x0] =	vst.idx.msk $0xffff, v10  }
0x620: {  	v8 =	vld.idx.msk [tilespmem:v9+s22+$0x0], $0xffff  }
0x621: {  	v10 =	vadd.s32 v1, v12  }
0x622: {  	v10 =	vor.u32 v11, v10;
	_ =	sdelay $0x3  }
0x623: {  	[tilespmem:v9+s1+$0x0] =	vst.idx.msk $0xffff, v8  }
0x624: {  	v8 =	vld.idx.msk [tilespmem:v10+s22+$0x0], $0xffff  }
0x625: {  	v9 =	vadd.s32 v2, v12  }
0x626: {  	v9 =	vor.u32 v11, v9;
	_ =	sdelay $0x3  }
0x627: {  	[tilespmem:v10+s1+$0x0] =	vst.idx.msk $0xffff, v8  }
0x628: {  	v8 =	vld.idx.msk [tilespmem:v9+s22+$0x0], $0xffff  }
0x629: {  	v10 =	vadd.s32 v3, v12  }
0x62a: {  	v10 =	vor.u32 v11, v10;
	_ =	sdelay $0x3  }
0x62b: {  	[tilespmem:v9+s1+$0x0] =	vst.idx.msk $0xffff, v8  }
0x62c: {  	v8 =	vld.idx.msk [tilespmem:v10+s22+$0x0], $0xffff  }
0x62d: {  	v9 =	vadd.s32 v4, v12  }
0x62e: {  	v9 =	vor.u32 v11, v9;
	_ =	sdelay $0x3  }
0x62f: {  	[tilespmem:v10+s1+$0x0] =	vst.idx.msk $0xffff, v8  }
0x630: {  	v8 =	vld.idx.msk [tilespmem:v9+s22+$0x0], $0xffff  }
0x631: {  	v10 =	vadd.s32 v5, v12  }
0x632: {  	v10 =	vor.u32 v11, v10;
	_ =	sdelay $0x3  }
0x633: {  	[tilespmem:v9+s1+$0x0] =	vst.idx.msk $0xffff, v8  }
0x634: {  	v8 =	vld.idx.msk [tilespmem:v10+s22+$0x0], $0xffff  }
0x635: {  	v9 =	vadd.s32 v6, v12  }
0x636: {  	v9 =	vor.u32 v11, v9;
	_ =	sdelay $0x3  }
0x637: {  	[tilespmem:v10+s1+$0x0] =	vst.idx.msk $0xffff, v8  }
0x638: {  	v10 =	vld.idx.msk [tilespmem:v9+s22+$0x0], $0xffff  }
.Ltmp15:
0x639: {  	v8 =	vadd.s32 v7, v12;
	(pc) =	sbr.rel @p0 .LBB2_32-.Ltmp15, $2  }
0x63a: {  	v8 =	vor.u32 v11, v8;
	_ =	sdelay $0x2  }
0x63b: {  	v11 =	vmov s4;
	s4 =	sadd.s32 $0x1, s4  }
0x63c: {  	_ =	sdelay $0x2  }
0x63d: {  	v12 =	vshll.u32 v11, $0x9  }
0x63e: {  	[tilespmem:v9+s1+$0x0] =	vst.idx.msk $0xffff, v10;
	v57 =	vshll.u32 v11, $0x7;
	v56 =	vand.u32 $0x3000, v12  }
0x63f: {  	v58 =	vld.idx.msk [tilespmem:v8+s22+$0x0], $0xffff;
	v10 =	vand.u32 $0x380, v57;
	v0 =	vadd.s32 v0, v56  }
0x640: {  	v0 =	vor.u32 v10, v0;
	_ =	sdelay $0x3  }
0x641: {  	[tilespmem:v8+s1+$0x0] =	vst.idx.msk $0xffff, v58  }
0x642: {  	v1 =	vadd.s32 v1, v56;
	v8 =	vld.idx.msk [tilespmem:v0+s22+$0x0], $0xffff  }
0x643: {  	v1 =	vor.u32 v10, v1;
	_ =	sdelay $0x3  }
0x644: {  	[tilespmem:v0+s1+$0x0] =	vst.idx.msk $0xffff, v8  }
0x645: {  	v2 =	vadd.s32 v2, v56;
	v0 =	vld.idx.msk [tilespmem:v1+s22+$0x0], $0xffff  }
0x646: {  	v2 =	vor.u32 v10, v2;
	_ =	sdelay $0x3  }
0x647: {  	[tilespmem:v1+s1+$0x0] =	vst.idx.msk $0xffff, v0  }
0x648: {  	v59 =	vadd.s32 v3, v56;
	v0 =	vld.idx.msk [tilespmem:v2+s22+$0x0], $0xffff  }
0x649: {  	v1 =	vor.u32 v10, v59;
	_ =	sdelay $0x3  }
0x64a: {  	[tilespmem:v2+s1+$0x0] =	vst.idx.msk $0xffff, v0  }
0x64b: {  	v60 =	vadd.s32 v4, v56;
	v0 =	vld.idx.msk [tilespmem:v1+s22+$0x0], $0xffff  }
0x64c: {  	v2 =	vor.u32 v10, v60;
	_ =	sdelay $0x3  }
0x64d: {  	[tilespmem:v1+s1+$0x0] =	vst.idx.msk $0xffff, v0  }
0x64e: {  	v61 =	vadd.s32 v5, v56;
	v0 =	vld.idx.msk [tilespmem:v2+s22+$0x0], $0xffff  }
0x64f: {  	v1 =	vor.u32 v10, v61;
	_ =	sdelay $0x3  }
0x650: {  	[tilespmem:v2+s1+$0x0] =	vst.idx.msk $0xffff, v0  }
0x651: {  	v62 =	vadd.s32 v6, v56;
	v0 =	vld.idx.msk [tilespmem:v1+s22+$0x0], $0xffff  }
0x652: {  	v2 =	vor.u32 v10, v62;
	_ =	sdelay $0x3  }
0x653: {  	[tilespmem:v1+s1+$0x0] =	vst.idx.msk $0xffff, v0  }
0x654: {  	v63 =	vadd.s32 v7, v56;
	v0 =	vld.idx.msk [tilespmem:v2+s22+$0x0], $0xffff  }
0x655: {  	v1 =	vor.u32 v10, v63;
	_ =	sdelay $0x3  }
0x656: {  	[tilespmem:v2+s1+$0x0] =	vst.idx.msk $0xffff, v0  }
0x657: {  	v0 =	vld.idx.msk [tilespmem:v1+s22+$0x0], $0xffff;
	_ =	sdelay $0x4  }
0x658: {  	[tilespmem:v1+s1+$0x0] =	vst.idx.msk $0xffff, v0  }
0x659: {  	[hbm4b:s19+s1] =	stream.linear.scatter [tilespmem:s1], [sflag:$0x4], $0x4000, $0x38;
	[tilespmem:$0x18080] =	vst v63  }
0x65a: {  	_ =	swait.ge [sflag:s0], $0x4000  }
0x65b: {  	[sflag:s0] =	ssyncset.done $0x0  }
0x65c: {  	s3 =	sadd.s32 $0x1, s3;
	[sflag:s0] =	ssyncadd.s32 $0xFFFFC000  }
0x65d: {  	p0 =	sne.s32 s3, s20;
	_ =	swait.ge [sflag:s2], $0x4000  }
.Ltmp16:
0x65e: {  	[sflag:s2] =	ssyncset.done $0x0;
	(pc) =	sbr.rel @p0 .LBB2_1-.Ltmp16, $4  }
0x65f: {  	[sflag:s2] =	ssyncadd.s32 $0xFFFFC000  }
0x660: {  	_ =	swait.ge [sflag:s30], $0x4000  }
0x661: {  	[sflag:s30] =	ssyncset.done $0x0  }
0x662: {  	[sflag:s30] =	ssyncadd.s32 $0xFFFFC000  }
0x663: {  	_ =	sfence.sel $0x180000  }
0x664: {  	[bflag:$0x0] =	sbarrier.arrive $0xFFFF  }
0x665: {  	_ =	strace $0x90000047  }
0x666: {  	s0 =	stileid.u32;
	[bflag:$0x2] =	sbarrier.arrive $0xFFFF  }
0x667: {  	p0 =	sne.s32 s0, $0x0;
	s0 =	rddreg [dreg:$0x4]  }
0x668: {  	s0 =	sadd.s32 @!p0 $0x100000, s0  }
0x669: {  	[sflag:s0] =	ssyncadd.tile.s32 @!p0 $0x1;
	_ =	shalt  }
.Lfunc_end2:
_tile_overlayer_lowered:
.L_overlay_start_2:
0x66a: {  	(tag) =	ssettag $0x2  }
0x66b: {  	s0 =	rddreg [dreg:$0x0];
	s2 =	stileid.u32  }
0x66c: {  	s1 =	rddreg [dreg:$0x1];
	p0 =	sne.s32 s2, $0x0  }
0x66d: {  	s3 =	rddreg [dreg:$0x2];
	[bflag:$0x3] =	sbarrier.arrive $0xFFFF;
	s2 =	simm.s32 @!p0 $0x1C07  }
0x66e: {  	[timem:s3], [sflag:s2] =	dma.local @!p0 [hbm:s0], s1  }
0x66f: {  	s0 =	simm.s32 @!p0 $0x7  }
0x670: {  	_ =	swait.ge @!p0 [sflag:s0], s1  }
0x671: {  	s1 =	ssub.s32 @!p0 $0x0, s1;
	[sflag:s0] =	ssyncset.done @!p0 $0x0  }
0x672: {  	[sflag:s0] =	ssyncadd.s32 @!p0 s1  }
0x673: {  	[bflag:$0x3] =	sbarrier.arrive $0xFFFF  }
0x674: {  	_ =	shalt  }

</sc_bundles>
